<compile_context>
chip_gen: v7x
topology: tpu7x:2x2x1
jax: 0.10.2.dev20260603
libtpu: 0.0.44.dev20260713+nightly
codegen_flags: <defaults>
</compile_context>

<pallas_src>
import functools

import jax
import jax.numpy as jnp
from jax import lax
from jax.experimental import pallas as pl
from jax.experimental.pallas import tpu as pltpu
from jax.experimental.pallas import tpu_sc as plsc

N_NODES = 10000
N_EDGES = 320000
D_FEAT = 128
D_EDGE = 4
D_EDGE_PAD = 16

NC = 2
NS = 16
NW = NC * NS

ROWS_PAD = 10240
ROWS_PER_TILE = ROWS_PAD // NS
DUMMY_ROW = 10200
EDGES_PER_WORKER = N_EDGES // NW
MEGA = 400
N_MEGA = EDGES_PER_WORKER // MEGA
SUB = 80
N_SUB = MEGA // SUB
VECS_PER_MEGA = MEGA // 16
RBG = 2
RBE = 2


def _make_sc_kernel():
    mesh = plsc.VectorSubcoreMesh(core_axis_name="c", subcore_axis_name="s")

    @functools.partial(
        pl.kernel,
        out_type=[
            jax.ShapeDtypeStruct((NC, ROWS_PAD, D_FEAT), jnp.float32),
            jax.ShapeDtypeStruct((NC, ROWS_PAD, D_EDGE_PAD), jnp.float32),
        ],
        mesh=mesh,
        compiler_params=pltpu.CompilerParams(
            needs_layout_passes=False, use_tc_tiling_on_sc=False),
        scratch_types=[
            pltpu.VMEM((N_NODES,), jnp.int32),
            pltpu.VMEM((2, MEGA), jnp.int32),
            pltpu.VMEM((2, MEGA), jnp.int32),
            pltpu.VMEM((2, D_EDGE, MEGA), jnp.float32),
            pltpu.VMEM((RBE, SUB, D_EDGE_PAD), jnp.float32),
            pltpu.VMEM((2, N_SUB, SUB), jnp.int32),
            pltpu.VMEM((RBG, SUB, D_FEAT), jnp.float32),
            pltpu.VMEM_SHARED((ROWS_PAD, D_FEAT), jnp.float32),
            pltpu.VMEM_SHARED((ROWS_PAD, D_EDGE_PAD), jnp.float32),
            pltpu.SemaphoreType.DMA((3,)),
            pltpu.SemaphoreType.DMA((RBG,)),
            pltpu.SemaphoreType.DMA((RBG,)),
            pltpu.SemaphoreType.DMA((RBE,)),
        ],
    )
    def sc_kernel(x_hbm, ei_hbm, ea_hbm, mask_hbm, zg_hbm, ze_hbm,
                  g_out, e_out,
                  mask_v, srcb, dstb, eacolb, ea16, effb, rows, g_sh, e_sh,
                  stsem, gsem, sgsem, sesem):
        cid = lax.axis_index("c")
        sid = lax.axis_index("s")
        wid = cid * NS + sid
        r0 = sid * ROWS_PER_TILE

        pltpu.sync_copy(zg_hbm.at[pl.ds(r0, ROWS_PER_TILE)],
                        g_sh.at[pl.ds(r0, ROWS_PER_TILE)])
        pltpu.sync_copy(ze_hbm.at[pl.ds(r0, ROWS_PER_TILE)],
                        e_sh.at[pl.ds(r0, ROWS_PER_TILE)])
        for j in range(RBE):
            pltpu.sync_copy(ze_hbm.at[pl.ds(0, SUB)], ea16.at[j])
        pltpu.sync_copy(mask_hbm, mask_v)

        plsc.subcore_barrier()

        lane = lax.iota(jnp.int32, 16)

        ebase = wid * EDGES_PER_WORKER

        def stage_start(pp, mm):
            b = ebase + mm * MEGA
            return [
                pltpu.make_async_copy(ei_hbm.at[0, pl.ds(b, MEGA)],
                                      srcb.at[pp], stsem.at[0]),
                pltpu.make_async_copy(ei_hbm.at[1, pl.ds(b, MEGA)],
                                      dstb.at[pp], stsem.at[1]),
                pltpu.make_async_copy(ea_hbm.at[:, pl.ds(b, MEGA)],
                                      eacolb.at[pp], stsem.at[2]),
            ]

        def eff_iters(qq, lo, hi):
            def body(i, _):
                sv = srcb[qq, pl.ds(i * 16, 16)]
                dv = dstb[qq, pl.ds(i * 16, 16)]
                ms = plsc.load_gather(mask_v, [sv])
                md = plsc.load_gather(mask_v, [dv])
                keep = (ms & md) > 0
                effb[qq, i // 5, pl.ds((i % 5) * 16, 16)] = (
                    jnp.where(keep, dv, DUMMY_ROW))
                return 0
            lax.fori_loop(lo, hi, body, 0)

        for d in stage_start(0, 0):
            d.start()
            d.wait()
        eff_iters(0, 0, VECS_PER_MEGA)

        def mega_body(m, _):
            p = m % 2
            q = 1 - p
            m_next = jnp.minimum(m + 1, N_MEGA - 1)

            stage_descs = stage_start(q, m_next)
            for d in stage_descs:
                d.start()

            def gstart(j):
                d = pltpu.make_async_copy(
                    x_hbm.at[srcb.at[p, pl.ds(j * SUB, SUB)]],
                    rows.at[j % RBG], gsem.at[j % RBG])
                d.start()
                return d

            def widen(j, pp):
                slot = jnp.full((16,), j % RBE, jnp.int32)
                for jc in range(D_EDGE):
                    colv = jnp.full((16,), jc, jnp.int32)
                    for i in range(SUB // 16):
                        v = eacolb[pp, jc, pl.ds(j * SUB + i * 16, 16)]
                        plsc.store_scatter(ea16, [slot, i * 16 + lane, colv], v)

            gd = [None] * N_SUB
            sg = [None] * N_SUB
            se = [None] * N_SUB
            gd[0] = gstart(0)
            for k in range(N_SUB):
                if k >= 1:
                    sg[k - 1].wait()
                    se[k - 1].wait()
                if k + 1 < N_SUB:
                    gd[k + 1] = gstart(k + 1)
                widen(k, p)
                gd[k].wait()
                idx = effb.at[p, k]
                sg[k] = pltpu.make_async_copy(rows.at[k % RBG],
                                              g_sh.at[idx], sgsem.at[k % RBG])
                sg[k].start(add=True)
                se[k] = pltpu.make_async_copy(ea16.at[k % RBE],
                                              e_sh.at[idx], sesem.at[k % RBE])
                se[k].start(add=True)
                if k == 1:
                    for d in stage_descs:
                        d.wait()
                elif k >= 2:
                    lo = (k - 2) * 9
                    hi = min(VECS_PER_MEGA, lo + 9)
                    eff_iters(q, lo, hi)
            sg[N_SUB - 1].wait()
            se[N_SUB - 1].wait()
            return 0

        lax.fori_loop(0, N_MEGA, mega_body, 0)

        plsc.subcore_barrier()

        pltpu.sync_copy(g_sh.at[pl.ds(r0, ROWS_PER_TILE)],
                        g_out.at[cid, pl.ds(r0, ROWS_PER_TILE)])
        pltpu.sync_copy(e_sh.at[pl.ds(r0, ROWS_PER_TILE)],
                        e_out.at[cid, pl.ds(r0, ROWS_PER_TILE)])

    return sc_kernel


def _dense_body(x_ref, gp_ref, ep_ref, ws_ref, wn_ref, we_ref, b_ref, m_ref, o_ref):
    g = gp_ref[0] + gp_ref[1]
    e = ep_ref[0] + ep_ref[1]
    acc = jnp.dot(x_ref[...], ws_ref[...], preferred_element_type=jnp.float32)
    acc = acc + jnp.dot(g, wn_ref[...], preferred_element_type=jnp.float32)
    acc = acc + jnp.dot(e, we_ref[...], preferred_element_type=jnp.float32)
    acc = acc + b_ref[...]
    o_ref[...] = jnp.maximum(acc, 0.0) * m_ref[...]


_R = 400


def _dense_call(x, gp, ep, W_self, W_nbr, W_edge, b2, m2):
    return pl.pallas_call(
        _dense_body,
        grid=(N_NODES // _R,),
        in_specs=[
            pl.BlockSpec((_R, D_FEAT), lambda i: (i, 0)),
            pl.BlockSpec((NC, _R, D_FEAT), lambda i: (0, i, 0)),
            pl.BlockSpec((NC, _R, D_EDGE_PAD), lambda i: (0, i, 0)),
            pl.BlockSpec((D_FEAT, D_FEAT), lambda i: (0, 0)),
            pl.BlockSpec((D_FEAT, D_FEAT), lambda i: (0, 0)),
            pl.BlockSpec((D_EDGE_PAD, D_FEAT), lambda i: (0, 0)),
            pl.BlockSpec((1, D_FEAT), lambda i: (0, 0)),
            pl.BlockSpec((_R, 1), lambda i: (i, 0)),
        ],
        out_specs=pl.BlockSpec((_R, D_FEAT), lambda i: (i, 0)),
        out_shape=jax.ShapeDtypeStruct((N_NODES, D_FEAT), jnp.float32),
    )(x, gp, ep, W_self, W_nbr, W_edge, b2, m2)


def kernel(x, edge_attr, W_self, W_nbr, W_edge, b, edge_index, mask):
    mask_i32 = mask.astype(jnp.int32)
    zg = jnp.zeros((ROWS_PAD, D_FEAT), jnp.float32)
    ze = jnp.zeros((ROWS_PAD, D_EDGE_PAD), jnp.float32)
    ea_t = edge_attr.T
    sc = _make_sc_kernel()
    gp, ep = sc(x, edge_index, ea_t, mask_i32, zg, ze)
    b2 = b.reshape(1, D_FEAT)
    m2 = mask.astype(jnp.float32).reshape(N_NODES, 1)
    we_pad = jnp.pad(W_edge, ((0, D_EDGE_PAD - D_EDGE), (0, 0)))
    return _dense_call(x, gp, ep, W_self, W_nbr, we_pad, b2, m2)

# --- scband reference (transcript-rebuilt; emitter-appended) ---
"""Pipeline reference for scband-masked-model-1082331759348 (READ-ONLY COPY).

The authoritative reference and input builder live on the scoring server;
editing this copy changes nothing except your own understanding.
"""

import jax, jax.numpy as jnp
import numpy as np

N_NODES = 10000
N_EDGES = 320000
D_FEAT = 128
D_EDGE = 4


def setup_inputs(seed: int = 0) -> dict:
    key = jax.random.key(seed)
    ks = jax.random.split(key, 8)
    x = jax.random.normal(ks[0], (N_NODES, D_FEAT), dtype=jnp.float32)
    edge_index = jax.random.randint(ks[1], (2, N_EDGES), 0, N_NODES, dtype=jnp.int32)
    edge_attr = jax.random.normal(ks[2], (N_EDGES, D_EDGE), dtype=jnp.float32)
    mask = jax.random.randint(ks[3], (N_NODES,), 0, 2, dtype=jnp.int32) > 0
    s = 1.0 / np.sqrt(D_FEAT)
    W_self = jax.random.normal(ks[4], (D_FEAT, D_FEAT), dtype=jnp.float32) * s
    W_nbr = jax.random.normal(ks[5], (D_FEAT, D_FEAT), dtype=jnp.float32) * s
    W_edge = jax.random.normal(ks[6], (D_EDGE, D_FEAT), dtype=jnp.float32) * (1.0 / np.sqrt(D_EDGE))
    b = jnp.zeros((D_FEAT,), dtype=jnp.float32)
    return {"x": x, "edge_attr": edge_attr, "W_self": W_self, "W_nbr": W_nbr,
            "W_edge": W_edge, "b": b, "edge_index": edge_index, "mask": mask}


def reference(x, edge_attr, W_self, W_nbr, W_edge, b, edge_index, mask):
    # MaskedModel semantics:
    # 1) reduce_graph: keep only edges whose BOTH endpoints are active (pyg.utils.subgraph).
    #    Implemented as a multiplicative edge mask: for sum aggregation this is
    #    mathematically identical to dropping the edges, and is jit/vjp-safe.
    # 2) inner model: GraphConv-style message passing
    #    out = relu(x @ W_self + segment_sum(x[src] @ W_nbr + edge_attr @ W_edge, dst) + b)
    # 3) output is multiplied by the node mask.
    src = edge_index[0]
    dst = edge_index[1]
    ekeep = (mask[src] & mask[dst]).astype(x.dtype)[:, None]
    msg = (jnp.take(x, src, axis=0) @ W_nbr + edge_attr @ W_edge) * ekeep
    agg = jax.ops.segment_sum(msg, dst, num_segments=x.shape[0])
    out = x @ W_self + agg + b
    out = jax.nn.relu(out)
    out = out * mask.astype(x.dtype)[:, None]
    return out

if __name__ == "__main__":
    import jax
    _d = setup_inputs()
    print(jax.jit(kernel)(*tuple(_d.values())))

</pallas_src>

<mosaic_0001>
#map = affine_map<(d0, d1) -> (0, 0)>
#map1 = affine_map<(d0, d1) -> (0)>
#map2 = affine_map<(d0, d1) -> (0, 0, 0)>
module attributes {stable_mosaic.version = 14 : i64} {
  func.func @sc_kernel(%arg0: i32, %arg1: i32, %arg2: memref<10000x128xf32, #tpu.memory_space<hbm>>, %arg3: memref<2x320000xi32, #tpu.memory_space<hbm>>, %arg4: memref<4x320000xf32, #tpu.memory_space<hbm>>, %arg5: memref<10000xi32, #tpu.memory_space<hbm>>, %arg6: memref<10240x128xf32, #tpu.memory_space<hbm>>, %arg7: memref<10240x16xf32, #tpu.memory_space<hbm>>, %arg8: memref<2x10240x128xf32, #tpu.memory_space<hbm>>, %arg9: memref<2x10240x16xf32, #tpu.memory_space<hbm>>, %arg10: memref<10000xi32, #tpu.memory_space<vmem>>, %arg11: memref<2x400xi32, #tpu.memory_space<vmem>>, %arg12: memref<2x400xi32, #tpu.memory_space<vmem>>, %arg13: memref<2x4x400xf32, #tpu.memory_space<vmem>>, %arg14: memref<2x80x16xf32, #tpu.memory_space<vmem>>, %arg15: memref<2x5x80xi32, #tpu.memory_space<vmem>>, %arg16: memref<2x80x128xf32, #tpu.memory_space<vmem>>, %arg17: memref<10240x128xf32, #tpu.memory_space<vmem_shared>>, %arg18: memref<10240x16xf32, #tpu.memory_space<vmem_shared>>, %arg19: memref<3x!tpu.dma_semaphore, #tpu.memory_space<semaphore_mem>>, %arg20: memref<2x!tpu.dma_semaphore, #tpu.memory_space<semaphore_mem>>, %arg21: memref<2x!tpu.dma_semaphore, #tpu.memory_space<semaphore_mem>>, %arg22: memref<2x!tpu.dma_semaphore, #tpu.memory_space<semaphore_mem>>) attributes {dimension_semantics = [#tpu.dimension_semantics<core_parallel>, #tpu.dimension_semantics<subcore_parallel>], iteration_bounds = array<i64: 2, 16>, scalar_prefetch = 0 : i64, scratch_operands = 13 : i64, tpu.core_type = #tpu.core_type<sc_vector_subcore>, window_params = [{transform_indices = #map}, {transform_indices = #map}, {transform_indices = #map}, {transform_indices = #map1}, {transform_indices = #map}, {transform_indices = #map}, {transform_indices = #map2}, {transform_indices = #map2}]} {
    %mul3A = arith.constant 16 : i32
    %mul3A_0 = arith.muli %arg0, %mul3A : i32
    %add3A = arith.addi %mul3A_0, %arg1 : i32
    %mul3A_1 = arith.constant 640 : i32
    %mul3A_2 = arith.muli %arg1, %mul3A_1 : i32
    "tpu.region"() ({
      %run_scoped3A_112 = tpu.sem_alloc : memref<!tpu.dma_semaphore, #tpu.memory_space<semaphore_mem>>
      %dma_start3A_113 = arith.constant 0 : i32
      %dma_start3A_114 = tpu.memref_slice %arg17[%mul3A_2, %dma_start3A_113] : memref<10240x128xf32, #tpu.memory_space<vmem_shared>> -> memref<640x128xf32, #tpu.memory_space<vmem_shared>>
      %dma_start3A_115 = arith.constant 0 : i32
      %dma_start3A_116 = tpu.memref_slice %arg6[%mul3A_2, %dma_start3A_115] : memref<10240x128xf32, #tpu.memory_space<hbm>> -> memref<640x128xf32, #tpu.memory_space<hbm>>
      tpu.enqueue_dma source(%dma_start3A_116 : memref<640x128xf32, #tpu.memory_space<hbm>>) target(%dma_start3A_114 : memref<640x128xf32, #tpu.memory_space<vmem_shared>>) target_semaphore(%run_scoped3A_112 : memref<!tpu.dma_semaphore, #tpu.memory_space<semaphore_mem>>)
      %dma_wait3A_117 = arith.constant 0 : i32
      %dma_wait3A_118 = tpu.memref_slice %arg17[%mul3A_2, %dma_wait3A_117] : memref<10240x128xf32, #tpu.memory_space<vmem_shared>> -> memref<640x128xf32, #tpu.memory_space<vmem_shared>>
      %dma_wait3A_119 = arith.constant 0 : i32
      %dma_wait3A_120 = tpu.memref_slice %arg6[%mul3A_2, %dma_wait3A_119] : memref<10240x128xf32, #tpu.memory_space<hbm>> -> memref<640x128xf32, #tpu.memory_space<hbm>>
      tpu.wait_dma2 semaphore(%run_scoped3A_112 : memref<!tpu.dma_semaphore, #tpu.memory_space<semaphore_mem>>) src(%dma_wait3A_120 : memref<640x128xf32, #tpu.memory_space<hbm>>) dst(%dma_wait3A_118 : memref<640x128xf32, #tpu.memory_space<vmem_shared>>)
      tpu.yield
    }) : () -> ()
    "tpu.region"() ({
      %run_scoped3A_112 = tpu.sem_alloc : memref<!tpu.dma_semaphore, #tpu.memory_space<semaphore_mem>>
      %dma_start3A_113 = arith.constant 0 : i32
      %dma_start3A_114 = tpu.memref_slice %arg18[%mul3A_2, %dma_start3A_113] : memref<10240x16xf32, #tpu.memory_space<vmem_shared>> -> memref<640x16xf32, #tpu.memory_space<vmem_shared>>
      %dma_start3A_115 = arith.constant 0 : i32
      %dma_start3A_116 = tpu.memref_slice %arg7[%mul3A_2, %dma_start3A_115] : memref<10240x16xf32, #tpu.memory_space<hbm>> -> memref<640x16xf32, #tpu.memory_space<hbm>>
      tpu.enqueue_dma source(%dma_start3A_116 : memref<640x16xf32, #tpu.memory_space<hbm>>) target(%dma_start3A_114 : memref<640x16xf32, #tpu.memory_space<vmem_shared>>) target_semaphore(%run_scoped3A_112 : memref<!tpu.dma_semaphore, #tpu.memory_space<semaphore_mem>>)
      %dma_wait3A_117 = arith.constant 0 : i32
      %dma_wait3A_118 = tpu.memref_slice %arg18[%mul3A_2, %dma_wait3A_117] : memref<10240x16xf32, #tpu.memory_space<vmem_shared>> -> memref<640x16xf32, #tpu.memory_space<vmem_shared>>
      %dma_wait3A_119 = arith.constant 0 : i32
      %dma_wait3A_120 = tpu.memref_slice %arg7[%mul3A_2, %dma_wait3A_119] : memref<10240x16xf32, #tpu.memory_space<hbm>> -> memref<640x16xf32, #tpu.memory_space<hbm>>
      tpu.wait_dma2 semaphore(%run_scoped3A_112 : memref<!tpu.dma_semaphore, #tpu.memory_space<semaphore_mem>>) src(%dma_wait3A_120 : memref<640x16xf32, #tpu.memory_space<hbm>>) dst(%dma_wait3A_118 : memref<640x16xf32, #tpu.memory_space<vmem_shared>>)
      tpu.yield
    }) : () -> ()
    %run_scoped3A = arith.constant 0 : i32
    "tpu.region"() ({
      %run_scoped3A_112 = tpu.sem_alloc : memref<!tpu.dma_semaphore, #tpu.memory_space<semaphore_mem>>
      %dma_start3A_113 = arith.constant 0 : i32
      %dma_start3A_114 = arith.constant 0 : i32
      %dma_start3A_115 = tpu.memref_slice %arg14[%run_scoped3A, %dma_start3A_113, %dma_start3A_114] : memref<2x80x16xf32, #tpu.memory_space<vmem>> -> memref<1x80x16xf32, #tpu.memory_space<vmem>>
      %dma_start3A_116 = tpu.memref_squeeze %dma_start3A_115 : memref<1x80x16xf32, #tpu.memory_space<vmem>> -> memref<80x16xf32, #tpu.memory_space<vmem>>
      %dma_start3A_117 = arith.constant 0 : i32
      %dma_start3A_118 = arith.constant 0 : i32
      %dma_start3A_119 = tpu.memref_slice %arg7[%dma_start3A_117, %dma_start3A_118] : memref<10240x16xf32, #tpu.memory_space<hbm>> -> memref<80x16xf32, #tpu.memory_space<hbm>>
      %dma_start3A_120 = arith.constant 0 : i32
      %dma_start3A_121 = arith.constant 0 : i32
      %dma_start3A_122 = tpu.memref_slice %arg14[%run_scoped3A, %dma_start3A_120, %dma_start3A_121] : memref<2x80x16xf32, #tpu.memory_space<vmem>> -> memref<1x80x16xf32, #tpu.memory_space<vmem>>
      %dma_start3A_123 = tpu.memref_squeeze %dma_start3A_122 : memref<1x80x16xf32, #tpu.memory_space<vmem>> -> memref<80x16xf32, #tpu.memory_space<vmem>>
      %dma_start3A_124 = arith.constant 0 : i32
      %dma_start3A_125 = arith.constant 0 : i32
      %dma_start3A_126 = tpu.memref_slice %arg7[%dma_start3A_124, %dma_start3A_125] : memref<10240x16xf32, #tpu.memory_space<hbm>> -> memref<80x16xf32, #tpu.memory_space<hbm>>
      tpu.enqueue_dma source(%dma_start3A_126 : memref<80x16xf32, #tpu.memory_space<hbm>>) target(%dma_start3A_123 : memref<80x16xf32, #tpu.memory_space<vmem>>) target_semaphore(%run_scoped3A_112 : memref<!tpu.dma_semaphore, #tpu.memory_space<semaphore_mem>>)
      %dma_wait3A_127 = arith.constant 0 : i32
      %dma_wait3A_128 = arith.constant 0 : i32
      %dma_wait3A_129 = tpu.memref_slice %arg14[%run_scoped3A, %dma_wait3A_127, %dma_wait3A_128] : memref<2x80x16xf32, #tpu.memory_space<vmem>> -> memref<1x80x16xf32, #tpu.memory_space<vmem>>
      %dma_wait3A_130 = tpu.memref_squeeze %dma_wait3A_129 : memref<1x80x16xf32, #tpu.memory_space<vmem>> -> memref<80x16xf32, #tpu.memory_space<vmem>>
      %dma_wait3A_131 = arith.constant 0 : i32
      %dma_wait3A_132 = arith.constant 0 : i32
      %dma_wait3A_133 = tpu.memref_slice %arg7[%dma_wait3A_131, %dma_wait3A_132] : memref<10240x16xf32, #tpu.memory_space<hbm>> -> memref<80x16xf32, #tpu.memory_space<hbm>>
      %dma_wait3A_134 = arith.constant 0 : i32
      %dma_wait3A_135 = arith.constant 0 : i32
      %dma_wait3A_136 = tpu.memref_slice %arg14[%run_scoped3A, %dma_wait3A_134, %dma_wait3A_135] : memref<2x80x16xf32, #tpu.memory_space<vmem>> -> memref<1x80x16xf32, #tpu.memory_space<vmem>>
      %dma_wait3A_137 = tpu.memref_squeeze %dma_wait3A_136 : memref<1x80x16xf32, #tpu.memory_space<vmem>> -> memref<80x16xf32, #tpu.memory_space<vmem>>
      %dma_wait3A_138 = arith.constant 0 : i32
      %dma_wait3A_139 = arith.constant 0 : i32
      %dma_wait3A_140 = tpu.memref_slice %arg7[%dma_wait3A_138, %dma_wait3A_139] : memref<10240x16xf32, #tpu.memory_space<hbm>> -> memref<80x16xf32, #tpu.memory_space<hbm>>
      tpu.wait_dma2 semaphore(%run_scoped3A_112 : memref<!tpu.dma_semaphore, #tpu.memory_space<semaphore_mem>>) src(%dma_wait3A_140 : memref<80x16xf32, #tpu.memory_space<hbm>>) dst(%dma_wait3A_137 : memref<80x16xf32, #tpu.memory_space<vmem>>)
      tpu.yield
    }) : () -> ()
    %run_scoped3A_3 = arith.constant 1 : i32
    "tpu.region"() ({
      %run_scoped3A_112 = tpu.sem_alloc : memref<!tpu.dma_semaphore, #tpu.memory_space<semaphore_mem>>
      %dma_start3A_113 = arith.constant 0 : i32
      %dma_start3A_114 = arith.constant 0 : i32
      %dma_start3A_115 = tpu.memref_slice %arg14[%run_scoped3A_3, %dma_start3A_113, %dma_start3A_114] : memref<2x80x16xf32, #tpu.memory_space<vmem>> -> memref<1x80x16xf32, #tpu.memory_space<vmem>>
      %dma_start3A_116 = tpu.memref_squeeze %dma_start3A_115 : memref<1x80x16xf32, #tpu.memory_space<vmem>> -> memref<80x16xf32, #tpu.memory_space<vmem>>
      %dma_start3A_117 = arith.constant 0 : i32
      %dma_start3A_118 = arith.constant 0 : i32
      %dma_start3A_119 = tpu.memref_slice %arg7[%dma_start3A_117, %dma_start3A_118] : memref<10240x16xf32, #tpu.memory_space<hbm>> -> memref<80x16xf32, #tpu.memory_space<hbm>>
      %dma_start3A_120 = arith.constant 0 : i32
      %dma_start3A_121 = arith.constant 0 : i32
      %dma_start3A_122 = tpu.memref_slice %arg14[%run_scoped3A_3, %dma_start3A_120, %dma_start3A_121] : memref<2x80x16xf32, #tpu.memory_space<vmem>> -> memref<1x80x16xf32, #tpu.memory_space<vmem>>
      %dma_start3A_123 = tpu.memref_squeeze %dma_start3A_122 : memref<1x80x16xf32, #tpu.memory_space<vmem>> -> memref<80x16xf32, #tpu.memory_space<vmem>>
      %dma_start3A_124 = arith.constant 0 : i32
      %dma_start3A_125 = arith.constant 0 : i32
      %dma_start3A_126 = tpu.memref_slice %arg7[%dma_start3A_124, %dma_start3A_125] : memref<10240x16xf32, #tpu.memory_space<hbm>> -> memref<80x16xf32, #tpu.memory_space<hbm>>
      tpu.enqueue_dma source(%dma_start3A_126 : memref<80x16xf32, #tpu.memory_space<hbm>>) target(%dma_start3A_123 : memref<80x16xf32, #tpu.memory_space<vmem>>) target_semaphore(%run_scoped3A_112 : memref<!tpu.dma_semaphore, #tpu.memory_space<semaphore_mem>>)
      %dma_wait3A_127 = arith.constant 0 : i32
      %dma_wait3A_128 = arith.constant 0 : i32
      %dma_wait3A_129 = tpu.memref_slice %arg14[%run_scoped3A_3, %dma_wait3A_127, %dma_wait3A_128] : memref<2x80x16xf32, #tpu.memory_space<vmem>> -> memref<1x80x16xf32, #tpu.memory_space<vmem>>
      %dma_wait3A_130 = tpu.memref_squeeze %dma_wait3A_129 : memref<1x80x16xf32, #tpu.memory_space<vmem>> -> memref<80x16xf32, #tpu.memory_space<vmem>>
      %dma_wait3A_131 = arith.constant 0 : i32
      %dma_wait3A_132 = arith.constant 0 : i32
      %dma_wait3A_133 = tpu.memref_slice %arg7[%dma_wait3A_131, %dma_wait3A_132] : memref<10240x16xf32, #tpu.memory_space<hbm>> -> memref<80x16xf32, #tpu.memory_space<hbm>>
      %dma_wait3A_134 = arith.constant 0 : i32
      %dma_wait3A_135 = arith.constant 0 : i32
      %dma_wait3A_136 = tpu.memref_slice %arg14[%run_scoped3A_3, %dma_wait3A_134, %dma_wait3A_135] : memref<2x80x16xf32, #tpu.memory_space<vmem>> -> memref<1x80x16xf32, #tpu.memory_space<vmem>>
      %dma_wait3A_137 = tpu.memref_squeeze %dma_wait3A_136 : memref<1x80x16xf32, #tpu.memory_space<vmem>> -> memref<80x16xf32, #tpu.memory_space<vmem>>
      %dma_wait3A_138 = arith.constant 0 : i32
      %dma_wait3A_139 = arith.constant 0 : i32
      %dma_wait3A_140 = tpu.memref_slice %arg7[%dma_wait3A_138, %dma_wait3A_139] : memref<10240x16xf32, #tpu.memory_space<hbm>> -> memref<80x16xf32, #tpu.memory_space<hbm>>
      tpu.wait_dma2 semaphore(%run_scoped3A_112 : memref<!tpu.dma_semaphore, #tpu.memory_space<semaphore_mem>>) src(%dma_wait3A_140 : memref<80x16xf32, #tpu.memory_space<hbm>>) dst(%dma_wait3A_137 : memref<80x16xf32, #tpu.memory_space<vmem>>)
      tpu.yield
    }) : () -> ()
    "tpu.region"() ({
      %run_scoped3A_112 = tpu.sem_alloc : memref<!tpu.dma_semaphore, #tpu.memory_space<semaphore_mem>>
      tpu.enqueue_dma source(%arg5 : memref<10000xi32, #tpu.memory_space<hbm>>) target(%arg10 : memref<10000xi32, #tpu.memory_space<vmem>>) target_semaphore(%run_scoped3A_112 : memref<!tpu.dma_semaphore, #tpu.memory_space<semaphore_mem>>)
      tpu.wait_dma2 semaphore(%run_scoped3A_112 : memref<!tpu.dma_semaphore, #tpu.memory_space<semaphore_mem>>) src(%arg5 : memref<10000xi32, #tpu.memory_space<hbm>>) dst(%arg10 : memref<10000xi32, #tpu.memory_space<vmem>>)
      tpu.yield
    }) : () -> ()
    %barrier3A = arith.constant 0 : index
    tpu.barrier barrier_id(%barrier3A)
    %iota3A = tpu.iota {dimensions = array<i32: 0>} : vector<16xi32>
    %mul3A_4 = arith.constant 10000 : i32
    %mul3A_5 = arith.muli %add3A, %mul3A_4 : i32
    %add3A_6 = arith.constant 0 : i32
    %add3A_7 = arith.addi %mul3A_5, %add3A_6 : i32
    %dma_start3A = arith.constant 0 : i32
    %dma_start3A_8 = arith.constant 0 : i32
    %dma_start3A_9 = arith.constant 0 : i32
    %dma_start3A_10 = arith.constant 0 : i32
    %dma_start3A_11 = tpu.memref_slice %arg11[%dma_start3A_8, %dma_start3A_10] : memref<2x400xi32, #tpu.memory_space<vmem>> -> memref<1x400xi32, #tpu.memory_space<vmem>>
    %dma_start3A_12 = tpu.memref_squeeze %dma_start3A_11 : memref<1x400xi32, #tpu.memory_space<vmem>> -> memref<400xi32, #tpu.memory_space<vmem>>
    %dma_start3A_13 = tpu.memref_slice %arg3[%dma_start3A, %add3A_7] : memref<2x320000xi32, #tpu.memory_space<hbm>> -> memref<1x400xi32, #tpu.memory_space<hbm>>
    %dma_start3A_14 = tpu.memref_squeeze %dma_start3A_13 : memref<1x400xi32, #tpu.memory_space<hbm>> -> memref<400xi32, #tpu.memory_space<hbm>>
    %dma_start3A_15 = tpu.memref_slice %arg19[%dma_start3A_9] : memref<3x!tpu.dma_semaphore, #tpu.memory_space<semaphore_mem>> -> memref<1x!tpu.dma_semaphore, #tpu.memory_space<semaphore_mem>>
    %dma_start3A_16 = tpu.memref_squeeze %dma_start3A_15 : memref<1x!tpu.dma_semaphore, #tpu.memory_space<semaphore_mem>> -> memref<!tpu.dma_semaphore, #tpu.memory_space<semaphore_mem>>
    %dma_start3A_17 = arith.constant 0 : i32
    %dma_start3A_18 = tpu.memref_slice %arg11[%dma_start3A_8, %dma_start3A_17] : memref<2x400xi32, #tpu.memory_space<vmem>> -> memref<1x400xi32, #tpu.memory_space<vmem>>
    %dma_start3A_19 = tpu.memref_squeeze %dma_start3A_18 : memref<1x400xi32, #tpu.memory_space<vmem>> -> memref<400xi32, #tpu.memory_space<vmem>>
    %dma_start3A_20 = tpu.memref_slice %arg3[%dma_start3A, %add3A_7] : memref<2x320000xi32, #tpu.memory_space<hbm>> -> memref<1x400xi32, #tpu.memory_space<hbm>>
    %dma_start3A_21 = tpu.memref_squeeze %dma_start3A_20 : memref<1x400xi32, #tpu.memory_space<hbm>> -> memref<400xi32, #tpu.memory_space<hbm>>
    tpu.enqueue_dma source(%dma_start3A_21 : memref<400xi32, #tpu.memory_space<hbm>>) target(%dma_start3A_19 : memref<400xi32, #tpu.memory_space<vmem>>) target_semaphore(%dma_start3A_16 : memref<!tpu.dma_semaphore, #tpu.memory_space<semaphore_mem>>)
    %dma_wait3A = arith.constant 0 : i32
    %dma_wait3A_22 = arith.constant 0 : i32
    %dma_wait3A_23 = arith.constant 0 : i32
    %dma_wait3A_24 = arith.constant 0 : i32
    %dma_wait3A_25 = tpu.memref_slice %arg11[%dma_wait3A_22, %dma_wait3A_24] : memref<2x400xi32, #tpu.memory_space<vmem>> -> memref<1x400xi32, #tpu.memory_space<vmem>>
    %dma_wait3A_26 = tpu.memref_squeeze %dma_wait3A_25 : memref<1x400xi32, #tpu.memory_space<vmem>> -> memref<400xi32, #tpu.memory_space<vmem>>
    %dma_wait3A_27 = tpu.memref_slice %arg3[%dma_wait3A, %add3A_7] : memref<2x320000xi32, #tpu.memory_space<hbm>> -> memref<1x400xi32, #tpu.memory_space<hbm>>
    %dma_wait3A_28 = tpu.memref_squeeze %dma_wait3A_27 : memref<1x400xi32, #tpu.memory_space<hbm>> -> memref<400xi32, #tpu.memory_space<hbm>>
    %dma_wait3A_29 = tpu.memref_slice %arg19[%dma_wait3A_23] : memref<3x!tpu.dma_semaphore, #tpu.memory_space<semaphore_mem>> -> memref<1x!tpu.dma_semaphore, #tpu.memory_space<semaphore_mem>>
    %dma_wait3A_30 = tpu.memref_squeeze %dma_wait3A_29 : memref<1x!tpu.dma_semaphore, #tpu.memory_space<semaphore_mem>> -> memref<!tpu.dma_semaphore, #tpu.memory_space<semaphore_mem>>
    %dma_wait3A_31 = arith.constant 0 : i32
    %dma_wait3A_32 = tpu.memref_slice %arg11[%dma_wait3A_22, %dma_wait3A_31] : memref<2x400xi32, #tpu.memory_space<vmem>> -> memref<1x400xi32, #tpu.memory_space<vmem>>
    %dma_wait3A_33 = tpu.memref_squeeze %dma_wait3A_32 : memref<1x400xi32, #tpu.memory_space<vmem>> -> memref<400xi32, #tpu.memory_space<vmem>>
    %dma_wait3A_34 = tpu.memref_slice %arg3[%dma_wait3A, %add3A_7] : memref<2x320000xi32, #tpu.memory_space<hbm>> -> memref<1x400xi32, #tpu.memory_space<hbm>>
    %dma_wait3A_35 = tpu.memref_squeeze %dma_wait3A_34 : memref<1x400xi32, #tpu.memory_space<hbm>> -> memref<400xi32, #tpu.memory_space<hbm>>
    tpu.wait_dma2 semaphore(%dma_wait3A_30 : memref<!tpu.dma_semaphore, #tpu.memory_space<semaphore_mem>>) src(%dma_wait3A_35 : memref<400xi32, #tpu.memory_space<hbm>>) dst(%dma_wait3A_33 : memref<400xi32, #tpu.memory_space<vmem>>)
    %dma_start3A_36 = arith.constant 1 : i32
    %dma_start3A_37 = arith.constant 0 : i32
    %dma_start3A_38 = arith.constant 1 : i32
    %dma_start3A_39 = arith.constant 0 : i32
    %dma_start3A_40 = tpu.memref_slice %arg12[%dma_start3A_37, %dma_start3A_39] : memref<2x400xi32, #tpu.memory_space<vmem>> -> memref<1x400xi32, #tpu.memory_space<vmem>>
    %dma_start3A_41 = tpu.memref_squeeze %dma_start3A_40 : memref<1x400xi32, #tpu.memory_space<vmem>> -> memref<400xi32, #tpu.memory_space<vmem>>
    %dma_start3A_42 = tpu.memref_slice %arg3[%dma_start3A_36, %add3A_7] : memref<2x320000xi32, #tpu.memory_space<hbm>> -> memref<1x400xi32, #tpu.memory_space<hbm>>
    %dma_start3A_43 = tpu.memref_squeeze %dma_start3A_42 : memref<1x400xi32, #tpu.memory_space<hbm>> -> memref<400xi32, #tpu.memory_space<hbm>>
    %dma_start3A_44 = tpu.memref_slice %arg19[%dma_start3A_38] : memref<3x!tpu.dma_semaphore, #tpu.memory_space<semaphore_mem>> -> memref<1x!tpu.dma_semaphore, #tpu.memory_space<semaphore_mem>>
    %dma_start3A_45 = tpu.memref_squeeze %dma_start3A_44 : memref<1x!tpu.dma_semaphore, #tpu.memory_space<semaphore_mem>> -> memref<!tpu.dma_semaphore, #tpu.memory_space<semaphore_mem>>
    %dma_start3A_46 = arith.constant 0 : i32
    %dma_start3A_47 = tpu.memref_slice %arg12[%dma_start3A_37, %dma_start3A_46] : memref<2x400xi32, #tpu.memory_space<vmem>> -> memref<1x400xi32, #tpu.memory_space<vmem>>
    %dma_start3A_48 = tpu.memref_squeeze %dma_start3A_47 : memref<1x400xi32, #tpu.memory_space<vmem>> -> memref<400xi32, #tpu.memory_space<vmem>>
    %dma_start3A_49 = tpu.memref_slice %arg3[%dma_start3A_36, %add3A_7] : memref<2x320000xi32, #tpu.memory_space<hbm>> -> memref<1x400xi32, #tpu.memory_space<hbm>>
    %dma_start3A_50 = tpu.memref_squeeze %dma_start3A_49 : memref<1x400xi32, #tpu.memory_space<hbm>> -> memref<400xi32, #tpu.memory_space<hbm>>
    tpu.enqueue_dma source(%dma_start3A_50 : memref<400xi32, #tpu.memory_space<hbm>>) target(%dma_start3A_48 : memref<400xi32, #tpu.memory_space<vmem>>) target_semaphore(%dma_start3A_45 : memref<!tpu.dma_semaphore, #tpu.memory_space<semaphore_mem>>)
    %dma_wait3A_51 = arith.constant 1 : i32
    %dma_wait3A_52 = arith.constant 0 : i32
    %dma_wait3A_53 = arith.constant 1 : i32
    %dma_wait3A_54 = arith.constant 0 : i32
    %dma_wait3A_55 = tpu.memref_slice %arg12[%dma_wait3A_52, %dma_wait3A_54] : memref<2x400xi32, #tpu.memory_space<vmem>> -> memref<1x400xi32, #tpu.memory_space<vmem>>
    %dma_wait3A_56 = tpu.memref_squeeze %dma_wait3A_55 : memref<1x400xi32, #tpu.memory_space<vmem>> -> memref<400xi32, #tpu.memory_space<vmem>>
    %dma_wait3A_57 = tpu.memref_slice %arg3[%dma_wait3A_51, %add3A_7] : memref<2x320000xi32, #tpu.memory_space<hbm>> -> memref<1x400xi32, #tpu.memory_space<hbm>>
    %dma_wait3A_58 = tpu.memref_squeeze %dma_wait3A_57 : memref<1x400xi32, #tpu.memory_space<hbm>> -> memref<400xi32, #tpu.memory_space<hbm>>
    %dma_wait3A_59 = tpu.memref_slice %arg19[%dma_wait3A_53] : memref<3x!tpu.dma_semaphore, #tpu.memory_space<semaphore_mem>> -> memref<1x!tpu.dma_semaphore, #tpu.memory_space<semaphore_mem>>
    %dma_wait3A_60 = tpu.memref_squeeze %dma_wait3A_59 : memref<1x!tpu.dma_semaphore, #tpu.memory_space<semaphore_mem>> -> memref<!tpu.dma_semaphore, #tpu.memory_space<semaphore_mem>>
    %dma_wait3A_61 = arith.constant 0 : i32
    %dma_wait3A_62 = tpu.memref_slice %arg12[%dma_wait3A_52, %dma_wait3A_61] : memref<2x400xi32, #tpu.memory_space<vmem>> -> memref<1x400xi32, #tpu.memory_space<vmem>>
    %dma_wait3A_63 = tpu.memref_squeeze %dma_wait3A_62 : memref<1x400xi32, #tpu.memory_space<vmem>> -> memref<400xi32, #tpu.memory_space<vmem>>
    %dma_wait3A_64 = tpu.memref_slice %arg3[%dma_wait3A_51, %add3A_7] : memref<2x320000xi32, #tpu.memory_space<hbm>> -> memref<1x400xi32, #tpu.memory_space<hbm>>
    %dma_wait3A_65 = tpu.memref_squeeze %dma_wait3A_64 : memref<1x400xi32, #tpu.memory_space<hbm>> -> memref<400xi32, #tpu.memory_space<hbm>>
    tpu.wait_dma2 semaphore(%dma_wait3A_60 : memref<!tpu.dma_semaphore, #tpu.memory_space<semaphore_mem>>) src(%dma_wait3A_65 : memref<400xi32, #tpu.memory_space<hbm>>) dst(%dma_wait3A_63 : memref<400xi32, #tpu.memory_space<vmem>>)
    %dma_start3A_66 = arith.constant 0 : i32
    %dma_start3A_67 = arith.constant 2 : i32
    %dma_start3A_68 = arith.constant 0 : i32
    %dma_start3A_69 = arith.constant 0 : i32
    %dma_start3A_70 = tpu.memref_slice %arg13[%dma_start3A_66, %dma_start3A_68, %dma_start3A_69] : memref<2x4x400xf32, #tpu.memory_space<vmem>> -> memref<1x4x400xf32, #tpu.memory_space<vmem>>
    %dma_start3A_71 = tpu.memref_squeeze %dma_start3A_70 : memref<1x4x400xf32, #tpu.memory_space<vmem>> -> memref<4x400xf32, #tpu.memory_space<vmem>>
    %dma_start3A_72 = arith.constant 0 : i32
    %dma_start3A_73 = tpu.memref_slice %arg4[%dma_start3A_72, %add3A_7] : memref<4x320000xf32, #tpu.memory_space<hbm>> -> memref<4x400xf32, #tpu.memory_space<hbm>>
    %dma_start3A_74 = tpu.memref_slice %arg19[%dma_start3A_67] : memref<3x!tpu.dma_semaphore, #tpu.memory_space<semaphore_mem>> -> memref<1x!tpu.dma_semaphore, #tpu.memory_space<semaphore_mem>>
    %dma_start3A_75 = tpu.memref_squeeze %dma_start3A_74 : memref<1x!tpu.dma_semaphore, #tpu.memory_space<semaphore_mem>> -> memref<!tpu.dma_semaphore, #tpu.memory_space<semaphore_mem>>
    %dma_start3A_76 = arith.constant 0 : i32
    %dma_start3A_77 = arith.constant 0 : i32
    %dma_start3A_78 = tpu.memref_slice %arg13[%dma_start3A_66, %dma_start3A_76, %dma_start3A_77] : memref<2x4x400xf32, #tpu.memory_space<vmem>> -> memref<1x4x400xf32, #tpu.memory_space<vmem>>
    %dma_start3A_79 = tpu.memref_squeeze %dma_start3A_78 : memref<1x4x400xf32, #tpu.memory_space<vmem>> -> memref<4x400xf32, #tpu.memory_space<vmem>>
    %dma_start3A_80 = arith.constant 0 : i32
    %dma_start3A_81 = tpu.memref_slice %arg4[%dma_start3A_80, %add3A_7] : memref<4x320000xf32, #tpu.memory_space<hbm>> -> memref<4x400xf32, #tpu.memory_space<hbm>>
    tpu.enqueue_dma source(%dma_start3A_81 : memref<4x400xf32, #tpu.memory_space<hbm>>) target(%dma_start3A_79 : memref<4x400xf32, #tpu.memory_space<vmem>>) target_semaphore(%dma_start3A_75 : memref<!tpu.dma_semaphore, #tpu.memory_space<semaphore_mem>>)
    %dma_wait3A_82 = arith.constant 0 : i32
    %dma_wait3A_83 = arith.constant 2 : i32
    %dma_wait3A_84 = arith.constant 0 : i32
    %dma_wait3A_85 = arith.constant 0 : i32
    %dma_wait3A_86 = tpu.memref_slice %arg13[%dma_wait3A_82, %dma_wait3A_84, %dma_wait3A_85] : memref<2x4x400xf32, #tpu.memory_space<vmem>> -> memref<1x4x400xf32, #tpu.memory_space<vmem>>
    %dma_wait3A_87 = tpu.memref_squeeze %dma_wait3A_86 : memref<1x4x400xf32, #tpu.memory_space<vmem>> -> memref<4x400xf32, #tpu.memory_space<vmem>>
    %dma_wait3A_88 = arith.constant 0 : i32
    %dma_wait3A_89 = tpu.memref_slice %arg4[%dma_wait3A_88, %add3A_7] : memref<4x320000xf32, #tpu.memory_space<hbm>> -> memref<4x400xf32, #tpu.memory_space<hbm>>
    %dma_wait3A_90 = tpu.memref_slice %arg19[%dma_wait3A_83] : memref<3x!tpu.dma_semaphore, #tpu.memory_space<semaphore_mem>> -> memref<1x!tpu.dma_semaphore, #tpu.memory_space<semaphore_mem>>
    %dma_wait3A_91 = tpu.memref_squeeze %dma_wait3A_90 : memref<1x!tpu.dma_semaphore, #tpu.memory_space<semaphore_mem>> -> memref<!tpu.dma_semaphore, #tpu.memory_space<semaphore_mem>>
    %dma_wait3A_92 = arith.constant 0 : i32
    %dma_wait3A_93 = arith.constant 0 : i32
    %dma_wait3A_94 = tpu.memref_slice %arg13[%dma_wait3A_82, %dma_wait3A_92, %dma_wait3A_93] : memref<2x4x400xf32, #tpu.memory_space<vmem>> -> memref<1x4x400xf32, #tpu.memory_space<vmem>>
    %dma_wait3A_95 = tpu.memref_squeeze %dma_wait3A_94 : memref<1x4x400xf32, #tpu.memory_space<vmem>> -> memref<4x400xf32, #tpu.memory_space<vmem>>
    %dma_wait3A_96 = arith.constant 0 : i32
    %dma_wait3A_97 = tpu.memref_slice %arg4[%dma_wait3A_96, %add3A_7] : memref<4x320000xf32, #tpu.memory_space<hbm>> -> memref<4x400xf32, #tpu.memory_space<hbm>>
    tpu.wait_dma2 semaphore(%dma_wait3A_91 : memref<!tpu.dma_semaphore, #tpu.memory_space<semaphore_mem>>) src(%dma_wait3A_97 : memref<4x400xf32, #tpu.memory_space<hbm>>) dst(%dma_wait3A_95 : memref<4x400xf32, #tpu.memory_space<vmem>>)
    %scan3A = arith.constant 0 : i32
    %scan3A_98 = arith.constant 0 : i32
    %scan3A_99 = arith.constant 25 : i32
    %scan3A_100 = arith.addi %scan3A_98, %scan3A_99 : i32
    %scan3A_101 = arith.constant 1 : i32
    %scan3A_102 = scf.for %scan3A_112 = %scan3A_98 to %scan3A_100 step %scan3A_101 iter_args(%scan3A_113 = %scan3A) -> (i32)  : i32 {
      %mul3A_114 = arith.constant 16 : i32
      %mul3A_115 = arith.muli %scan3A_112, %mul3A_114 : i32
      %get3A = arith.constant 0 : i32
      %get3A_116 = arith.index_cast %get3A : i32 to index
      %get3A_117 = arith.index_cast %mul3A_115 : i32 to index
      %get3A_118 = tpu.vector_load %arg11[%get3A_116, %get3A_117] {strides = array<i32>} : memref<2x400xi32, #tpu.memory_space<vmem>>, vector<16xi32>,
      %mul3A_119 = arith.constant 16 : i32
      %mul3A_120 = arith.muli %scan3A_112, %mul3A_119 : i32
      %get3A_121 = arith.constant 0 : i32
      %get3A_122 = arith.index_cast %get3A_121 : i32 to index
      %get3A_123 = arith.index_cast %mul3A_120 : i32 to index
      %get3A_124 = tpu.vector_load %arg12[%get3A_122, %get3A_123] {strides = array<i32>} : memref<2x400xi32, #tpu.memory_space<vmem>>, vector<16xi32>,
      %gather3A = tpu.vector_load_idx %arg10[%get3A_118] : memref<10000xi32, #tpu.memory_space<vmem>>[vector<16xi32>], vector<16xi32>,
      %gather3A_125 = tpu.vector_load_idx %arg10[%get3A_124] : memref<10000xi32, #tpu.memory_space<vmem>>[vector<16xi32>], vector<16xi32>,
      %and3A = arith.andi %gather3A, %gather3A_125 : vector<16xi32>
      %gt3A = arith.constant 0 : i32
      %gt3A_126 = vector.broadcast %gt3A : i32 to vector<16xi32>
      %gt3A_127 = arith.cmpi sgt, %and3A, %gt3A_126 : vector<16xi32>
      %jit3A = arith.constant 10200 : i32
      %broadcast_in_dim3A = vector.broadcast %jit3A : i32 to vector<16xi32>
      %select_n3A = arith.select %gt3A_127, %get3A_124, %broadcast_in_dim3A : vector<16xi1>, vector<16xi32>
      %jit3A_128 = arith.constant 5 : i32
      %div3A = arith.divsi %scan3A_112, %jit3A_128 : i32
      %sign3A = arith.constant 0 : i32
      %sign3A_129 = arith.cmpi sgt, %scan3A_112, %sign3A : i32
      %sign3A_130 = arith.extui %sign3A_129 : i1 to i32
      %sign3A_131 = arith.constant 0 : i32
      %sign3A_132 = arith.cmpi slt, %scan3A_112, %sign3A_131 : i32
      %sign3A_133 = arith.extui %sign3A_132 : i1 to i32
      %sign3A_134 = arith.subi %sign3A_130, %sign3A_133 : i32
      %sign3A_135 = arith.constant 0 : i32
      %sign3A_136 = arith.cmpi sgt, %jit3A_128, %sign3A_135 : i32
      %sign3A_137 = arith.extui %sign3A_136 : i1 to i32
      %sign3A_138 = arith.constant 0 : i32
      %sign3A_139 = arith.cmpi slt, %jit3A_128, %sign3A_138 : i32
      %sign3A_140 = arith.extui %sign3A_139 : i1 to i32
      %sign3A_141 = arith.subi %sign3A_137, %sign3A_140 : i32
      %ne3A = arith.cmpi ne, %sign3A_134, %sign3A_141 : i32
      %rem3A = arith.remsi %scan3A_112, %jit3A_128 : i32
      %ne3A_142 = arith.constant 0 : i32
      %ne3A_143 = arith.cmpi ne, %rem3A, %ne3A_142 : i32
      %and3A_144 = arith.andi %ne3A, %ne3A_143 : i1
      %sub3A = arith.constant 1 : i32
      %sub3A_145 = arith.subi %div3A, %sub3A : i32
      %select_n3A_146 = arith.select %and3A_144, %sub3A_145, %div3A : i32
      %jit3A_147 = arith.constant 5 : i32
      %eq3A = arith.constant 0 : i32
      %eq3A_148 = arith.cmpi eq, %jit3A_147, %eq3A : i32
      %jit3A_149 = arith.constant 1 : i32
      %select_n3A_150 = arith.select %eq3A_148, %jit3A_149, %jit3A_147 : i32
      %rem3A_151 = arith.remsi %scan3A_112, %select_n3A_150 : i32
      %ne3A_152 = arith.constant 0 : i32
      %ne3A_153 = arith.cmpi ne, %rem3A_151, %ne3A_152 : i32
      %lt3A = arith.constant 0 : i32
      %lt3A_154 = arith.cmpi slt, %rem3A_151, %lt3A : i32
      %lt3A_155 = arith.constant 0 : i32
      %lt3A_156 = arith.cmpi slt, %select_n3A_150, %lt3A_155 : i32
      %ne3A_157 = arith.xori %lt3A_154, %lt3A_156 : i1
      %and3A_158 = arith.andi %ne3A_157, %ne3A_153 : i1
      %add3A_159 = arith.addi %rem3A_151, %select_n3A_150 : i32
      %select_n3A_160 = arith.select %and3A_158, %add3A_159, %rem3A_151 : i32
      %mul3A_161 = arith.constant 16 : i32
      %mul3A_162 = arith.muli %select_n3A_160, %mul3A_161 : i32
      %swap3A = arith.constant 0 : i32
      %swap3A_163 = arith.index_cast %swap3A : i32 to index
      %swap3A_164 = arith.index_cast %select_n3A_146 : i32 to index
      %swap3A_165 = arith.index_cast %mul3A_162 : i32 to index
      %swap3A_166 = tpu.vector_load %arg15[%swap3A_163, %swap3A_164, %swap3A_165] {strides = array<i32>} : memref<2x5x80xi32, #tpu.memory_space<vmem>>, vector<16xi32>,
      tpu.vector_store %arg15[%swap3A_163, %swap3A_164, %swap3A_165], %select_n3A {strides = array<i32>} : memref<2x5x80xi32, #tpu.memory_space<vmem>>, vector<16xi32>,
      %scan3A_167 = arith.constant 0 : i32
      scf.yield %scan3A_167 : i32
    }
    %scan3A_103 = arith.constant 25 : i32
    %scan3A_104 = arith.constant 0 : i32
    %scan3A_105 = arith.constant 0 : i32
    %scan3A_106 = arith.constant 25 : i32
    %scan3A_107 = arith.addi %scan3A_105, %scan3A_106 : i32
    %scan3A_108 = arith.constant 1 : i32
    %scan3A_109 = scf.for %scan3A_112 = %scan3A_105 to %scan3A_107 step %scan3A_108 iter_args(%scan3A_113 = %scan3A_104) -> (i32)  : i32 {
      %jit3A = arith.constant 2 : i32
      %eq3A = arith.constant 0 : i32
      %eq3A_114 = arith.cmpi eq, %jit3A, %eq3A : i32
      %jit3A_115 = arith.constant 1 : i32
      %select_n3A = arith.select %eq3A_114, %jit3A_115, %jit3A : i32
      %rem3A = arith.remsi %scan3A_112, %select_n3A : i32
      %ne3A = arith.constant 0 : i32
      %ne3A_116 = arith.cmpi ne, %rem3A, %ne3A : i32
      %lt3A = arith.constant 0 : i32
      %lt3A_117 = arith.cmpi slt, %rem3A, %lt3A : i32
      %lt3A_118 = arith.constant 0 : i32
      %lt3A_119 = arith.cmpi slt, %select_n3A, %lt3A_118 : i32
      %ne3A_120 = arith.xori %lt3A_117, %lt3A_119 : i1
      %and3A = arith.andi %ne3A_120, %ne3A_116 : i1
      %add3A_121 = arith.addi %rem3A, %select_n3A : i32
      %select_n3A_122 = arith.select %and3A, %add3A_121, %rem3A : i32
      %sub3A = arith.constant 1 : i32
      %sub3A_123 = arith.subi %sub3A, %select_n3A_122 : i32
      %add3A_124 = arith.constant 1 : i32
      %add3A_125 = arith.addi %scan3A_112, %add3A_124 : i32
      %min3A = arith.constant 24 : i32
      %min3A_126 = arith.minsi %add3A_125, %min3A : i32
      %mul3A_127 = arith.constant 400 : i32
      %mul3A_128 = arith.muli %min3A_126, %mul3A_127 : i32
      %add3A_129 = arith.addi %mul3A_5, %mul3A_128 : i32
      %dma_start3A_130 = arith.constant 0 : i32
      %dma_start3A_131 = arith.constant 0 : i32
      %dma_start3A_132 = arith.constant 0 : i32
      %dma_start3A_133 = tpu.memref_slice %arg11[%sub3A_123, %dma_start3A_132] : memref<2x400xi32, #tpu.memory_space<vmem>> -> memref<1x400xi32, #tpu.memory_space<vmem>>
      %dma_start3A_134 = tpu.memref_squeeze %dma_start3A_133 : memref<1x400xi32, #tpu.memory_space<vmem>> -> memref<400xi32, #tpu.memory_space<vmem>>
      %dma_start3A_135 = tpu.memref_slice %arg3[%dma_start3A_130, %add3A_129] : memref<2x320000xi32, #tpu.memory_space<hbm>> -> memref<1x400xi32, #tpu.memory_space<hbm>>
      %dma_start3A_136 = tpu.memref_squeeze %dma_start3A_135 : memref<1x400xi32, #tpu.memory_space<hbm>> -> memref<400xi32, #tpu.memory_space<hbm>>
      %dma_start3A_137 = tpu.memref_slice %arg19[%dma_start3A_131] : memref<3x!tpu.dma_semaphore, #tpu.memory_space<semaphore_mem>> -> memref<1x!tpu.dma_semaphore, #tpu.memory_space<semaphore_mem>>
      %dma_start3A_138 = tpu.memref_squeeze %dma_start3A_137 : memref<1x!tpu.dma_semaphore, #tpu.memory_space<semaphore_mem>> -> memref<!tpu.dma_semaphore, #tpu.memory_space<semaphore_mem>>
      %dma_start3A_139 = arith.constant 0 : i32
      %dma_start3A_140 = tpu.memref_slice %arg11[%sub3A_123, %dma_start3A_139] : memref<2x400xi32, #tpu.memory_space<vmem>> -> memref<1x400xi32, #tpu.memory_space<vmem>>
      %dma_start3A_141 = tpu.memref_squeeze %dma_start3A_140 : memref<1x400xi32, #tpu.memory_space<vmem>> -> memref<400xi32, #tpu.memory_space<vmem>>
      %dma_start3A_142 = tpu.memref_slice %arg3[%dma_start3A_130, %add3A_129] : memref<2x320000xi32, #tpu.memory_space<hbm>> -> memref<1x400xi32, #tpu.memory_space<hbm>>
      %dma_start3A_143 = tpu.memref_squeeze %dma_start3A_142 : memref<1x400xi32, #tpu.memory_space<hbm>> -> memref<400xi32, #tpu.memory_space<hbm>>
      tpu.enqueue_dma source(%dma_start3A_143 : memref<400xi32, #tpu.memory_space<hbm>>) target(%dma_start3A_141 : memref<400xi32, #tpu.memory_space<vmem>>) target_semaphore(%dma_start3A_138 : memref<!tpu.dma_semaphore, #tpu.memory_space<semaphore_mem>>)
      %dma_start3A_144 = arith.constant 1 : i32
      %dma_start3A_145 = arith.constant 1 : i32
      %dma_start3A_146 = arith.constant 0 : i32
      %dma_start3A_147 = tpu.memref_slice %arg12[%sub3A_123, %dma_start3A_146] : memref<2x400xi32, #tpu.memory_space<vmem>> -> memref<1x400xi32, #tpu.memory_space<vmem>>
      %dma_start3A_148 = tpu.memref_squeeze %dma_start3A_147 : memref<1x400xi32, #tpu.memory_space<vmem>> -> memref<400xi32, #tpu.memory_space<vmem>>
      %dma_start3A_149 = tpu.memref_slice %arg3[%dma_start3A_144, %add3A_129] : memref<2x320000xi32, #tpu.memory_space<hbm>> -> memref<1x400xi32, #tpu.memory_space<hbm>>
      %dma_start3A_150 = tpu.memref_squeeze %dma_start3A_149 : memref<1x400xi32, #tpu.memory_space<hbm>> -> memref<400xi32, #tpu.memory_space<hbm>>
      %dma_start3A_151 = tpu.memref_slice %arg19[%dma_start3A_145] : memref<3x!tpu.dma_semaphore, #tpu.memory_space<semaphore_mem>> -> memref<1x!tpu.dma_semaphore, #tpu.memory_space<semaphore_mem>>
      %dma_start3A_152 = tpu.memref_squeeze %dma_start3A_151 : memref<1x!tpu.dma_semaphore, #tpu.memory_space<semaphore_mem>> -> memref<!tpu.dma_semaphore, #tpu.memory_space<semaphore_mem>>
      %dma_start3A_153 = arith.constant 0 : i32
      %dma_start3A_154 = tpu.memref_slice %arg12[%sub3A_123, %dma_start3A_153] : memref<2x400xi32, #tpu.memory_space<vmem>> -> memref<1x400xi32, #tpu.memory_space<vmem>>
      %dma_start3A_155 = tpu.memref_squeeze %dma_start3A_154 : memref<1x400xi32, #tpu.memory_space<vmem>> -> memref<400xi32, #tpu.memory_space<vmem>>
      %dma_start3A_156 = tpu.memref_slice %arg3[%dma_start3A_144, %add3A_129] : memref<2x320000xi32, #tpu.memory_space<hbm>> -> memref<1x400xi32, #tpu.memory_space<hbm>>
      %dma_start3A_157 = tpu.memref_squeeze %dma_start3A_156 : memref<1x400xi32, #tpu.memory_space<hbm>> -> memref<400xi32, #tpu.memory_space<hbm>>
      tpu.enqueue_dma source(%dma_start3A_157 : memref<400xi32, #tpu.memory_space<hbm>>) target(%dma_start3A_155 : memref<400xi32, #tpu.memory_space<vmem>>) target_semaphore(%dma_start3A_152 : memref<!tpu.dma_semaphore, #tpu.memory_space<semaphore_mem>>)
      %dma_start3A_158 = arith.constant 2 : i32
      %dma_start3A_159 = arith.constant 0 : i32
      %dma_start3A_160 = arith.constant 0 : i32
      %dma_start3A_161 = tpu.memref_slice %arg13[%sub3A_123, %dma_start3A_159, %dma_start3A_160] : memref<2x4x400xf32, #tpu.memory_space<vmem>> -> memref<1x4x400xf32, #tpu.memory_space<vmem>>
      %dma_start3A_162 = tpu.memref_squeeze %dma_start3A_161 : memref<1x4x400xf32, #tpu.memory_space<vmem>> -> memref<4x400xf32, #tpu.memory_space<vmem>>
      %dma_start3A_163 = arith.constant 0 : i32
      %dma_start3A_164 = tpu.memref_slice %arg4[%dma_start3A_163, %add3A_129] : memref<4x320000xf32, #tpu.memory_space<hbm>> -> memref<4x400xf32, #tpu.memory_space<hbm>>
      %dma_start3A_165 = tpu.memref_slice %arg19[%dma_start3A_158] : memref<3x!tpu.dma_semaphore, #tpu.memory_space<semaphore_mem>> -> memref<1x!tpu.dma_semaphore, #tpu.memory_space<semaphore_mem>>
      %dma_start3A_166 = tpu.memref_squeeze %dma_start3A_165 : memref<1x!tpu.dma_semaphore, #tpu.memory_space<semaphore_mem>> -> memref<!tpu.dma_semaphore, #tpu.memory_space<semaphore_mem>>
      %dma_start3A_167 = arith.constant 0 : i32
      %dma_start3A_168 = arith.constant 0 : i32
      %dma_start3A_169 = tpu.memref_slice %arg13[%sub3A_123, %dma_start3A_167, %dma_start3A_168] : memref<2x4x400xf32, #tpu.memory_space<vmem>> -> memref<1x4x400xf32, #tpu.memory_space<vmem>>
      %dma_start3A_170 = tpu.memref_squeeze %dma_start3A_169 : memref<1x4x400xf32, #tpu.memory_space<vmem>> -> memref<4x400xf32, #tpu.memory_space<vmem>>
      %dma_start3A_171 = arith.constant 0 : i32
      %dma_start3A_172 = tpu.memref_slice %arg4[%dma_start3A_171, %add3A_129] : memref<4x320000xf32, #tpu.memory_space<hbm>> -> memref<4x400xf32, #tpu.memory_space<hbm>>
      tpu.enqueue_dma source(%dma_start3A_172 : memref<4x400xf32, #tpu.memory_space<hbm>>) target(%dma_start3A_170 : memref<4x400xf32, #tpu.memory_space<vmem>>) target_semaphore(%dma_start3A_166 : memref<!tpu.dma_semaphore, #tpu.memory_space<semaphore_mem>>)
      %dma_start3A_173 = arith.constant 0 : i32
      %dma_start3A_174 = arith.constant 0 : i32
      %dma_start3A_175 = arith.constant 0 : i32
      %dma_start3A_176 = arith.constant 0 : i32
      %dma_start3A_177 = tpu.memref_slice %arg16[%dma_start3A_173, %dma_start3A_175, %dma_start3A_176] : memref<2x80x128xf32, #tpu.memory_space<vmem>> -> memref<1x80x128xf32, #tpu.memory_space<vmem>>
      %dma_start3A_178 = tpu.memref_squeeze %dma_start3A_177 : memref<1x80x128xf32, #tpu.memory_space<vmem>> -> memref<80x128xf32, #tpu.memory_space<vmem>>
      %dma_start3A_179 = arith.constant 0 : i32
      %dma_start3A_180 = tpu.memref_slice %arg11[%select_n3A_122, %dma_start3A_179] : memref<2x400xi32, #tpu.memory_space<vmem>> -> memref<1x80xi32, #tpu.memory_space<vmem>>
      %dma_start3A_181 = tpu.memref_squeeze %dma_start3A_180 : memref<1x80xi32, #tpu.memory_space<vmem>> -> memref<80xi32, #tpu.memory_space<vmem>>
      %dma_start3A_182 = arith.constant 0 : i32
      %dma_start3A_183 = arith.constant 0 : i32
      %dma_start3A_184 = tpu.memref_slice %arg2[%dma_start3A_182, %dma_start3A_183] : memref<10000x128xf32, #tpu.memory_space<hbm>> -> memref<10000x128xf32, #tpu.memory_space<hbm>>
      %dma_start3A_185 = tpu.memref_slice %arg20[%dma_start3A_174] : memref<2x!tpu.dma_semaphore, #tpu.memory_space<semaphore_mem>> -> memref<1x!tpu.dma_semaphore, #tpu.memory_space<semaphore_mem>>
      %dma_start3A_186 = tpu.memref_squeeze %dma_start3A_185 : memref<1x!tpu.dma_semaphore, #tpu.memory_space<semaphore_mem>> -> memref<!tpu.dma_semaphore, #tpu.memory_space<semaphore_mem>>
      tpu.enqueue_indirect_dma source(%dma_start3A_184 : memref<10000x128xf32, #tpu.memory_space<hbm>>) target(%dma_start3A_178 : memref<80x128xf32, #tpu.memory_space<vmem>>) offsets(%dma_start3A_181 : memref<80xi32, #tpu.memory_space<vmem>>) semaphore(%dma_start3A_186 : memref<!tpu.dma_semaphore, #tpu.memory_space<semaphore_mem>>)
      %dma_start3A_187 = arith.constant 1 : i32
      %dma_start3A_188 = arith.constant 1 : i32
      %dma_start3A_189 = arith.constant 0 : i32
      %dma_start3A_190 = arith.constant 0 : i32
      %dma_start3A_191 = tpu.memref_slice %arg16[%dma_start3A_187, %dma_start3A_189, %dma_start3A_190] : memref<2x80x128xf32, #tpu.memory_space<vmem>> -> memref<1x80x128xf32, #tpu.memory_space<vmem>>
      %dma_start3A_192 = tpu.memref_squeeze %dma_start3A_191 : memref<1x80x128xf32, #tpu.memory_space<vmem>> -> memref<80x128xf32, #tpu.memory_space<vmem>>
      %dma_start3A_193 = arith.constant 80 : i32
      %dma_start3A_194 = tpu.memref_slice %arg11[%select_n3A_122, %dma_start3A_193] : memref<2x400xi32, #tpu.memory_space<vmem>> -> memref<1x80xi32, #tpu.memory_space<vmem>>
      %dma_start3A_195 = tpu.memref_squeeze %dma_start3A_194 : memref<1x80xi32, #tpu.memory_space<vmem>> -> memref<80xi32, #tpu.memory_space<vmem>>
      %dma_start3A_196 = arith.constant 0 : i32
      %dma_start3A_197 = arith.constant 0 : i32
      %dma_start3A_198 = tpu.memref_slice %arg2[%dma_start3A_196, %dma_start3A_197] : memref<10000x128xf32, #tpu.memory_space<hbm>> -> memref<10000x128xf32, #tpu.memory_space<hbm>>
      %dma_start3A_199 = tpu.memref_slice %arg20[%dma_start3A_188] : memref<2x!tpu.dma_semaphore, #tpu.memory_space<semaphore_mem>> -> memref<1x!tpu.dma_semaphore, #tpu.memory_space<semaphore_mem>>
      %dma_start3A_200 = tpu.memref_squeeze %dma_start3A_199 : memref<1x!tpu.dma_semaphore, #tpu.memory_space<semaphore_mem>> -> memref<!tpu.dma_semaphore, #tpu.memory_space<semaphore_mem>>
      tpu.enqueue_indirect_dma source(%dma_start3A_198 : memref<10000x128xf32, #tpu.memory_space<hbm>>) target(%dma_start3A_192 : memref<80x128xf32, #tpu.memory_space<vmem>>) offsets(%dma_start3A_195 : memref<80xi32, #tpu.memory_space<vmem>>) semaphore(%dma_start3A_200 : memref<!tpu.dma_semaphore, #tpu.memory_space<semaphore_mem>>)
      %broadcast_in_dim3A = arith.constant 0 : i32
      %broadcast_in_dim3A_201 = vector.broadcast %broadcast_in_dim3A : i32 to vector<16xi32>
      %broadcast_in_dim3A_202 = arith.constant 0 : i32
      %broadcast_in_dim3A_203 = vector.broadcast %broadcast_in_dim3A_202 : i32 to vector<16xi32>
      %get3A = arith.constant 0 : i32
      %get3A_204 = arith.index_cast %select_n3A_122 : i32 to index
      %get3A_205 = arith.index_cast %get3A : i32 to index
      %get3A_206 = arith.constant 0 : index
      %get3A_207 = tpu.vector_load %arg13[%get3A_204, %get3A_205, %get3A_206] {strides = array<i32>} : memref<2x4x400xf32, #tpu.memory_space<vmem>>, vector<16xf32>,
      %add3A_208 = arith.constant 0 : i32
      %add3A_209 = vector.broadcast %add3A_208 : i32 to vector<16xi32>
      %add3A_210 = arith.addi %add3A_209, %iota3A : vector<16xi32>
      tpu.vector_store_idx %arg14[%broadcast_in_dim3A_201, %add3A_210, %broadcast_in_dim3A_203], %get3A_207 : memref<2x80x16xf32, #tpu.memory_space<vmem>>[vector<16xi32>, vector<16xi32>, vector<16xi32>], vector<16xf32>,
      %get3A_211 = arith.constant 0 : i32
      %get3A_212 = arith.index_cast %select_n3A_122 : i32 to index
      %get3A_213 = arith.index_cast %get3A_211 : i32 to index
      %get3A_214 = arith.constant 16 : index
      %get3A_215 = tpu.vector_load %arg13[%get3A_212, %get3A_213, %get3A_214] {strides = array<i32>} : memref<2x4x400xf32, #tpu.memory_space<vmem>>, vector<16xf32>,
      %add3A_216 = arith.constant 16 : i32
      %add3A_217 = vector.broadcast %add3A_216 : i32 to vector<16xi32>
      %add3A_218 = arith.addi %add3A_217, %iota3A : vector<16xi32>
      tpu.vector_store_idx %arg14[%broadcast_in_dim3A_201, %add3A_218, %broadcast_in_dim3A_203], %get3A_215 : memref<2x80x16xf32, #tpu.memory_space<vmem>>[vector<16xi32>, vector<16xi32>, vector<16xi32>], vector<16xf32>,
      %get3A_219 = arith.constant 0 : i32
      %get3A_220 = arith.index_cast %select_n3A_122 : i32 to index
      %get3A_221 = arith.index_cast %get3A_219 : i32 to index
      %get3A_222 = arith.constant 32 : index
      %get3A_223 = tpu.vector_load %arg13[%get3A_220, %get3A_221, %get3A_222] {strides = array<i32>} : memref<2x4x400xf32, #tpu.memory_space<vmem>>, vector<16xf32>,
      %add3A_224 = arith.constant 32 : i32
      %add3A_225 = vector.broadcast %add3A_224 : i32 to vector<16xi32>
      %add3A_226 = arith.addi %add3A_225, %iota3A : vector<16xi32>
      tpu.vector_store_idx %arg14[%broadcast_in_dim3A_201, %add3A_226, %broadcast_in_dim3A_203], %get3A_223 : memref<2x80x16xf32, #tpu.memory_space<vmem>>[vector<16xi32>, vector<16xi32>, vector<16xi32>], vector<16xf32>,
      %get3A_227 = arith.constant 0 : i32
      %get3A_228 = arith.index_cast %select_n3A_122 : i32 to index
      %get3A_229 = arith.index_cast %get3A_227 : i32 to index
      %get3A_230 = arith.constant 48 : index
      %get3A_231 = tpu.vector_load %arg13[%get3A_228, %get3A_229, %get3A_230] {strides = array<i32>} : memref<2x4x400xf32, #tpu.memory_space<vmem>>, vector<16xf32>,
      %add3A_232 = arith.constant 48 : i32
      %add3A_233 = vector.broadcast %add3A_232 : i32 to vector<16xi32>
      %add3A_234 = arith.addi %add3A_233, %iota3A : vector<16xi32>
      tpu.vector_store_idx %arg14[%broadcast_in_dim3A_201, %add3A_234, %broadcast_in_dim3A_203], %get3A_231 : memref<2x80x16xf32, #tpu.memory_space<vmem>>[vector<16xi32>, vector<16xi32>, vector<16xi32>], vector<16xf32>,
      %get3A_235 = arith.constant 0 : i32
      %get3A_236 = arith.index_cast %select_n3A_122 : i32 to index
      %get3A_237 = arith.index_cast %get3A_235 : i32 to index
      %get3A_238 = arith.constant 64 : index
      %get3A_239 = tpu.vector_load %arg13[%get3A_236, %get3A_237, %get3A_238] {strides = array<i32>} : memref<2x4x400xf32, #tpu.memory_space<vmem>>, vector<16xf32>,
      %add3A_240 = arith.constant 64 : i32
      %add3A_241 = vector.broadcast %add3A_240 : i32 to vector<16xi32>
      %add3A_242 = arith.addi %add3A_241, %iota3A : vector<16xi32>
      tpu.vector_store_idx %arg14[%broadcast_in_dim3A_201, %add3A_242, %broadcast_in_dim3A_203], %get3A_239 : memref<2x80x16xf32, #tpu.memory_space<vmem>>[vector<16xi32>, vector<16xi32>, vector<16xi32>], vector<16xf32>,
      %broadcast_in_dim3A_243 = arith.constant 1 : i32
      %broadcast_in_dim3A_244 = vector.broadcast %broadcast_in_dim3A_243 : i32 to vector<16xi32>
      %get3A_245 = arith.constant 1 : i32
      %get3A_246 = arith.index_cast %select_n3A_122 : i32 to index
      %get3A_247 = arith.index_cast %get3A_245 : i32 to index
      %get3A_248 = arith.constant 0 : index
      %get3A_249 = tpu.vector_load %arg13[%get3A_246, %get3A_247, %get3A_248] {strides = array<i32>} : memref<2x4x400xf32, #tpu.memory_space<vmem>>, vector<16xf32>,
      %add3A_250 = arith.constant 0 : i32
      %add3A_251 = vector.broadcast %add3A_250 : i32 to vector<16xi32>
      %add3A_252 = arith.addi %add3A_251, %iota3A : vector<16xi32>
      tpu.vector_store_idx %arg14[%broadcast_in_dim3A_201, %add3A_252, %broadcast_in_dim3A_244], %get3A_249 : memref<2x80x16xf32, #tpu.memory_space<vmem>>[vector<16xi32>, vector<16xi32>, vector<16xi32>], vector<16xf32>,
      %get3A_253 = arith.constant 1 : i32
      %get3A_254 = arith.index_cast %select_n3A_122 : i32 to index
      %get3A_255 = arith.index_cast %get3A_253 : i32 to index
      %get3A_256 = arith.constant 16 : index
      %get3A_257 = tpu.vector_load %arg13[%get3A_254, %get3A_255, %get3A_256] {strides = array<i32>} : memref<2x4x400xf32, #tpu.memory_space<vmem>>, vector<16xf32>,
      %add3A_258 = arith.constant 16 : i32
      %add3A_259 = vector.broadcast %add3A_258 : i32 to vector<16xi32>
      %add3A_260 = arith.addi %add3A_259, %iota3A : vector<16xi32>
      tpu.vector_store_idx %arg14[%broadcast_in_dim3A_201, %add3A_260, %broadcast_in_dim3A_244], %get3A_257 : memref<2x80x16xf32, #tpu.memory_space<vmem>>[vector<16xi32>, vector<16xi32>, vector<16xi32>], vector<16xf32>,
      %get3A_261 = arith.constant 1 : i32
      %get3A_262 = arith.index_cast %select_n3A_122 : i32 to index
      %get3A_263 = arith.index_cast %get3A_261 : i32 to index
      %get3A_264 = arith.constant 32 : index
      %get3A_265 = tpu.vector_load %arg13[%get3A_262, %get3A_263, %get3A_264] {strides = array<i32>} : memref<2x4x400xf32, #tpu.memory_space<vmem>>, vector<16xf32>,
      %add3A_266 = arith.constant 32 : i32
      %add3A_267 = vector.broadcast %add3A_266 : i32 to vector<16xi32>
      %add3A_268 = arith.addi %add3A_267, %iota3A : vector<16xi32>
      tpu.vector_store_idx %arg14[%broadcast_in_dim3A_201, %add3A_268, %broadcast_in_dim3A_244], %get3A_265 : memref<2x80x16xf32, #tpu.memory_space<vmem>>[vector<16xi32>, vector<16xi32>, vector<16xi32>], vector<16xf32>,
      %get3A_269 = arith.constant 1 : i32
      %get3A_270 = arith.index_cast %select_n3A_122 : i32 to index
      %get3A_271 = arith.index_cast %get3A_269 : i32 to index
      %get3A_272 = arith.constant 48 : index
      %get3A_273 = tpu.vector_load %arg13[%get3A_270, %get3A_271, %get3A_272] {strides = array<i32>} : memref<2x4x400xf32, #tpu.memory_space<vmem>>, vector<16xf32>,
      %add3A_274 = arith.constant 48 : i32
      %add3A_275 = vector.broadcast %add3A_274 : i32 to vector<16xi32>
      %add3A_276 = arith.addi %add3A_275, %iota3A : vector<16xi32>
      tpu.vector_store_idx %arg14[%broadcast_in_dim3A_201, %add3A_276, %broadcast_in_dim3A_244], %get3A_273 : memref<2x80x16xf32, #tpu.memory_space<vmem>>[vector<16xi32>, vector<16xi32>, vector<16xi32>], vector<16xf32>,
      %get3A_277 = arith.constant 1 : i32
      %get3A_278 = arith.index_cast %select_n3A_122 : i32 to index
      %get3A_279 = arith.index_cast %get3A_277 : i32 to index
      %get3A_280 = arith.constant 64 : index
      %get3A_281 = tpu.vector_load %arg13[%get3A_278, %get3A_279, %get3A_280] {strides = array<i32>} : memref<2x4x400xf32, #tpu.memory_space<vmem>>, vector<16xf32>,
      %add3A_282 = arith.constant 64 : i32
      %add3A_283 = vector.broadcast %add3A_282 : i32 to vector<16xi32>
      %add3A_284 = arith.addi %add3A_283, %iota3A : vector<16xi32>
      tpu.vector_store_idx %arg14[%broadcast_in_dim3A_201, %add3A_284, %broadcast_in_dim3A_244], %get3A_281 : memref<2x80x16xf32, #tpu.memory_space<vmem>>[vector<16xi32>, vector<16xi32>, vector<16xi32>], vector<16xf32>,
      %broadcast_in_dim3A_285 = arith.constant 2 : i32
      %broadcast_in_dim3A_286 = vector.broadcast %broadcast_in_dim3A_285 : i32 to vector<16xi32>
      %get3A_287 = arith.constant 2 : i32
      %get3A_288 = arith.index_cast %select_n3A_122 : i32 to index
      %get3A_289 = arith.index_cast %get3A_287 : i32 to index
      %get3A_290 = arith.constant 0 : index
      %get3A_291 = tpu.vector_load %arg13[%get3A_288, %get3A_289, %get3A_290] {strides = array<i32>} : memref<2x4x400xf32, #tpu.memory_space<vmem>>, vector<16xf32>,
      %add3A_292 = arith.constant 0 : i32
      %add3A_293 = vector.broadcast %add3A_292 : i32 to vector<16xi32>
      %add3A_294 = arith.addi %add3A_293, %iota3A : vector<16xi32>
      tpu.vector_store_idx %arg14[%broadcast_in_dim3A_201, %add3A_294, %broadcast_in_dim3A_286], %get3A_291 : memref<2x80x16xf32, #tpu.memory_space<vmem>>[vector<16xi32>, vector<16xi32>, vector<16xi32>], vector<16xf32>,
      %get3A_295 = arith.constant 2 : i32
      %get3A_296 = arith.index_cast %select_n3A_122 : i32 to index
      %get3A_297 = arith.index_cast %get3A_295 : i32 to index
      %get3A_298 = arith.constant 16 : index
      %get3A_299 = tpu.vector_load %arg13[%get3A_296, %get3A_297, %get3A_298] {strides = array<i32>} : memref<2x4x400xf32, #tpu.memory_space<vmem>>, vector<16xf32>,
      %add3A_300 = arith.constant 16 : i32
      %add3A_301 = vector.broadcast %add3A_300 : i32 to vector<16xi32>
      %add3A_302 = arith.addi %add3A_301, %iota3A : vector<16xi32>
      tpu.vector_store_idx %arg14[%broadcast_in_dim3A_201, %add3A_302, %broadcast_in_dim3A_286], %get3A_299 : memref<2x80x16xf32, #tpu.memory_space<vmem>>[vector<16xi32>, vector<16xi32>, vector<16xi32>], vector<16xf32>,
      %get3A_303 = arith.constant 2 : i32
      %get3A_304 = arith.index_cast %select_n3A_122 : i32 to index
      %get3A_305 = arith.index_cast %get3A_303 : i32 to index
      %get3A_306 = arith.constant 32 : index
      %get3A_307 = tpu.vector_load %arg13[%get3A_304, %get3A_305, %get3A_306] {strides = array<i32>} : memref<2x4x400xf32, #tpu.memory_space<vmem>>, vector<16xf32>,
      %add3A_308 = arith.constant 32 : i32
      %add3A_309 = vector.broadcast %add3A_308 : i32 to vector<16xi32>
      %add3A_310 = arith.addi %add3A_309, %iota3A : vector<16xi32>
      tpu.vector_store_idx %arg14[%broadcast_in_dim3A_201, %add3A_310, %broadcast_in_dim3A_286], %get3A_307 : memref<2x80x16xf32, #tpu.memory_space<vmem>>[vector<16xi32>, vector<16xi32>, vector<16xi32>], vector<16xf32>,
      %get3A_311 = arith.constant 2 : i32
      %get3A_312 = arith.index_cast %select_n3A_122 : i32 to index
      %get3A_313 = arith.index_cast %get3A_311 : i32 to index
      %get3A_314 = arith.constant 48 : index
      %get3A_315 = tpu.vector_load %arg13[%get3A_312, %get3A_313, %get3A_314] {strides = array<i32>} : memref<2x4x400xf32, #tpu.memory_space<vmem>>, vector<16xf32>,
      %add3A_316 = arith.constant 48 : i32
      %add3A_317 = vector.broadcast %add3A_316 : i32 to vector<16xi32>
      %add3A_318 = arith.addi %add3A_317, %iota3A : vector<16xi32>
      tpu.vector_store_idx %arg14[%broadcast_in_dim3A_201, %add3A_318, %broadcast_in_dim3A_286], %get3A_315 : memref<2x80x16xf32, #tpu.memory_space<vmem>>[vector<16xi32>, vector<16xi32>, vector<16xi32>], vector<16xf32>,
      %get3A_319 = arith.constant 2 : i32
      %get3A_320 = arith.index_cast %select_n3A_122 : i32 to index
      %get3A_321 = arith.index_cast %get3A_319 : i32 to index
      %get3A_322 = arith.constant 64 : index
      %get3A_323 = tpu.vector_load %arg13[%get3A_320, %get3A_321, %get3A_322] {strides = array<i32>} : memref<2x4x400xf32, #tpu.memory_space<vmem>>, vector<16xf32>,
      %add3A_324 = arith.constant 64 : i32
      %add3A_325 = vector.broadcast %add3A_324 : i32 to vector<16xi32>
      %add3A_326 = arith.addi %add3A_325, %iota3A : vector<16xi32>
      tpu.vector_store_idx %arg14[%broadcast_in_dim3A_201, %add3A_326, %broadcast_in_dim3A_286], %get3A_323 : memref<2x80x16xf32, #tpu.memory_space<vmem>>[vector<16xi32>, vector<16xi32>, vector<16xi32>], vector<16xf32>,
      %broadcast_in_dim3A_327 = arith.constant 3 : i32
      %broadcast_in_dim3A_328 = vector.broadcast %broadcast_in_dim3A_327 : i32 to vector<16xi32>
      %get3A_329 = arith.constant 3 : i32
      %get3A_330 = arith.index_cast %select_n3A_122 : i32 to index
      %get3A_331 = arith.index_cast %get3A_329 : i32 to index
      %get3A_332 = arith.constant 0 : index
      %get3A_333 = tpu.vector_load %arg13[%get3A_330, %get3A_331, %get3A_332] {strides = array<i32>} : memref<2x4x400xf32, #tpu.memory_space<vmem>>, vector<16xf32>,
      %add3A_334 = arith.constant 0 : i32
      %add3A_335 = vector.broadcast %add3A_334 : i32 to vector<16xi32>
      %add3A_336 = arith.addi %add3A_335, %iota3A : vector<16xi32>
      tpu.vector_store_idx %arg14[%broadcast_in_dim3A_201, %add3A_336, %broadcast_in_dim3A_328], %get3A_333 : memref<2x80x16xf32, #tpu.memory_space<vmem>>[vector<16xi32>, vector<16xi32>, vector<16xi32>], vector<16xf32>,
      %get3A_337 = arith.constant 3 : i32
      %get3A_338 = arith.index_cast %select_n3A_122 : i32 to index
      %get3A_339 = arith.index_cast %get3A_337 : i32 to index
      %get3A_340 = arith.constant 16 : index
      %get3A_341 = tpu.vector_load %arg13[%get3A_338, %get3A_339, %get3A_340] {strides = array<i32>} : memref<2x4x400xf32, #tpu.memory_space<vmem>>, vector<16xf32>,
      %add3A_342 = arith.constant 16 : i32
      %add3A_343 = vector.broadcast %add3A_342 : i32 to vector<16xi32>
      %add3A_344 = arith.addi %add3A_343, %iota3A : vector<16xi32>
      tpu.vector_store_idx %arg14[%broadcast_in_dim3A_201, %add3A_344, %broadcast_in_dim3A_328], %get3A_341 : memref<2x80x16xf32, #tpu.memory_space<vmem>>[vector<16xi32>, vector<16xi32>, vector<16xi32>], vector<16xf32>,
      %get3A_345 = arith.constant 3 : i32
      %get3A_346 = arith.index_cast %select_n3A_122 : i32 to index
      %get3A_347 = arith.index_cast %get3A_345 : i32 to index
      %get3A_348 = arith.constant 32 : index
      %get3A_349 = tpu.vector_load %arg13[%get3A_346, %get3A_347, %get3A_348] {strides = array<i32>} : memref<2x4x400xf32, #tpu.memory_space<vmem>>, vector<16xf32>,
      %add3A_350 = arith.constant 32 : i32
      %add3A_351 = vector.broadcast %add3A_350 : i32 to vector<16xi32>
      %add3A_352 = arith.addi %add3A_351, %iota3A : vector<16xi32>
      tpu.vector_store_idx %arg14[%broadcast_in_dim3A_201, %add3A_352, %broadcast_in_dim3A_328], %get3A_349 : memref<2x80x16xf32, #tpu.memory_space<vmem>>[vector<16xi32>, vector<16xi32>, vector<16xi32>], vector<16xf32>,
      %get3A_353 = arith.constant 3 : i32
      %get3A_354 = arith.index_cast %select_n3A_122 : i32 to index
      %get3A_355 = arith.index_cast %get3A_353 : i32 to index
      %get3A_356 = arith.constant 48 : index
      %get3A_357 = tpu.vector_load %arg13[%get3A_354, %get3A_355, %get3A_356] {strides = array<i32>} : memref<2x4x400xf32, #tpu.memory_space<vmem>>, vector<16xf32>,
      %add3A_358 = arith.constant 48 : i32
      %add3A_359 = vector.broadcast %add3A_358 : i32 to vector<16xi32>
      %add3A_360 = arith.addi %add3A_359, %iota3A : vector<16xi32>
      tpu.vector_store_idx %arg14[%broadcast_in_dim3A_201, %add3A_360, %broadcast_in_dim3A_328], %get3A_357 : memref<2x80x16xf32, #tpu.memory_space<vmem>>[vector<16xi32>, vector<16xi32>, vector<16xi32>], vector<16xf32>,
      %get3A_361 = arith.constant 3 : i32
      %get3A_362 = arith.index_cast %select_n3A_122 : i32 to index
      %get3A_363 = arith.index_cast %get3A_361 : i32 to index
      %get3A_364 = arith.constant 64 : index
      %get3A_365 = tpu.vector_load %arg13[%get3A_362, %get3A_363, %get3A_364] {strides = array<i32>} : memref<2x4x400xf32, #tpu.memory_space<vmem>>, vector<16xf32>,
      %add3A_366 = arith.constant 64 : i32
      %add3A_367 = vector.broadcast %add3A_366 : i32 to vector<16xi32>
      %add3A_368 = arith.addi %add3A_367, %iota3A : vector<16xi32>
      tpu.vector_store_idx %arg14[%broadcast_in_dim3A_201, %add3A_368, %broadcast_in_dim3A_328], %get3A_365 : memref<2x80x16xf32, #tpu.memory_space<vmem>>[vector<16xi32>, vector<16xi32>, vector<16xi32>], vector<16xf32>,
      %dma_wait3A_369 = arith.constant 0 : i32
      %dma_wait3A_370 = arith.constant 0 : i32
      %dma_wait3A_371 = arith.constant 0 : i32
      %dma_wait3A_372 = arith.constant 0 : i32
      %dma_wait3A_373 = tpu.memref_slice %arg16[%dma_wait3A_369, %dma_wait3A_371, %dma_wait3A_372] : memref<2x80x128xf32, #tpu.memory_space<vmem>> -> memref<1x80x128xf32, #tpu.memory_space<vmem>>
      %dma_wait3A_374 = tpu.memref_squeeze %dma_wait3A_373 : memref<1x80x128xf32, #tpu.memory_space<vmem>> -> memref<80x128xf32, #tpu.memory_space<vmem>>
      %dma_wait3A_375 = arith.constant 0 : i32
      %dma_wait3A_376 = tpu.memref_slice %arg11[%select_n3A_122, %dma_wait3A_375] : memref<2x400xi32, #tpu.memory_space<vmem>> -> memref<1x80xi32, #tpu.memory_space<vmem>>
      %dma_wait3A_377 = tpu.memref_squeeze %dma_wait3A_376 : memref<1x80xi32, #tpu.memory_space<vmem>> -> memref<80xi32, #tpu.memory_space<vmem>>
      %dma_wait3A_378 = arith.constant 0 : i32
      %dma_wait3A_379 = arith.constant 0 : i32
      %dma_wait3A_380 = tpu.memref_slice %arg2[%dma_wait3A_378, %dma_wait3A_379] : memref<10000x128xf32, #tpu.memory_space<hbm>> -> memref<10000x128xf32, #tpu.memory_space<hbm>>
      %dma_wait3A_381 = tpu.memref_slice %arg20[%dma_wait3A_370] : memref<2x!tpu.dma_semaphore, #tpu.memory_space<semaphore_mem>> -> memref<1x!tpu.dma_semaphore, #tpu.memory_space<semaphore_mem>>
      %dma_wait3A_382 = tpu.memref_squeeze %dma_wait3A_381 : memref<1x!tpu.dma_semaphore, #tpu.memory_space<semaphore_mem>> -> memref<!tpu.dma_semaphore, #tpu.memory_space<semaphore_mem>>
      tpu.wait_indirect_dma semaphore(%dma_wait3A_382 : memref<!tpu.dma_semaphore, #tpu.memory_space<semaphore_mem>>) src(%dma_wait3A_380 : memref<10000x128xf32, #tpu.memory_space<hbm>>) dst(%dma_wait3A_374 : memref<80x128xf32, #tpu.memory_space<vmem>>)
      %dma_start3A_383 = arith.constant 0 : i32
      %dma_start3A_384 = arith.constant 0 : i32
      %dma_start3A_385 = arith.constant 0 : i32
      %dma_start3A_386 = arith.constant 0 : i32
      %dma_start3A_387 = arith.constant 0 : i32
      %dma_start3A_388 = tpu.memref_slice %arg16[%dma_start3A_383, %dma_start3A_386, %dma_start3A_387] : memref<2x80x128xf32, #tpu.memory_space<vmem>> -> memref<1x80x128xf32, #tpu.memory_space<vmem>>
      %dma_start3A_389 = tpu.memref_squeeze %dma_start3A_388 : memref<1x80x128xf32, #tpu.memory_space<vmem>> -> memref<80x128xf32, #tpu.memory_space<vmem>>
      %dma_start3A_390 = arith.constant 0 : i32
      %dma_start3A_391 = tpu.memref_slice %arg15[%select_n3A_122, %dma_start3A_384, %dma_start3A_390] : memref<2x5x80xi32, #tpu.memory_space<vmem>> -> memref<1x1x80xi32, #tpu.memory_space<vmem>>
      %dma_start3A_392 = tpu.memref_squeeze %dma_start3A_391 : memref<1x1x80xi32, #tpu.memory_space<vmem>> -> memref<80xi32, #tpu.memory_space<vmem>>
      %dma_start3A_393 = arith.constant 0 : i32
      %dma_start3A_394 = arith.constant 0 : i32
      %dma_start3A_395 = tpu.memref_slice %arg17[%dma_start3A_393, %dma_start3A_394] : memref<10240x128xf32, #tpu.memory_space<vmem_shared>> -> memref<10240x128xf32, #tpu.memory_space<vmem_shared>>
      %dma_start3A_396 = tpu.memref_slice %arg21[%dma_start3A_385] : memref<2x!tpu.dma_semaphore, #tpu.memory_space<semaphore_mem>> -> memref<1x!tpu.dma_semaphore, #tpu.memory_space<semaphore_mem>>
      %dma_start3A_397 = tpu.memref_squeeze %dma_start3A_396 : memref<1x!tpu.dma_semaphore, #tpu.memory_space<semaphore_mem>> -> memref<!tpu.dma_semaphore, #tpu.memory_space<semaphore_mem>>
      tpu.enqueue_indirect_dma source(%dma_start3A_389 : memref<80x128xf32, #tpu.memory_space<vmem>>) target(%dma_start3A_395 : memref<10240x128xf32, #tpu.memory_space<vmem_shared>>) offsets(%dma_start3A_392 : memref<80xi32, #tpu.memory_space<vmem>>) semaphore(%dma_start3A_397 : memref<!tpu.dma_semaphore, #tpu.memory_space<semaphore_mem>>) {add = true}
      %dma_start3A_398 = arith.constant 0 : i32
      %dma_start3A_399 = arith.constant 0 : i32
      %dma_start3A_400 = arith.constant 0 : i32
      %dma_start3A_401 = arith.constant 0 : i32
      %dma_start3A_402 = arith.constant 0 : i32
      %dma_start3A_403 = tpu.memref_slice %arg14[%dma_start3A_398, %dma_start3A_401, %dma_start3A_402] : memref<2x80x16xf32, #tpu.memory_space<vmem>> -> memref<1x80x16xf32, #tpu.memory_space<vmem>>
      %dma_start3A_404 = tpu.memref_squeeze %dma_start3A_403 : memref<1x80x16xf32, #tpu.memory_space<vmem>> -> memref<80x16xf32, #tpu.memory_space<vmem>>
      %dma_start3A_405 = arith.constant 0 : i32
      %dma_start3A_406 = tpu.memref_slice %arg15[%select_n3A_122, %dma_start3A_399, %dma_start3A_405] : memref<2x5x80xi32, #tpu.memory_space<vmem>> -> memref<1x1x80xi32, #tpu.memory_space<vmem>>
      %dma_start3A_407 = tpu.memref_squeeze %dma_start3A_406 : memref<1x1x80xi32, #tpu.memory_space<vmem>> -> memref<80xi32, #tpu.memory_space<vmem>>
      %dma_start3A_408 = arith.constant 0 : i32
      %dma_start3A_409 = arith.constant 0 : i32
      %dma_start3A_410 = tpu.memref_slice %arg18[%dma_start3A_408, %dma_start3A_409] : memref<10240x16xf32, #tpu.memory_space<vmem_shared>> -> memref<10240x16xf32, #tpu.memory_space<vmem_shared>>
      %dma_start3A_411 = tpu.memref_slice %arg22[%dma_start3A_400] : memref<2x!tpu.dma_semaphore, #tpu.memory_space<semaphore_mem>> -> memref<1x!tpu.dma_semaphore, #tpu.memory_space<semaphore_mem>>
      %dma_start3A_412 = tpu.memref_squeeze %dma_start3A_411 : memref<1x!tpu.dma_semaphore, #tpu.memory_space<semaphore_mem>> -> memref<!tpu.dma_semaphore, #tpu.memory_space<semaphore_mem>>
      tpu.enqueue_indirect_dma source(%dma_start3A_404 : memref<80x16xf32, #tpu.memory_space<vmem>>) target(%dma_start3A_410 : memref<10240x16xf32, #tpu.memory_space<vmem_shared>>) offsets(%dma_start3A_407 : memref<80xi32, #tpu.memory_space<vmem>>) semaphore(%dma_start3A_412 : memref<!tpu.dma_semaphore, #tpu.memory_space<semaphore_mem>>) {add = true}
      %dma_wait3A_413 = arith.constant 0 : i32
      %dma_wait3A_414 = arith.constant 0 : i32
      %dma_wait3A_415 = arith.constant 0 : i32
      %dma_wait3A_416 = arith.constant 0 : i32
      %dma_wait3A_417 = arith.constant 0 : i32
      %dma_wait3A_418 = tpu.memref_slice %arg16[%dma_wait3A_413, %dma_wait3A_416, %dma_wait3A_417] : memref<2x80x128xf32, #tpu.memory_space<vmem>> -> memref<1x80x128xf32, #tpu.memory_space<vmem>>
      %dma_wait3A_419 = tpu.memref_squeeze %dma_wait3A_418 : memref<1x80x128xf32, #tpu.memory_space<vmem>> -> memref<80x128xf32, #tpu.memory_space<vmem>>
      %dma_wait3A_420 = arith.constant 0 : i32
      %dma_wait3A_421 = tpu.memref_slice %arg15[%select_n3A_122, %dma_wait3A_414, %dma_wait3A_420] : memref<2x5x80xi32, #tpu.memory_space<vmem>> -> memref<1x1x80xi32, #tpu.memory_space<vmem>>
      %dma_wait3A_422 = tpu.memref_squeeze %dma_wait3A_421 : memref<1x1x80xi32, #tpu.memory_space<vmem>> -> memref<80xi32, #tpu.memory_space<vmem>>
      %dma_wait3A_423 = arith.constant 0 : i32
      %dma_wait3A_424 = arith.constant 0 : i32
      %dma_wait3A_425 = tpu.memref_slice %arg17[%dma_wait3A_423, %dma_wait3A_424] : memref<10240x128xf32, #tpu.memory_space<vmem_shared>> -> memref<10240x128xf32, #tpu.memory_space<vmem_shared>>
      %dma_wait3A_426 = tpu.memref_slice %arg21[%dma_wait3A_415] : memref<2x!tpu.dma_semaphore, #tpu.memory_space<semaphore_mem>> -> memref<1x!tpu.dma_semaphore, #tpu.memory_space<semaphore_mem>>
      %dma_wait3A_427 = tpu.memref_squeeze %dma_wait3A_426 : memref<1x!tpu.dma_semaphore, #tpu.memory_space<semaphore_mem>> -> memref<!tpu.dma_semaphore, #tpu.memory_space<semaphore_mem>>
      tpu.wait_indirect_dma semaphore(%dma_wait3A_427 : memref<!tpu.dma_semaphore, #tpu.memory_space<semaphore_mem>>) src(%dma_wait3A_419 : memref<80x128xf32, #tpu.memory_space<vmem>>) dst(%dma_wait3A_425 : memref<10240x128xf32, #tpu.memory_space<vmem_shared>>)
      %dma_wait3A_428 = arith.constant 0 : i32
      %dma_wait3A_429 = arith.constant 0 : i32
      %dma_wait3A_430 = arith.constant 0 : i32
      %dma_wait3A_431 = arith.constant 0 : i32
      %dma_wait3A_432 = arith.constant 0 : i32
      %dma_wait3A_433 = tpu.memref_slice %arg14[%dma_wait3A_428, %dma_wait3A_431, %dma_wait3A_432] : memref<2x80x16xf32, #tpu.memory_space<vmem>> -> memref<1x80x16xf32, #tpu.memory_space<vmem>>
      %dma_wait3A_434 = tpu.memref_squeeze %dma_wait3A_433 : memref<1x80x16xf32, #tpu.memory_space<vmem>> -> memref<80x16xf32, #tpu.memory_space<vmem>>
      %dma_wait3A_435 = arith.constant 0 : i32
      %dma_wait3A_436 = tpu.memref_slice %arg15[%select_n3A_122, %dma_wait3A_429, %dma_wait3A_435] : memref<2x5x80xi32, #tpu.memory_space<vmem>> -> memref<1x1x80xi32, #tpu.memory_space<vmem>>
      %dma_wait3A_437 = tpu.memref_squeeze %dma_wait3A_436 : memref<1x1x80xi32, #tpu.memory_space<vmem>> -> memref<80xi32, #tpu.memory_space<vmem>>
      %dma_wait3A_438 = arith.constant 0 : i32
      %dma_wait3A_439 = arith.constant 0 : i32
      %dma_wait3A_440 = tpu.memref_slice %arg18[%dma_wait3A_438, %dma_wait3A_439] : memref<10240x16xf32, #tpu.memory_space<vmem_shared>> -> memref<10240x16xf32, #tpu.memory_space<vmem_shared>>
      %dma_wait3A_441 = tpu.memref_slice %arg22[%dma_wait3A_430] : memref<2x!tpu.dma_semaphore, #tpu.memory_space<semaphore_mem>> -> memref<1x!tpu.dma_semaphore, #tpu.memory_space<semaphore_mem>>
      %dma_wait3A_442 = tpu.memref_squeeze %dma_wait3A_441 : memref<1x!tpu.dma_semaphore, #tpu.memory_space<semaphore_mem>> -> memref<!tpu.dma_semaphore, #tpu.memory_space<semaphore_mem>>
      tpu.wait_indirect_dma semaphore(%dma_wait3A_442 : memref<!tpu.dma_semaphore, #tpu.memory_space<semaphore_mem>>) src(%dma_wait3A_434 : memref<80x16xf32, #tpu.memory_space<vmem>>) dst(%dma_wait3A_440 : memref<10240x16xf32, #tpu.memory_space<vmem_shared>>)
      %dma_start3A_443 = arith.constant 0 : i32
      %dma_start3A_444 = arith.constant 0 : i32
      %dma_start3A_445 = arith.constant 0 : i32
      %dma_start3A_446 = arith.constant 0 : i32
      %dma_start3A_447 = tpu.memref_slice %arg16[%dma_start3A_443, %dma_start3A_445, %dma_start3A_446] : memref<2x80x128xf32, #tpu.memory_space<vmem>> -> memref<1x80x128xf32, #tpu.memory_space<vmem>>
      %dma_start3A_448 = tpu.memref_squeeze %dma_start3A_447 : memref<1x80x128xf32, #tpu.memory_space<vmem>> -> memref<80x128xf32, #tpu.memory_space<vmem>>
      %dma_start3A_449 = arith.constant 160 : i32
      %dma_start3A_450 = tpu.memref_slice %arg11[%select_n3A_122, %dma_start3A_449] : memref<2x400xi32, #tpu.memory_space<vmem>> -> memref<1x80xi32, #tpu.memory_space<vmem>>
      %dma_start3A_451 = tpu.memref_squeeze %dma_start3A_450 : memref<1x80xi32, #tpu.memory_space<vmem>> -> memref<80xi32, #tpu.memory_space<vmem>>
      %dma_start3A_452 = arith.constant 0 : i32
      %dma_start3A_453 = arith.constant 0 : i32
      %dma_start3A_454 = tpu.memref_slice %arg2[%dma_start3A_452, %dma_start3A_453] : memref<10000x128xf32, #tpu.memory_space<hbm>> -> memref<10000x128xf32, #tpu.memory_space<hbm>>
      %dma_start3A_455 = tpu.memref_slice %arg20[%dma_start3A_444] : memref<2x!tpu.dma_semaphore, #tpu.memory_space<semaphore_mem>> -> memref<1x!tpu.dma_semaphore, #tpu.memory_space<semaphore_mem>>
      %dma_start3A_456 = tpu.memref_squeeze %dma_start3A_455 : memref<1x!tpu.dma_semaphore, #tpu.memory_space<semaphore_mem>> -> memref<!tpu.dma_semaphore, #tpu.memory_space<semaphore_mem>>
      tpu.enqueue_indirect_dma source(%dma_start3A_454 : memref<10000x128xf32, #tpu.memory_space<hbm>>) target(%dma_start3A_448 : memref<80x128xf32, #tpu.memory_space<vmem>>) offsets(%dma_start3A_451 : memref<80xi32, #tpu.memory_space<vmem>>) semaphore(%dma_start3A_456 : memref<!tpu.dma_semaphore, #tpu.memory_space<semaphore_mem>>)
      %broadcast_in_dim3A_457 = arith.constant 1 : i32
      %broadcast_in_dim3A_458 = vector.broadcast %broadcast_in_dim3A_457 : i32 to vector<16xi32>
      %broadcast_in_dim3A_459 = arith.constant 0 : i32
      %broadcast_in_dim3A_460 = vector.broadcast %broadcast_in_dim3A_459 : i32 to vector<16xi32>
      %get3A_461 = arith.constant 0 : i32
      %get3A_462 = arith.index_cast %select_n3A_122 : i32 to index
      %get3A_463 = arith.index_cast %get3A_461 : i32 to index
      %get3A_464 = arith.constant 80 : index
      %get3A_465 = tpu.vector_load %arg13[%get3A_462, %get3A_463, %get3A_464] {strides = array<i32>} : memref<2x4x400xf32, #tpu.memory_space<vmem>>, vector<16xf32>,
      %add3A_466 = arith.constant 0 : i32
      %add3A_467 = vector.broadcast %add3A_466 : i32 to vector<16xi32>
      %add3A_468 = arith.addi %add3A_467, %iota3A : vector<16xi32>
      tpu.vector_store_idx %arg14[%broadcast_in_dim3A_458, %add3A_468, %broadcast_in_dim3A_460], %get3A_465 : memref<2x80x16xf32, #tpu.memory_space<vmem>>[vector<16xi32>, vector<16xi32>, vector<16xi32>], vector<16xf32>,
      %get3A_469 = arith.constant 0 : i32
      %get3A_470 = arith.index_cast %select_n3A_122 : i32 to index
      %get3A_471 = arith.index_cast %get3A_469 : i32 to index
      %get3A_472 = arith.constant 96 : index
      %get3A_473 = tpu.vector_load %arg13[%get3A_470, %get3A_471, %get3A_472] {strides = array<i32>} : memref<2x4x400xf32, #tpu.memory_space<vmem>>, vector<16xf32>,
      %add3A_474 = arith.constant 16 : i32
      %add3A_475 = vector.broadcast %add3A_474 : i32 to vector<16xi32>
      %add3A_476 = arith.addi %add3A_475, %iota3A : vector<16xi32>
      tpu.vector_store_idx %arg14[%broadcast_in_dim3A_458, %add3A_476, %broadcast_in_dim3A_460], %get3A_473 : memref<2x80x16xf32, #tpu.memory_space<vmem>>[vector<16xi32>, vector<16xi32>, vector<16xi32>], vector<16xf32>,
      %get3A_477 = arith.constant 0 : i32
      %get3A_478 = arith.index_cast %select_n3A_122 : i32 to index
      %get3A_479 = arith.index_cast %get3A_477 : i32 to index
      %get3A_480 = arith.constant 112 : index
      %get3A_481 = tpu.vector_load %arg13[%get3A_478, %get3A_479, %get3A_480] {strides = array<i32>} : memref<2x4x400xf32, #tpu.memory_space<vmem>>, vector<16xf32>,
      %add3A_482 = arith.constant 32 : i32
      %add3A_483 = vector.broadcast %add3A_482 : i32 to vector<16xi32>
      %add3A_484 = arith.addi %add3A_483, %iota3A : vector<16xi32>
      tpu.vector_store_idx %arg14[%broadcast_in_dim3A_458, %add3A_484, %broadcast_in_dim3A_460], %get3A_481 : memref<2x80x16xf32, #tpu.memory_space<vmem>>[vector<16xi32>, vector<16xi32>, vector<16xi32>], vector<16xf32>,
      %get3A_485 = arith.constant 0 : i32
      %get3A_486 = arith.index_cast %select_n3A_122 : i32 to index
      %get3A_487 = arith.index_cast %get3A_485 : i32 to index
      %get3A_488 = arith.constant 128 : index
      %get3A_489 = tpu.vector_load %arg13[%get3A_486, %get3A_487, %get3A_488] {strides = array<i32>} : memref<2x4x400xf32, #tpu.memory_space<vmem>>, vector<16xf32>,
      %add3A_490 = arith.constant 48 : i32
      %add3A_491 = vector.broadcast %add3A_490 : i32 to vector<16xi32>
      %add3A_492 = arith.addi %add3A_491, %iota3A : vector<16xi32>
      tpu.vector_store_idx %arg14[%broadcast_in_dim3A_458, %add3A_492, %broadcast_in_dim3A_460], %get3A_489 : memref<2x80x16xf32, #tpu.memory_space<vmem>>[vector<16xi32>, vector<16xi32>, vector<16xi32>], vector<16xf32>,
      %get3A_493 = arith.constant 0 : i32
      %get3A_494 = arith.index_cast %select_n3A_122 : i32 to index
      %get3A_495 = arith.index_cast %get3A_493 : i32 to index
      %get3A_496 = arith.constant 144 : index
      %get3A_497 = tpu.vector_load %arg13[%get3A_494, %get3A_495, %get3A_496] {strides = array<i32>} : memref<2x4x400xf32, #tpu.memory_space<vmem>>, vector<16xf32>,
      %add3A_498 = arith.constant 64 : i32
      %add3A_499 = vector.broadcast %add3A_498 : i32 to vector<16xi32>
      %add3A_500 = arith.addi %add3A_499, %iota3A : vector<16xi32>
      tpu.vector_store_idx %arg14[%broadcast_in_dim3A_458, %add3A_500, %broadcast_in_dim3A_460], %get3A_497 : memref<2x80x16xf32, #tpu.memory_space<vmem>>[vector<16xi32>, vector<16xi32>, vector<16xi32>], vector<16xf32>,
      %broadcast_in_dim3A_501 = arith.constant 1 : i32
      %broadcast_in_dim3A_502 = vector.broadcast %broadcast_in_dim3A_501 : i32 to vector<16xi32>
      %get3A_503 = arith.constant 1 : i32
      %get3A_504 = arith.index_cast %select_n3A_122 : i32 to index
      %get3A_505 = arith.index_cast %get3A_503 : i32 to index
      %get3A_506 = arith.constant 80 : index
      %get3A_507 = tpu.vector_load %arg13[%get3A_504, %get3A_505, %get3A_506] {strides = array<i32>} : memref<2x4x400xf32, #tpu.memory_space<vmem>>, vector<16xf32>,
      %add3A_508 = arith.constant 0 : i32
      %add3A_509 = vector.broadcast %add3A_508 : i32 to vector<16xi32>
      %add3A_510 = arith.addi %add3A_509, %iota3A : vector<16xi32>
      tpu.vector_store_idx %arg14[%broadcast_in_dim3A_458, %add3A_510, %broadcast_in_dim3A_502], %get3A_507 : memref<2x80x16xf32, #tpu.memory_space<vmem>>[vector<16xi32>, vector<16xi32>, vector<16xi32>], vector<16xf32>,
      %get3A_511 = arith.constant 1 : i32
      %get3A_512 = arith.index_cast %select_n3A_122 : i32 to index
      %get3A_513 = arith.index_cast %get3A_511 : i32 to index
      %get3A_514 = arith.constant 96 : index
      %get3A_515 = tpu.vector_load %arg13[%get3A_512, %get3A_513, %get3A_514] {strides = array<i32>} : memref<2x4x400xf32, #tpu.memory_space<vmem>>, vector<16xf32>,
      %add3A_516 = arith.constant 16 : i32
      %add3A_517 = vector.broadcast %add3A_516 : i32 to vector<16xi32>
      %add3A_518 = arith.addi %add3A_517, %iota3A : vector<16xi32>
      tpu.vector_store_idx %arg14[%broadcast_in_dim3A_458, %add3A_518, %broadcast_in_dim3A_502], %get3A_515 : memref<2x80x16xf32, #tpu.memory_space<vmem>>[vector<16xi32>, vector<16xi32>, vector<16xi32>], vector<16xf32>,
      %get3A_519 = arith.constant 1 : i32
      %get3A_520 = arith.index_cast %select_n3A_122 : i32 to index
      %get3A_521 = arith.index_cast %get3A_519 : i32 to index
      %get3A_522 = arith.constant 112 : index
      %get3A_523 = tpu.vector_load %arg13[%get3A_520, %get3A_521, %get3A_522] {strides = array<i32>} : memref<2x4x400xf32, #tpu.memory_space<vmem>>, vector<16xf32>,
      %add3A_524 = arith.constant 32 : i32
      %add3A_525 = vector.broadcast %add3A_524 : i32 to vector<16xi32>
      %add3A_526 = arith.addi %add3A_525, %iota3A : vector<16xi32>
      tpu.vector_store_idx %arg14[%broadcast_in_dim3A_458, %add3A_526, %broadcast_in_dim3A_502], %get3A_523 : memref<2x80x16xf32, #tpu.memory_space<vmem>>[vector<16xi32>, vector<16xi32>, vector<16xi32>], vector<16xf32>,
      %get3A_527 = arith.constant 1 : i32
      %get3A_528 = arith.index_cast %select_n3A_122 : i32 to index
      %get3A_529 = arith.index_cast %get3A_527 : i32 to index
      %get3A_530 = arith.constant 128 : index
      %get3A_531 = tpu.vector_load %arg13[%get3A_528, %get3A_529, %get3A_530] {strides = array<i32>} : memref<2x4x400xf32, #tpu.memory_space<vmem>>, vector<16xf32>,
      %add3A_532 = arith.constant 48 : i32
      %add3A_533 = vector.broadcast %add3A_532 : i32 to vector<16xi32>
      %add3A_534 = arith.addi %add3A_533, %iota3A : vector<16xi32>
      tpu.vector_store_idx %arg14[%broadcast_in_dim3A_458, %add3A_534, %broadcast_in_dim3A_502], %get3A_531 : memref<2x80x16xf32, #tpu.memory_space<vmem>>[vector<16xi32>, vector<16xi32>, vector<16xi32>], vector<16xf32>,
      %get3A_535 = arith.constant 1 : i32
      %get3A_536 = arith.index_cast %select_n3A_122 : i32 to index
      %get3A_537 = arith.index_cast %get3A_535 : i32 to index
      %get3A_538 = arith.constant 144 : index
      %get3A_539 = tpu.vector_load %arg13[%get3A_536, %get3A_537, %get3A_538] {strides = array<i32>} : memref<2x4x400xf32, #tpu.memory_space<vmem>>, vector<16xf32>,
      %add3A_540 = arith.constant 64 : i32
      %add3A_541 = vector.broadcast %add3A_540 : i32 to vector<16xi32>
      %add3A_542 = arith.addi %add3A_541, %iota3A : vector<16xi32>
      tpu.vector_store_idx %arg14[%broadcast_in_dim3A_458, %add3A_542, %broadcast_in_dim3A_502], %get3A_539 : memref<2x80x16xf32, #tpu.memory_space<vmem>>[vector<16xi32>, vector<16xi32>, vector<16xi32>], vector<16xf32>,
      %broadcast_in_dim3A_543 = arith.constant 2 : i32
      %broadcast_in_dim3A_544 = vector.broadcast %broadcast_in_dim3A_543 : i32 to vector<16xi32>
      %get3A_545 = arith.constant 2 : i32
      %get3A_546 = arith.index_cast %select_n3A_122 : i32 to index
      %get3A_547 = arith.index_cast %get3A_545 : i32 to index
      %get3A_548 = arith.constant 80 : index
      %get3A_549 = tpu.vector_load %arg13[%get3A_546, %get3A_547, %get3A_548] {strides = array<i32>} : memref<2x4x400xf32, #tpu.memory_space<vmem>>, vector<16xf32>,
      %add3A_550 = arith.constant 0 : i32
      %add3A_551 = vector.broadcast %add3A_550 : i32 to vector<16xi32>
      %add3A_552 = arith.addi %add3A_551, %iota3A : vector<16xi32>
      tpu.vector_store_idx %arg14[%broadcast_in_dim3A_458, %add3A_552, %broadcast_in_dim3A_544], %get3A_549 : memref<2x80x16xf32, #tpu.memory_space<vmem>>[vector<16xi32>, vector<16xi32>, vector<16xi32>], vector<16xf32>,
      %get3A_553 = arith.constant 2 : i32
      %get3A_554 = arith.index_cast %select_n3A_122 : i32 to index
      %get3A_555 = arith.index_cast %get3A_553 : i32 to index
      %get3A_556 = arith.constant 96 : index
      %get3A_557 = tpu.vector_load %arg13[%get3A_554, %get3A_555, %get3A_556] {strides = array<i32>} : memref<2x4x400xf32, #tpu.memory_space<vmem>>, vector<16xf32>,
      %add3A_558 = arith.constant 16 : i32
      %add3A_559 = vector.broadcast %add3A_558 : i32 to vector<16xi32>
      %add3A_560 = arith.addi %add3A_559, %iota3A : vector<16xi32>
      tpu.vector_store_idx %arg14[%broadcast_in_dim3A_458, %add3A_560, %broadcast_in_dim3A_544], %get3A_557 : memref<2x80x16xf32, #tpu.memory_space<vmem>>[vector<16xi32>, vector<16xi32>, vector<16xi32>], vector<16xf32>,
      %get3A_561 = arith.constant 2 : i32
      %get3A_562 = arith.index_cast %select_n3A_122 : i32 to index
      %get3A_563 = arith.index_cast %get3A_561 : i32 to index
      %get3A_564 = arith.constant 112 : index
      %get3A_565 = tpu.vector_load %arg13[%get3A_562, %get3A_563, %get3A_564] {strides = array<i32>} : memref<2x4x400xf32, #tpu.memory_space<vmem>>, vector<16xf32>,
      %add3A_566 = arith.constant 32 : i32
      %add3A_567 = vector.broadcast %add3A_566 : i32 to vector<16xi32>
      %add3A_568 = arith.addi %add3A_567, %iota3A : vector<16xi32>
      tpu.vector_store_idx %arg14[%broadcast_in_dim3A_458, %add3A_568, %broadcast_in_dim3A_544], %get3A_565 : memref<2x80x16xf32, #tpu.memory_space<vmem>>[vector<16xi32>, vector<16xi32>, vector<16xi32>], vector<16xf32>,
      %get3A_569 = arith.constant 2 : i32
      %get3A_570 = arith.index_cast %select_n3A_122 : i32 to index
      %get3A_571 = arith.index_cast %get3A_569 : i32 to index
      %get3A_572 = arith.constant 128 : index
      %get3A_573 = tpu.vector_load %arg13[%get3A_570, %get3A_571, %get3A_572] {strides = array<i32>} : memref<2x4x400xf32, #tpu.memory_space<vmem>>, vector<16xf32>,
      %add3A_574 = arith.constant 48 : i32
      %add3A_575 = vector.broadcast %add3A_574 : i32 to vector<16xi32>
      %add3A_576 = arith.addi %add3A_575, %iota3A : vector<16xi32>
      tpu.vector_store_idx %arg14[%broadcast_in_dim3A_458, %add3A_576, %broadcast_in_dim3A_544], %get3A_573 : memref<2x80x16xf32, #tpu.memory_space<vmem>>[vector<16xi32>, vector<16xi32>, vector<16xi32>], vector<16xf32>,
      %get3A_577 = arith.constant 2 : i32
      %get3A_578 = arith.index_cast %select_n3A_122 : i32 to index
      %get3A_579 = arith.index_cast %get3A_577 : i32 to index
      %get3A_580 = arith.constant 144 : index
      %get3A_581 = tpu.vector_load %arg13[%get3A_578, %get3A_579, %get3A_580] {strides = array<i32>} : memref<2x4x400xf32, #tpu.memory_space<vmem>>, vector<16xf32>,
      %add3A_582 = arith.constant 64 : i32
      %add3A_583 = vector.broadcast %add3A_582 : i32 to vector<16xi32>
      %add3A_584 = arith.addi %add3A_583, %iota3A : vector<16xi32>
      tpu.vector_store_idx %arg14[%broadcast_in_dim3A_458, %add3A_584, %broadcast_in_dim3A_544], %get3A_581 : memref<2x80x16xf32, #tpu.memory_space<vmem>>[vector<16xi32>, vector<16xi32>, vector<16xi32>], vector<16xf32>,
      %broadcast_in_dim3A_585 = arith.constant 3 : i32
      %broadcast_in_dim3A_586 = vector.broadcast %broadcast_in_dim3A_585 : i32 to vector<16xi32>
      %get3A_587 = arith.constant 3 : i32
      %get3A_588 = arith.index_cast %select_n3A_122 : i32 to index
      %get3A_589 = arith.index_cast %get3A_587 : i32 to index
      %get3A_590 = arith.constant 80 : index
      %get3A_591 = tpu.vector_load %arg13[%get3A_588, %get3A_589, %get3A_590] {strides = array<i32>} : memref<2x4x400xf32, #tpu.memory_space<vmem>>, vector<16xf32>,
      %add3A_592 = arith.constant 0 : i32
      %add3A_593 = vector.broadcast %add3A_592 : i32 to vector<16xi32>
      %add3A_594 = arith.addi %add3A_593, %iota3A : vector<16xi32>
      tpu.vector_store_idx %arg14[%broadcast_in_dim3A_458, %add3A_594, %broadcast_in_dim3A_586], %get3A_591 : memref<2x80x16xf32, #tpu.memory_space<vmem>>[vector<16xi32>, vector<16xi32>, vector<16xi32>], vector<16xf32>,
      %get3A_595 = arith.constant 3 : i32
      %get3A_596 = arith.index_cast %select_n3A_122 : i32 to index
      %get3A_597 = arith.index_cast %get3A_595 : i32 to index
      %get3A_598 = arith.constant 96 : index
      %get3A_599 = tpu.vector_load %arg13[%get3A_596, %get3A_597, %get3A_598] {strides = array<i32>} : memref<2x4x400xf32, #tpu.memory_space<vmem>>, vector<16xf32>,
      %add3A_600 = arith.constant 16 : i32
      %add3A_601 = vector.broadcast %add3A_600 : i32 to vector<16xi32>
      %add3A_602 = arith.addi %add3A_601, %iota3A : vector<16xi32>
      tpu.vector_store_idx %arg14[%broadcast_in_dim3A_458, %add3A_602, %broadcast_in_dim3A_586], %get3A_599 : memref<2x80x16xf32, #tpu.memory_space<vmem>>[vector<16xi32>, vector<16xi32>, vector<16xi32>], vector<16xf32>,
      %get3A_603 = arith.constant 3 : i32
      %get3A_604 = arith.index_cast %select_n3A_122 : i32 to index
      %get3A_605 = arith.index_cast %get3A_603 : i32 to index
      %get3A_606 = arith.constant 112 : index
      %get3A_607 = tpu.vector_load %arg13[%get3A_604, %get3A_605, %get3A_606] {strides = array<i32>} : memref<2x4x400xf32, #tpu.memory_space<vmem>>, vector<16xf32>,
      %add3A_608 = arith.constant 32 : i32
      %add3A_609 = vector.broadcast %add3A_608 : i32 to vector<16xi32>
      %add3A_610 = arith.addi %add3A_609, %iota3A : vector<16xi32>
      tpu.vector_store_idx %arg14[%broadcast_in_dim3A_458, %add3A_610, %broadcast_in_dim3A_586], %get3A_607 : memref<2x80x16xf32, #tpu.memory_space<vmem>>[vector<16xi32>, vector<16xi32>, vector<16xi32>], vector<16xf32>,
      %get3A_611 = arith.constant 3 : i32
      %get3A_612 = arith.index_cast %select_n3A_122 : i32 to index
      %get3A_613 = arith.index_cast %get3A_611 : i32 to index
      %get3A_614 = arith.constant 128 : index
      %get3A_615 = tpu.vector_load %arg13[%get3A_612, %get3A_613, %get3A_614] {strides = array<i32>} : memref<2x4x400xf32, #tpu.memory_space<vmem>>, vector<16xf32>,
      %add3A_616 = arith.constant 48 : i32
      %add3A_617 = vector.broadcast %add3A_616 : i32 to vector<16xi32>
      %add3A_618 = arith.addi %add3A_617, %iota3A : vector<16xi32>
      tpu.vector_store_idx %arg14[%broadcast_in_dim3A_458, %add3A_618, %broadcast_in_dim3A_586], %get3A_615 : memref<2x80x16xf32, #tpu.memory_space<vmem>>[vector<16xi32>, vector<16xi32>, vector<16xi32>], vector<16xf32>,
      %get3A_619 = arith.constant 3 : i32
      %get3A_620 = arith.index_cast %select_n3A_122 : i32 to index
      %get3A_621 = arith.index_cast %get3A_619 : i32 to index
      %get3A_622 = arith.constant 144 : index
      %get3A_623 = tpu.vector_load %arg13[%get3A_620, %get3A_621, %get3A_622] {strides = array<i32>} : memref<2x4x400xf32, #tpu.memory_space<vmem>>, vector<16xf32>,
      %add3A_624 = arith.constant 64 : i32
      %add3A_625 = vector.broadcast %add3A_624 : i32 to vector<16xi32>
      %add3A_626 = arith.addi %add3A_625, %iota3A : vector<16xi32>
      tpu.vector_store_idx %arg14[%broadcast_in_dim3A_458, %add3A_626, %broadcast_in_dim3A_586], %get3A_623 : memref<2x80x16xf32, #tpu.memory_space<vmem>>[vector<16xi32>, vector<16xi32>, vector<16xi32>], vector<16xf32>,
      %dma_wait3A_627 = arith.constant 1 : i32
      %dma_wait3A_628 = arith.constant 1 : i32
      %dma_wait3A_629 = arith.constant 0 : i32
      %dma_wait3A_630 = arith.constant 0 : i32
      %dma_wait3A_631 = tpu.memref_slice %arg16[%dma_wait3A_627, %dma_wait3A_629, %dma_wait3A_630] : memref<2x80x128xf32, #tpu.memory_space<vmem>> -> memref<1x80x128xf32, #tpu.memory_space<vmem>>
      %dma_wait3A_632 = tpu.memref_squeeze %dma_wait3A_631 : memref<1x80x128xf32, #tpu.memory_space<vmem>> -> memref<80x128xf32, #tpu.memory_space<vmem>>
      %dma_wait3A_633 = arith.constant 80 : i32
      %dma_wait3A_634 = tpu.memref_slice %arg11[%select_n3A_122, %dma_wait3A_633] : memref<2x400xi32, #tpu.memory_space<vmem>> -> memref<1x80xi32, #tpu.memory_space<vmem>>
      %dma_wait3A_635 = tpu.memref_squeeze %dma_wait3A_634 : memref<1x80xi32, #tpu.memory_space<vmem>> -> memref<80xi32, #tpu.memory_space<vmem>>
      %dma_wait3A_636 = arith.constant 0 : i32
      %dma_wait3A_637 = arith.constant 0 : i32
      %dma_wait3A_638 = tpu.memref_slice %arg2[%dma_wait3A_636, %dma_wait3A_637] : memref<10000x128xf32, #tpu.memory_space<hbm>> -> memref<10000x128xf32, #tpu.memory_space<hbm>>
      %dma_wait3A_639 = tpu.memref_slice %arg20[%dma_wait3A_628] : memref<2x!tpu.dma_semaphore, #tpu.memory_space<semaphore_mem>> -> memref<1x!tpu.dma_semaphore, #tpu.memory_space<semaphore_mem>>
      %dma_wait3A_640 = tpu.memref_squeeze %dma_wait3A_639 : memref<1x!tpu.dma_semaphore, #tpu.memory_space<semaphore_mem>> -> memref<!tpu.dma_semaphore, #tpu.memory_space<semaphore_mem>>
      tpu.wait_indirect_dma semaphore(%dma_wait3A_640 : memref<!tpu.dma_semaphore, #tpu.memory_space<semaphore_mem>>) src(%dma_wait3A_638 : memref<10000x128xf32, #tpu.memory_space<hbm>>) dst(%dma_wait3A_632 : memref<80x128xf32, #tpu.memory_space<vmem>>)
      %dma_start3A_641 = arith.constant 1 : i32
      %dma_start3A_642 = arith.constant 1 : i32
      %dma_start3A_643 = arith.constant 1 : i32
      %dma_start3A_644 = arith.constant 0 : i32
      %dma_start3A_645 = arith.constant 0 : i32
      %dma_start3A_646 = tpu.memref_slice %arg16[%dma_start3A_641, %dma_start3A_644, %dma_start3A_645] : memref<2x80x128xf32, #tpu.memory_space<vmem>> -> memref<1x80x128xf32, #tpu.memory_space<vmem>>
      %dma_start3A_647 = tpu.memref_squeeze %dma_start3A_646 : memref<1x80x128xf32, #tpu.memory_space<vmem>> -> memref<80x128xf32, #tpu.memory_space<vmem>>
      %dma_start3A_648 = arith.constant 0 : i32
      %dma_start3A_649 = tpu.memref_slice %arg15[%select_n3A_122, %dma_start3A_642, %dma_start3A_648] : memref<2x5x80xi32, #tpu.memory_space<vmem>> -> memref<1x1x80xi32, #tpu.memory_space<vmem>>
      %dma_start3A_650 = tpu.memref_squeeze %dma_start3A_649 : memref<1x1x80xi32, #tpu.memory_space<vmem>> -> memref<80xi32, #tpu.memory_space<vmem>>
      %dma_start3A_651 = arith.constant 0 : i32
      %dma_start3A_652 = arith.constant 0 : i32
      %dma_start3A_653 = tpu.memref_slice %arg17[%dma_start3A_651, %dma_start3A_652] : memref<10240x128xf32, #tpu.memory_space<vmem_shared>> -> memref<10240x128xf32, #tpu.memory_space<vmem_shared>>
      %dma_start3A_654 = tpu.memref_slice %arg21[%dma_start3A_643] : memref<2x!tpu.dma_semaphore, #tpu.memory_space<semaphore_mem>> -> memref<1x!tpu.dma_semaphore, #tpu.memory_space<semaphore_mem>>
      %dma_start3A_655 = tpu.memref_squeeze %dma_start3A_654 : memref<1x!tpu.dma_semaphore, #tpu.memory_space<semaphore_mem>> -> memref<!tpu.dma_semaphore, #tpu.memory_space<semaphore_mem>>
      tpu.enqueue_indirect_dma source(%dma_start3A_647 : memref<80x128xf32, #tpu.memory_space<vmem>>) target(%dma_start3A_653 : memref<10240x128xf32, #tpu.memory_space<vmem_shared>>) offsets(%dma_start3A_650 : memref<80xi32, #tpu.memory_space<vmem>>) semaphore(%dma_start3A_655 : memref<!tpu.dma_semaphore, #tpu.memory_space<semaphore_mem>>) {add = true}
      %dma_start3A_656 = arith.constant 1 : i32
      %dma_start3A_657 = arith.constant 1 : i32
      %dma_start3A_658 = arith.constant 1 : i32
      %dma_start3A_659 = arith.constant 0 : i32
      %dma_start3A_660 = arith.constant 0 : i32
      %dma_start3A_661 = tpu.memref_slice %arg14[%dma_start3A_656, %dma_start3A_659, %dma_start3A_660] : memref<2x80x16xf32, #tpu.memory_space<vmem>> -> memref<1x80x16xf32, #tpu.memory_space<vmem>>
      %dma_start3A_662 = tpu.memref_squeeze %dma_start3A_661 : memref<1x80x16xf32, #tpu.memory_space<vmem>> -> memref<80x16xf32, #tpu.memory_space<vmem>>
      %dma_start3A_663 = arith.constant 0 : i32
      %dma_start3A_664 = tpu.memref_slice %arg15[%select_n3A_122, %dma_start3A_657, %dma_start3A_663] : memref<2x5x80xi32, #tpu.memory_space<vmem>> -> memref<1x1x80xi32, #tpu.memory_space<vmem>>
      %dma_start3A_665 = tpu.memref_squeeze %dma_start3A_664 : memref<1x1x80xi32, #tpu.memory_space<vmem>> -> memref<80xi32, #tpu.memory_space<vmem>>
      %dma_start3A_666 = arith.constant 0 : i32
      %dma_start3A_667 = arith.constant 0 : i32
      %dma_start3A_668 = tpu.memref_slice %arg18[%dma_start3A_666, %dma_start3A_667] : memref<10240x16xf32, #tpu.memory_space<vmem_shared>> -> memref<10240x16xf32, #tpu.memory_space<vmem_shared>>
      %dma_start3A_669 = tpu.memref_slice %arg22[%dma_start3A_658] : memref<2x!tpu.dma_semaphore, #tpu.memory_space<semaphore_mem>> -> memref<1x!tpu.dma_semaphore, #tpu.memory_space<semaphore_mem>>
      %dma_start3A_670 = tpu.memref_squeeze %dma_start3A_669 : memref<1x!tpu.dma_semaphore, #tpu.memory_space<semaphore_mem>> -> memref<!tpu.dma_semaphore, #tpu.memory_space<semaphore_mem>>
      tpu.enqueue_indirect_dma source(%dma_start3A_662 : memref<80x16xf32, #tpu.memory_space<vmem>>) target(%dma_start3A_668 : memref<10240x16xf32, #tpu.memory_space<vmem_shared>>) offsets(%dma_start3A_665 : memref<80xi32, #tpu.memory_space<vmem>>) semaphore(%dma_start3A_670 : memref<!tpu.dma_semaphore, #tpu.memory_space<semaphore_mem>>) {add = true}
      %dma_wait3A_671 = arith.constant 0 : i32
      %dma_wait3A_672 = arith.constant 0 : i32
      %dma_wait3A_673 = arith.constant 0 : i32
      %dma_wait3A_674 = tpu.memref_slice %arg11[%sub3A_123, %dma_wait3A_673] : memref<2x400xi32, #tpu.memory_space<vmem>> -> memref<1x400xi32, #tpu.memory_space<vmem>>
      %dma_wait3A_675 = tpu.memref_squeeze %dma_wait3A_674 : memref<1x400xi32, #tpu.memory_space<vmem>> -> memref<400xi32, #tpu.memory_space<vmem>>
      %dma_wait3A_676 = tpu.memref_slice %arg3[%dma_wait3A_671, %add3A_129] : memref<2x320000xi32, #tpu.memory_space<hbm>> -> memref<1x400xi32, #tpu.memory_space<hbm>>
      %dma_wait3A_677 = tpu.memref_squeeze %dma_wait3A_676 : memref<1x400xi32, #tpu.memory_space<hbm>> -> memref<400xi32, #tpu.memory_space<hbm>>
      %dma_wait3A_678 = tpu.memref_slice %arg19[%dma_wait3A_672] : memref<3x!tpu.dma_semaphore, #tpu.memory_space<semaphore_mem>> -> memref<1x!tpu.dma_semaphore, #tpu.memory_space<semaphore_mem>>
      %dma_wait3A_679 = tpu.memref_squeeze %dma_wait3A_678 : memref<1x!tpu.dma_semaphore, #tpu.memory_space<semaphore_mem>> -> memref<!tpu.dma_semaphore, #tpu.memory_space<semaphore_mem>>
      %dma_wait3A_680 = arith.constant 0 : i32
      %dma_wait3A_681 = tpu.memref_slice %arg11[%sub3A_123, %dma_wait3A_680] : memref<2x400xi32, #tpu.memory_space<vmem>> -> memref<1x400xi32, #tpu.memory_space<vmem>>
      %dma_wait3A_682 = tpu.memref_squeeze %dma_wait3A_681 : memref<1x400xi32, #tpu.memory_space<vmem>> -> memref<400xi32, #tpu.memory_space<vmem>>
      %dma_wait3A_683 = tpu.memref_slice %arg3[%dma_wait3A_671, %add3A_129] : memref<2x320000xi32, #tpu.memory_space<hbm>> -> memref<1x400xi32, #tpu.memory_space<hbm>>
      %dma_wait3A_684 = tpu.memref_squeeze %dma_wait3A_683 : memref<1x400xi32, #tpu.memory_space<hbm>> -> memref<400xi32, #tpu.memory_space<hbm>>
      tpu.wait_dma2 semaphore(%dma_wait3A_679 : memref<!tpu.dma_semaphore, #tpu.memory_space<semaphore_mem>>) src(%dma_wait3A_684 : memref<400xi32, #tpu.memory_space<hbm>>) dst(%dma_wait3A_682 : memref<400xi32, #tpu.memory_space<vmem>>)
      %dma_wait3A_685 = arith.constant 1 : i32
      %dma_wait3A_686 = arith.constant 1 : i32
      %dma_wait3A_687 = arith.constant 0 : i32
      %dma_wait3A_688 = tpu.memref_slice %arg12[%sub3A_123, %dma_wait3A_687] : memref<2x400xi32, #tpu.memory_space<vmem>> -> memref<1x400xi32, #tpu.memory_space<vmem>>
      %dma_wait3A_689 = tpu.memref_squeeze %dma_wait3A_688 : memref<1x400xi32, #tpu.memory_space<vmem>> -> memref<400xi32, #tpu.memory_space<vmem>>
      %dma_wait3A_690 = tpu.memref_slice %arg3[%dma_wait3A_685, %add3A_129] : memref<2x320000xi32, #tpu.memory_space<hbm>> -> memref<1x400xi32, #tpu.memory_space<hbm>>
      %dma_wait3A_691 = tpu.memref_squeeze %dma_wait3A_690 : memref<1x400xi32, #tpu.memory_space<hbm>> -> memref<400xi32, #tpu.memory_space<hbm>>
      %dma_wait3A_692 = tpu.memref_slice %arg19[%dma_wait3A_686] : memref<3x!tpu.dma_semaphore, #tpu.memory_space<semaphore_mem>> -> memref<1x!tpu.dma_semaphore, #tpu.memory_space<semaphore_mem>>
      %dma_wait3A_693 = tpu.memref_squeeze %dma_wait3A_692 : memref<1x!tpu.dma_semaphore, #tpu.memory_space<semaphore_mem>> -> memref<!tpu.dma_semaphore, #tpu.memory_space<semaphore_mem>>
      %dma_wait3A_694 = arith.constant 0 : i32
      %dma_wait3A_695 = tpu.memref_slice %arg12[%sub3A_123, %dma_wait3A_694] : memref<2x400xi32, #tpu.memory_space<vmem>> -> memref<1x400xi32, #tpu.memory_space<vmem>>
      %dma_wait3A_696 = tpu.memref_squeeze %dma_wait3A_695 : memref<1x400xi32, #tpu.memory_space<vmem>> -> memref<400xi32, #tpu.memory_space<vmem>>
      %dma_wait3A_697 = tpu.memref_slice %arg3[%dma_wait3A_685, %add3A_129] : memref<2x320000xi32, #tpu.memory_space<hbm>> -> memref<1x400xi32, #tpu.memory_space<hbm>>
      %dma_wait3A_698 = tpu.memref_squeeze %dma_wait3A_697 : memref<1x400xi32, #tpu.memory_space<hbm>> -> memref<400xi32, #tpu.memory_space<hbm>>
      tpu.wait_dma2 semaphore(%dma_wait3A_693 : memref<!tpu.dma_semaphore, #tpu.memory_space<semaphore_mem>>) src(%dma_wait3A_698 : memref<400xi32, #tpu.memory_space<hbm>>) dst(%dma_wait3A_696 : memref<400xi32, #tpu.memory_space<vmem>>)
      %dma_wait3A_699 = arith.constant 2 : i32
      %dma_wait3A_700 = arith.constant 0 : i32
      %dma_wait3A_701 = arith.constant 0 : i32
      %dma_wait3A_702 = tpu.memref_slice %arg13[%sub3A_123, %dma_wait3A_700, %dma_wait3A_701] : memref<2x4x400xf32, #tpu.memory_space<vmem>> -> memref<1x4x400xf32, #tpu.memory_space<vmem>>
      %dma_wait3A_703 = tpu.memref_squeeze %dma_wait3A_702 : memref<1x4x400xf32, #tpu.memory_space<vmem>> -> memref<4x400xf32, #tpu.memory_space<vmem>>
      %dma_wait3A_704 = arith.constant 0 : i32
      %dma_wait3A_705 = tpu.memref_slice %arg4[%dma_wait3A_704, %add3A_129] : memref<4x320000xf32, #tpu.memory_space<hbm>> -> memref<4x400xf32, #tpu.memory_space<hbm>>
      %dma_wait3A_706 = tpu.memref_slice %arg19[%dma_wait3A_699] : memref<3x!tpu.dma_semaphore, #tpu.memory_space<semaphore_mem>> -> memref<1x!tpu.dma_semaphore, #tpu.memory_space<semaphore_mem>>
      %dma_wait3A_707 = tpu.memref_squeeze %dma_wait3A_706 : memref<1x!tpu.dma_semaphore, #tpu.memory_space<semaphore_mem>> -> memref<!tpu.dma_semaphore, #tpu.memory_space<semaphore_mem>>
      %dma_wait3A_708 = arith.constant 0 : i32
      %dma_wait3A_709 = arith.constant 0 : i32
      %dma_wait3A_710 = tpu.memref_slice %arg13[%sub3A_123, %dma_wait3A_708, %dma_wait3A_709] : memref<2x4x400xf32, #tpu.memory_space<vmem>> -> memref<1x4x400xf32, #tpu.memory_space<vmem>>
      %dma_wait3A_711 = tpu.memref_squeeze %dma_wait3A_710 : memref<1x4x400xf32, #tpu.memory_space<vmem>> -> memref<4x400xf32, #tpu.memory_space<vmem>>
      %dma_wait3A_712 = arith.constant 0 : i32
      %dma_wait3A_713 = tpu.memref_slice %arg4[%dma_wait3A_712, %add3A_129] : memref<4x320000xf32, #tpu.memory_space<hbm>> -> memref<4x400xf32, #tpu.memory_space<hbm>>
      tpu.wait_dma2 semaphore(%dma_wait3A_707 : memref<!tpu.dma_semaphore, #tpu.memory_space<semaphore_mem>>) src(%dma_wait3A_713 : memref<4x400xf32, #tpu.memory_space<hbm>>) dst(%dma_wait3A_711 : memref<4x400xf32, #tpu.memory_space<vmem>>)
      %dma_wait3A_714 = arith.constant 1 : i32
      %dma_wait3A_715 = arith.constant 1 : i32
      %dma_wait3A_716 = arith.constant 1 : i32
      %dma_wait3A_717 = arith.constant 0 : i32
      %dma_wait3A_718 = arith.constant 0 : i32
      %dma_wait3A_719 = tpu.memref_slice %arg16[%dma_wait3A_714, %dma_wait3A_717, %dma_wait3A_718] : memref<2x80x128xf32, #tpu.memory_space<vmem>> -> memref<1x80x128xf32, #tpu.memory_space<vmem>>
      %dma_wait3A_720 = tpu.memref_squeeze %dma_wait3A_719 : memref<1x80x128xf32, #tpu.memory_space<vmem>> -> memref<80x128xf32, #tpu.memory_space<vmem>>
      %dma_wait3A_721 = arith.constant 0 : i32
      %dma_wait3A_722 = tpu.memref_slice %arg15[%select_n3A_122, %dma_wait3A_715, %dma_wait3A_721] : memref<2x5x80xi32, #tpu.memory_space<vmem>> -> memref<1x1x80xi32, #tpu.memory_space<vmem>>
      %dma_wait3A_723 = tpu.memref_squeeze %dma_wait3A_722 : memref<1x1x80xi32, #tpu.memory_space<vmem>> -> memref<80xi32, #tpu.memory_space<vmem>>
      %dma_wait3A_724 = arith.constant 0 : i32
      %dma_wait3A_725 = arith.constant 0 : i32
      %dma_wait3A_726 = tpu.memref_slice %arg17[%dma_wait3A_724, %dma_wait3A_725] : memref<10240x128xf32, #tpu.memory_space<vmem_shared>> -> memref<10240x128xf32, #tpu.memory_space<vmem_shared>>
      %dma_wait3A_727 = tpu.memref_slice %arg21[%dma_wait3A_716] : memref<2x!tpu.dma_semaphore, #tpu.memory_space<semaphore_mem>> -> memref<1x!tpu.dma_semaphore, #tpu.memory_space<semaphore_mem>>
      %dma_wait3A_728 = tpu.memref_squeeze %dma_wait3A_727 : memref<1x!tpu.dma_semaphore, #tpu.memory_space<semaphore_mem>> -> memref<!tpu.dma_semaphore, #tpu.memory_space<semaphore_mem>>
      tpu.wait_indirect_dma semaphore(%dma_wait3A_728 : memref<!tpu.dma_semaphore, #tpu.memory_space<semaphore_mem>>) src(%dma_wait3A_720 : memref<80x128xf32, #tpu.memory_space<vmem>>) dst(%dma_wait3A_726 : memref<10240x128xf32, #tpu.memory_space<vmem_shared>>)
      %dma_wait3A_729 = arith.constant 1 : i32
      %dma_wait3A_730 = arith.constant 1 : i32
      %dma_wait3A_731 = arith.constant 1 : i32
      %dma_wait3A_732 = arith.constant 0 : i32
      %dma_wait3A_733 = arith.constant 0 : i32
      %dma_wait3A_734 = tpu.memref_slice %arg14[%dma_wait3A_729, %dma_wait3A_732, %dma_wait3A_733] : memref<2x80x16xf32, #tpu.memory_space<vmem>> -> memref<1x80x16xf32, #tpu.memory_space<vmem>>
      %dma_wait3A_735 = tpu.memref_squeeze %dma_wait3A_734 : memref<1x80x16xf32, #tpu.memory_space<vmem>> -> memref<80x16xf32, #tpu.memory_space<vmem>>
      %dma_wait3A_736 = arith.constant 0 : i32
      %dma_wait3A_737 = tpu.memref_slice %arg15[%select_n3A_122, %dma_wait3A_730, %dma_wait3A_736] : memref<2x5x80xi32, #tpu.memory_space<vmem>> -> memref<1x1x80xi32, #tpu.memory_space<vmem>>
      %dma_wait3A_738 = tpu.memref_squeeze %dma_wait3A_737 : memref<1x1x80xi32, #tpu.memory_space<vmem>> -> memref<80xi32, #tpu.memory_space<vmem>>
      %dma_wait3A_739 = arith.constant 0 : i32
      %dma_wait3A_740 = arith.constant 0 : i32
      %dma_wait3A_741 = tpu.memref_slice %arg18[%dma_wait3A_739, %dma_wait3A_740] : memref<10240x16xf32, #tpu.memory_space<vmem_shared>> -> memref<10240x16xf32, #tpu.memory_space<vmem_shared>>
      %dma_wait3A_742 = tpu.memref_slice %arg22[%dma_wait3A_731] : memref<2x!tpu.dma_semaphore, #tpu.memory_space<semaphore_mem>> -> memref<1x!tpu.dma_semaphore, #tpu.memory_space<semaphore_mem>>
      %dma_wait3A_743 = tpu.memref_squeeze %dma_wait3A_742 : memref<1x!tpu.dma_semaphore, #tpu.memory_space<semaphore_mem>> -> memref<!tpu.dma_semaphore, #tpu.memory_space<semaphore_mem>>
      tpu.wait_indirect_dma semaphore(%dma_wait3A_743 : memref<!tpu.dma_semaphore, #tpu.memory_space<semaphore_mem>>) src(%dma_wait3A_735 : memref<80x16xf32, #tpu.memory_space<vmem>>) dst(%dma_wait3A_741 : memref<10240x16xf32, #tpu.memory_space<vmem_shared>>)
      %dma_start3A_744 = arith.constant 1 : i32
      %dma_start3A_745 = arith.constant 1 : i32
      %dma_start3A_746 = arith.constant 0 : i32
      %dma_start3A_747 = arith.constant 0 : i32
      %dma_start3A_748 = tpu.memref_slice %arg16[%dma_start3A_744, %dma_start3A_746, %dma_start3A_747] : memref<2x80x128xf32, #tpu.memory_space<vmem>> -> memref<1x80x128xf32, #tpu.memory_space<vmem>>
      %dma_start3A_749 = tpu.memref_squeeze %dma_start3A_748 : memref<1x80x128xf32, #tpu.memory_space<vmem>> -> memref<80x128xf32, #tpu.memory_space<vmem>>
      %dma_start3A_750 = arith.constant 240 : i32
      %dma_start3A_751 = tpu.memref_slice %arg11[%select_n3A_122, %dma_start3A_750] : memref<2x400xi32, #tpu.memory_space<vmem>> -> memref<1x80xi32, #tpu.memory_space<vmem>>
      %dma_start3A_752 = tpu.memref_squeeze %dma_start3A_751 : memref<1x80xi32, #tpu.memory_space<vmem>> -> memref<80xi32, #tpu.memory_space<vmem>>
      %dma_start3A_753 = arith.constant 0 : i32
      %dma_start3A_754 = arith.constant 0 : i32
      %dma_start3A_755 = tpu.memref_slice %arg2[%dma_start3A_753, %dma_start3A_754] : memref<10000x128xf32, #tpu.memory_space<hbm>> -> memref<10000x128xf32, #tpu.memory_space<hbm>>
      %dma_start3A_756 = tpu.memref_slice %arg20[%dma_start3A_745] : memref<2x!tpu.dma_semaphore, #tpu.memory_space<semaphore_mem>> -> memref<1x!tpu.dma_semaphore, #tpu.memory_space<semaphore_mem>>
      %dma_start3A_757 = tpu.memref_squeeze %dma_start3A_756 : memref<1x!tpu.dma_semaphore, #tpu.memory_space<semaphore_mem>> -> memref<!tpu.dma_semaphore, #tpu.memory_space<semaphore_mem>>
      tpu.enqueue_indirect_dma source(%dma_start3A_755 : memref<10000x128xf32, #tpu.memory_space<hbm>>) target(%dma_start3A_749 : memref<80x128xf32, #tpu.memory_space<vmem>>) offsets(%dma_start3A_752 : memref<80xi32, #tpu.memory_space<vmem>>) semaphore(%dma_start3A_757 : memref<!tpu.dma_semaphore, #tpu.memory_space<semaphore_mem>>)
      %broadcast_in_dim3A_758 = arith.constant 0 : i32
      %broadcast_in_dim3A_759 = vector.broadcast %broadcast_in_dim3A_758 : i32 to vector<16xi32>
      %broadcast_in_dim3A_760 = arith.constant 0 : i32
      %broadcast_in_dim3A_761 = vector.broadcast %broadcast_in_dim3A_760 : i32 to vector<16xi32>
      %get3A_762 = arith.constant 0 : i32
      %get3A_763 = arith.index_cast %select_n3A_122 : i32 to index
      %get3A_764 = arith.index_cast %get3A_762 : i32 to index
      %get3A_765 = arith.constant 160 : index
      %get3A_766 = tpu.vector_load %arg13[%get3A_763, %get3A_764, %get3A_765] {strides = array<i32>} : memref<2x4x400xf32, #tpu.memory_space<vmem>>, vector<16xf32>,
      %add3A_767 = arith.constant 0 : i32
      %add3A_768 = vector.broadcast %add3A_767 : i32 to vector<16xi32>
      %add3A_769 = arith.addi %add3A_768, %iota3A : vector<16xi32>
      tpu.vector_store_idx %arg14[%broadcast_in_dim3A_759, %add3A_769, %broadcast_in_dim3A_761], %get3A_766 : memref<2x80x16xf32, #tpu.memory_space<vmem>>[vector<16xi32>, vector<16xi32>, vector<16xi32>], vector<16xf32>,
      %get3A_770 = arith.constant 0 : i32
      %get3A_771 = arith.index_cast %select_n3A_122 : i32 to index
      %get3A_772 = arith.index_cast %get3A_770 : i32 to index
      %get3A_773 = arith.constant 176 : index
      %get3A_774 = tpu.vector_load %arg13[%get3A_771, %get3A_772, %get3A_773] {strides = array<i32>} : memref<2x4x400xf32, #tpu.memory_space<vmem>>, vector<16xf32>,
      %add3A_775 = arith.constant 16 : i32
      %add3A_776 = vector.broadcast %add3A_775 : i32 to vector<16xi32>
      %add3A_777 = arith.addi %add3A_776, %iota3A : vector<16xi32>
      tpu.vector_store_idx %arg14[%broadcast_in_dim3A_759, %add3A_777, %broadcast_in_dim3A_761], %get3A_774 : memref<2x80x16xf32, #tpu.memory_space<vmem>>[vector<16xi32>, vector<16xi32>, vector<16xi32>], vector<16xf32>,
      %get3A_778 = arith.constant 0 : i32
      %get3A_779 = arith.index_cast %select_n3A_122 : i32 to index
      %get3A_780 = arith.index_cast %get3A_778 : i32 to index
      %get3A_781 = arith.constant 192 : index
      %get3A_782 = tpu.vector_load %arg13[%get3A_779, %get3A_780, %get3A_781] {strides = array<i32>} : memref<2x4x400xf32, #tpu.memory_space<vmem>>, vector<16xf32>,
      %add3A_783 = arith.constant 32 : i32
      %add3A_784 = vector.broadcast %add3A_783 : i32 to vector<16xi32>
      %add3A_785 = arith.addi %add3A_784, %iota3A : vector<16xi32>
      tpu.vector_store_idx %arg14[%broadcast_in_dim3A_759, %add3A_785, %broadcast_in_dim3A_761], %get3A_782 : memref<2x80x16xf32, #tpu.memory_space<vmem>>[vector<16xi32>, vector<16xi32>, vector<16xi32>], vector<16xf32>,
      %get3A_786 = arith.constant 0 : i32
      %get3A_787 = arith.index_cast %select_n3A_122 : i32 to index
      %get3A_788 = arith.index_cast %get3A_786 : i32 to index
      %get3A_789 = arith.constant 208 : index
      %get3A_790 = tpu.vector_load %arg13[%get3A_787, %get3A_788, %get3A_789] {strides = array<i32>} : memref<2x4x400xf32, #tpu.memory_space<vmem>>, vector<16xf32>,
      %add3A_791 = arith.constant 48 : i32
      %add3A_792 = vector.broadcast %add3A_791 : i32 to vector<16xi32>
      %add3A_793 = arith.addi %add3A_792, %iota3A : vector<16xi32>
      tpu.vector_store_idx %arg14[%broadcast_in_dim3A_759, %add3A_793, %broadcast_in_dim3A_761], %get3A_790 : memref<2x80x16xf32, #tpu.memory_space<vmem>>[vector<16xi32>, vector<16xi32>, vector<16xi32>], vector<16xf32>,
      %get3A_794 = arith.constant 0 : i32
      %get3A_795 = arith.index_cast %select_n3A_122 : i32 to index
      %get3A_796 = arith.index_cast %get3A_794 : i32 to index
      %get3A_797 = arith.constant 224 : index
      %get3A_798 = tpu.vector_load %arg13[%get3A_795, %get3A_796, %get3A_797] {strides = array<i32>} : memref<2x4x400xf32, #tpu.memory_space<vmem>>, vector<16xf32>,
      %add3A_799 = arith.constant 64 : i32
      %add3A_800 = vector.broadcast %add3A_799 : i32 to vector<16xi32>
      %add3A_801 = arith.addi %add3A_800, %iota3A : vector<16xi32>
      tpu.vector_store_idx %arg14[%broadcast_in_dim3A_759, %add3A_801, %broadcast_in_dim3A_761], %get3A_798 : memref<2x80x16xf32, #tpu.memory_space<vmem>>[vector<16xi32>, vector<16xi32>, vector<16xi32>], vector<16xf32>,
      %broadcast_in_dim3A_802 = arith.constant 1 : i32
      %broadcast_in_dim3A_803 = vector.broadcast %broadcast_in_dim3A_802 : i32 to vector<16xi32>
      %get3A_804 = arith.constant 1 : i32
      %get3A_805 = arith.index_cast %select_n3A_122 : i32 to index
      %get3A_806 = arith.index_cast %get3A_804 : i32 to index
      %get3A_807 = arith.constant 160 : index
      %get3A_808 = tpu.vector_load %arg13[%get3A_805, %get3A_806, %get3A_807] {strides = array<i32>} : memref<2x4x400xf32, #tpu.memory_space<vmem>>, vector<16xf32>,
      %add3A_809 = arith.constant 0 : i32
      %add3A_810 = vector.broadcast %add3A_809 : i32 to vector<16xi32>
      %add3A_811 = arith.addi %add3A_810, %iota3A : vector<16xi32>
      tpu.vector_store_idx %arg14[%broadcast_in_dim3A_759, %add3A_811, %broadcast_in_dim3A_803], %get3A_808 : memref<2x80x16xf32, #tpu.memory_space<vmem>>[vector<16xi32>, vector<16xi32>, vector<16xi32>], vector<16xf32>,
      %get3A_812 = arith.constant 1 : i32
      %get3A_813 = arith.index_cast %select_n3A_122 : i32 to index
      %get3A_814 = arith.index_cast %get3A_812 : i32 to index
      %get3A_815 = arith.constant 176 : index
      %get3A_816 = tpu.vector_load %arg13[%get3A_813, %get3A_814, %get3A_815] {strides = array<i32>} : memref<2x4x400xf32, #tpu.memory_space<vmem>>, vector<16xf32>,
      %add3A_817 = arith.constant 16 : i32
      %add3A_818 = vector.broadcast %add3A_817 : i32 to vector<16xi32>
      %add3A_819 = arith.addi %add3A_818, %iota3A : vector<16xi32>
      tpu.vector_store_idx %arg14[%broadcast_in_dim3A_759, %add3A_819, %broadcast_in_dim3A_803], %get3A_816 : memref<2x80x16xf32, #tpu.memory_space<vmem>>[vector<16xi32>, vector<16xi32>, vector<16xi32>], vector<16xf32>,
      %get3A_820 = arith.constant 1 : i32
      %get3A_821 = arith.index_cast %select_n3A_122 : i32 to index
      %get3A_822 = arith.index_cast %get3A_820 : i32 to index
      %get3A_823 = arith.constant 192 : index
      %get3A_824 = tpu.vector_load %arg13[%get3A_821, %get3A_822, %get3A_823] {strides = array<i32>} : memref<2x4x400xf32, #tpu.memory_space<vmem>>, vector<16xf32>,
      %add3A_825 = arith.constant 32 : i32
      %add3A_826 = vector.broadcast %add3A_825 : i32 to vector<16xi32>
      %add3A_827 = arith.addi %add3A_826, %iota3A : vector<16xi32>
      tpu.vector_store_idx %arg14[%broadcast_in_dim3A_759, %add3A_827, %broadcast_in_dim3A_803], %get3A_824 : memref<2x80x16xf32, #tpu.memory_space<vmem>>[vector<16xi32>, vector<16xi32>, vector<16xi32>], vector<16xf32>,
      %get3A_828 = arith.constant 1 : i32
      %get3A_829 = arith.index_cast %select_n3A_122 : i32 to index
      %get3A_830 = arith.index_cast %get3A_828 : i32 to index
      %get3A_831 = arith.constant 208 : index
      %get3A_832 = tpu.vector_load %arg13[%get3A_829, %get3A_830, %get3A_831] {strides = array<i32>} : memref<2x4x400xf32, #tpu.memory_space<vmem>>, vector<16xf32>,
      %add3A_833 = arith.constant 48 : i32
      %add3A_834 = vector.broadcast %add3A_833 : i32 to vector<16xi32>
      %add3A_835 = arith.addi %add3A_834, %iota3A : vector<16xi32>
      tpu.vector_store_idx %arg14[%broadcast_in_dim3A_759, %add3A_835, %broadcast_in_dim3A_803], %get3A_832 : memref<2x80x16xf32, #tpu.memory_space<vmem>>[vector<16xi32>, vector<16xi32>, vector<16xi32>], vector<16xf32>,
      %get3A_836 = arith.constant 1 : i32
      %get3A_837 = arith.index_cast %select_n3A_122 : i32 to index
      %get3A_838 = arith.index_cast %get3A_836 : i32 to index
      %get3A_839 = arith.constant 224 : index
      %get3A_840 = tpu.vector_load %arg13[%get3A_837, %get3A_838, %get3A_839] {strides = array<i32>} : memref<2x4x400xf32, #tpu.memory_space<vmem>>, vector<16xf32>,
      %add3A_841 = arith.constant 64 : i32
      %add3A_842 = vector.broadcast %add3A_841 : i32 to vector<16xi32>
      %add3A_843 = arith.addi %add3A_842, %iota3A : vector<16xi32>
      tpu.vector_store_idx %arg14[%broadcast_in_dim3A_759, %add3A_843, %broadcast_in_dim3A_803], %get3A_840 : memref<2x80x16xf32, #tpu.memory_space<vmem>>[vector<16xi32>, vector<16xi32>, vector<16xi32>], vector<16xf32>,
      %broadcast_in_dim3A_844 = arith.constant 2 : i32
      %broadcast_in_dim3A_845 = vector.broadcast %broadcast_in_dim3A_844 : i32 to vector<16xi32>
      %get3A_846 = arith.constant 2 : i32
      %get3A_847 = arith.index_cast %select_n3A_122 : i32 to index
      %get3A_848 = arith.index_cast %get3A_846 : i32 to index
      %get3A_849 = arith.constant 160 : index
      %get3A_850 = tpu.vector_load %arg13[%get3A_847, %get3A_848, %get3A_849] {strides = array<i32>} : memref<2x4x400xf32, #tpu.memory_space<vmem>>, vector<16xf32>,
      %add3A_851 = arith.constant 0 : i32
      %add3A_852 = vector.broadcast %add3A_851 : i32 to vector<16xi32>
      %add3A_853 = arith.addi %add3A_852, %iota3A : vector<16xi32>
      tpu.vector_store_idx %arg14[%broadcast_in_dim3A_759, %add3A_853, %broadcast_in_dim3A_845], %get3A_850 : memref<2x80x16xf32, #tpu.memory_space<vmem>>[vector<16xi32>, vector<16xi32>, vector<16xi32>], vector<16xf32>,
      %get3A_854 = arith.constant 2 : i32
      %get3A_855 = arith.index_cast %select_n3A_122 : i32 to index
      %get3A_856 = arith.index_cast %get3A_854 : i32 to index
      %get3A_857 = arith.constant 176 : index
      %get3A_858 = tpu.vector_load %arg13[%get3A_855, %get3A_856, %get3A_857] {strides = array<i32>} : memref<2x4x400xf32, #tpu.memory_space<vmem>>, vector<16xf32>,
      %add3A_859 = arith.constant 16 : i32
      %add3A_860 = vector.broadcast %add3A_859 : i32 to vector<16xi32>
      %add3A_861 = arith.addi %add3A_860, %iota3A : vector<16xi32>
      tpu.vector_store_idx %arg14[%broadcast_in_dim3A_759, %add3A_861, %broadcast_in_dim3A_845], %get3A_858 : memref<2x80x16xf32, #tpu.memory_space<vmem>>[vector<16xi32>, vector<16xi32>, vector<16xi32>], vector<16xf32>,
      %get3A_862 = arith.constant 2 : i32
      %get3A_863 = arith.index_cast %select_n3A_122 : i32 to index
      %get3A_864 = arith.index_cast %get3A_862 : i32 to index
      %get3A_865 = arith.constant 192 : index
      %get3A_866 = tpu.vector_load %arg13[%get3A_863, %get3A_864, %get3A_865] {strides = array<i32>} : memref<2x4x400xf32, #tpu.memory_space<vmem>>, vector<16xf32>,
      %add3A_867 = arith.constant 32 : i32
      %add3A_868 = vector.broadcast %add3A_867 : i32 to vector<16xi32>
      %add3A_869 = arith.addi %add3A_868, %iota3A : vector<16xi32>
      tpu.vector_store_idx %arg14[%broadcast_in_dim3A_759, %add3A_869, %broadcast_in_dim3A_845], %get3A_866 : memref<2x80x16xf32, #tpu.memory_space<vmem>>[vector<16xi32>, vector<16xi32>, vector<16xi32>], vector<16xf32>,
      %get3A_870 = arith.constant 2 : i32
      %get3A_871 = arith.index_cast %select_n3A_122 : i32 to index
      %get3A_872 = arith.index_cast %get3A_870 : i32 to index
      %get3A_873 = arith.constant 208 : index
      %get3A_874 = tpu.vector_load %arg13[%get3A_871, %get3A_872, %get3A_873] {strides = array<i32>} : memref<2x4x400xf32, #tpu.memory_space<vmem>>, vector<16xf32>,
      %add3A_875 = arith.constant 48 : i32
      %add3A_876 = vector.broadcast %add3A_875 : i32 to vector<16xi32>
      %add3A_877 = arith.addi %add3A_876, %iota3A : vector<16xi32>
      tpu.vector_store_idx %arg14[%broadcast_in_dim3A_759, %add3A_877, %broadcast_in_dim3A_845], %get3A_874 : memref<2x80x16xf32, #tpu.memory_space<vmem>>[vector<16xi32>, vector<16xi32>, vector<16xi32>], vector<16xf32>,
      %get3A_878 = arith.constant 2 : i32
      %get3A_879 = arith.index_cast %select_n3A_122 : i32 to index
      %get3A_880 = arith.index_cast %get3A_878 : i32 to index
      %get3A_881 = arith.constant 224 : index
      %get3A_882 = tpu.vector_load %arg13[%get3A_879, %get3A_880, %get3A_881] {strides = array<i32>} : memref<2x4x400xf32, #tpu.memory_space<vmem>>, vector<16xf32>,
      %add3A_883 = arith.constant 64 : i32
      %add3A_884 = vector.broadcast %add3A_883 : i32 to vector<16xi32>
      %add3A_885 = arith.addi %add3A_884, %iota3A : vector<16xi32>
      tpu.vector_store_idx %arg14[%broadcast_in_dim3A_759, %add3A_885, %broadcast_in_dim3A_845], %get3A_882 : memref<2x80x16xf32, #tpu.memory_space<vmem>>[vector<16xi32>, vector<16xi32>, vector<16xi32>], vector<16xf32>,
      %broadcast_in_dim3A_886 = arith.constant 3 : i32
      %broadcast_in_dim3A_887 = vector.broadcast %broadcast_in_dim3A_886 : i32 to vector<16xi32>
      %get3A_888 = arith.constant 3 : i32
      %get3A_889 = arith.index_cast %select_n3A_122 : i32 to index
      %get3A_890 = arith.index_cast %get3A_888 : i32 to index
      %get3A_891 = arith.constant 160 : index
      %get3A_892 = tpu.vector_load %arg13[%get3A_889, %get3A_890, %get3A_891] {strides = array<i32>} : memref<2x4x400xf32, #tpu.memory_space<vmem>>, vector<16xf32>,
      %add3A_893 = arith.constant 0 : i32
      %add3A_894 = vector.broadcast %add3A_893 : i32 to vector<16xi32>
      %add3A_895 = arith.addi %add3A_894, %iota3A : vector<16xi32>
      tpu.vector_store_idx %arg14[%broadcast_in_dim3A_759, %add3A_895, %broadcast_in_dim3A_887], %get3A_892 : memref<2x80x16xf32, #tpu.memory_space<vmem>>[vector<16xi32>, vector<16xi32>, vector<16xi32>], vector<16xf32>,
      %get3A_896 = arith.constant 3 : i32
      %get3A_897 = arith.index_cast %select_n3A_122 : i32 to index
      %get3A_898 = arith.index_cast %get3A_896 : i32 to index
      %get3A_899 = arith.constant 176 : index
      %get3A_900 = tpu.vector_load %arg13[%get3A_897, %get3A_898, %get3A_899] {strides = array<i32>} : memref<2x4x400xf32, #tpu.memory_space<vmem>>, vector<16xf32>,
      %add3A_901 = arith.constant 16 : i32
      %add3A_902 = vector.broadcast %add3A_901 : i32 to vector<16xi32>
      %add3A_903 = arith.addi %add3A_902, %iota3A : vector<16xi32>
      tpu.vector_store_idx %arg14[%broadcast_in_dim3A_759, %add3A_903, %broadcast_in_dim3A_887], %get3A_900 : memref<2x80x16xf32, #tpu.memory_space<vmem>>[vector<16xi32>, vector<16xi32>, vector<16xi32>], vector<16xf32>,
      %get3A_904 = arith.constant 3 : i32
      %get3A_905 = arith.index_cast %select_n3A_122 : i32 to index
      %get3A_906 = arith.index_cast %get3A_904 : i32 to index
      %get3A_907 = arith.constant 192 : index
      %get3A_908 = tpu.vector_load %arg13[%get3A_905, %get3A_906, %get3A_907] {strides = array<i32>} : memref<2x4x400xf32, #tpu.memory_space<vmem>>, vector<16xf32>,
      %add3A_909 = arith.constant 32 : i32
      %add3A_910 = vector.broadcast %add3A_909 : i32 to vector<16xi32>
      %add3A_911 = arith.addi %add3A_910, %iota3A : vector<16xi32>
      tpu.vector_store_idx %arg14[%broadcast_in_dim3A_759, %add3A_911, %broadcast_in_dim3A_887], %get3A_908 : memref<2x80x16xf32, #tpu.memory_space<vmem>>[vector<16xi32>, vector<16xi32>, vector<16xi32>], vector<16xf32>,
      %get3A_912 = arith.constant 3 : i32
      %get3A_913 = arith.index_cast %select_n3A_122 : i32 to index
      %get3A_914 = arith.index_cast %get3A_912 : i32 to index
      %get3A_915 = arith.constant 208 : index
      %get3A_916 = tpu.vector_load %arg13[%get3A_913, %get3A_914, %get3A_915] {strides = array<i32>} : memref<2x4x400xf32, #tpu.memory_space<vmem>>, vector<16xf32>,
      %add3A_917 = arith.constant 48 : i32
      %add3A_918 = vector.broadcast %add3A_917 : i32 to vector<16xi32>
      %add3A_919 = arith.addi %add3A_918, %iota3A : vector<16xi32>
      tpu.vector_store_idx %arg14[%broadcast_in_dim3A_759, %add3A_919, %broadcast_in_dim3A_887], %get3A_916 : memref<2x80x16xf32, #tpu.memory_space<vmem>>[vector<16xi32>, vector<16xi32>, vector<16xi32>], vector<16xf32>,
      %get3A_920 = arith.constant 3 : i32
      %get3A_921 = arith.index_cast %select_n3A_122 : i32 to index
      %get3A_922 = arith.index_cast %get3A_920 : i32 to index
      %get3A_923 = arith.constant 224 : index
      %get3A_924 = tpu.vector_load %arg13[%get3A_921, %get3A_922, %get3A_923] {strides = array<i32>} : memref<2x4x400xf32, #tpu.memory_space<vmem>>, vector<16xf32>,
      %add3A_925 = arith.constant 64 : i32
      %add3A_926 = vector.broadcast %add3A_925 : i32 to vector<16xi32>
      %add3A_927 = arith.addi %add3A_926, %iota3A : vector<16xi32>
      tpu.vector_store_idx %arg14[%broadcast_in_dim3A_759, %add3A_927, %broadcast_in_dim3A_887], %get3A_924 : memref<2x80x16xf32, #tpu.memory_space<vmem>>[vector<16xi32>, vector<16xi32>, vector<16xi32>], vector<16xf32>,
      %dma_wait3A_928 = arith.constant 0 : i32
      %dma_wait3A_929 = arith.constant 0 : i32
      %dma_wait3A_930 = arith.constant 0 : i32
      %dma_wait3A_931 = arith.constant 0 : i32
      %dma_wait3A_932 = tpu.memref_slice %arg16[%dma_wait3A_928, %dma_wait3A_930, %dma_wait3A_931] : memref<2x80x128xf32, #tpu.memory_space<vmem>> -> memref<1x80x128xf32, #tpu.memory_space<vmem>>
      %dma_wait3A_933 = tpu.memref_squeeze %dma_wait3A_932 : memref<1x80x128xf32, #tpu.memory_space<vmem>> -> memref<80x128xf32, #tpu.memory_space<vmem>>
      %dma_wait3A_934 = arith.constant 160 : i32
      %dma_wait3A_935 = tpu.memref_slice %arg11[%select_n3A_122, %dma_wait3A_934] : memref<2x400xi32, #tpu.memory_space<vmem>> -> memref<1x80xi32, #tpu.memory_space<vmem>>
      %dma_wait3A_936 = tpu.memref_squeeze %dma_wait3A_935 : memref<1x80xi32, #tpu.memory_space<vmem>> -> memref<80xi32, #tpu.memory_space<vmem>>
      %dma_wait3A_937 = arith.constant 0 : i32
      %dma_wait3A_938 = arith.constant 0 : i32
      %dma_wait3A_939 = tpu.memref_slice %arg2[%dma_wait3A_937, %dma_wait3A_938] : memref<10000x128xf32, #tpu.memory_space<hbm>> -> memref<10000x128xf32, #tpu.memory_space<hbm>>
      %dma_wait3A_940 = tpu.memref_slice %arg20[%dma_wait3A_929] : memref<2x!tpu.dma_semaphore, #tpu.memory_space<semaphore_mem>> -> memref<1x!tpu.dma_semaphore, #tpu.memory_space<semaphore_mem>>
      %dma_wait3A_941 = tpu.memref_squeeze %dma_wait3A_940 : memref<1x!tpu.dma_semaphore, #tpu.memory_space<semaphore_mem>> -> memref<!tpu.dma_semaphore, #tpu.memory_space<semaphore_mem>>
      tpu.wait_indirect_dma semaphore(%dma_wait3A_941 : memref<!tpu.dma_semaphore, #tpu.memory_space<semaphore_mem>>) src(%dma_wait3A_939 : memref<10000x128xf32, #tpu.memory_space<hbm>>) dst(%dma_wait3A_933 : memref<80x128xf32, #tpu.memory_space<vmem>>)
      %dma_start3A_942 = arith.constant 0 : i32
      %dma_start3A_943 = arith.constant 2 : i32
      %dma_start3A_944 = arith.constant 0 : i32
      %dma_start3A_945 = arith.constant 0 : i32
      %dma_start3A_946 = arith.constant 0 : i32
      %dma_start3A_947 = tpu.memref_slice %arg16[%dma_start3A_942, %dma_start3A_945, %dma_start3A_946] : memref<2x80x128xf32, #tpu.memory_space<vmem>> -> memref<1x80x128xf32, #tpu.memory_space<vmem>>
      %dma_start3A_948 = tpu.memref_squeeze %dma_start3A_947 : memref<1x80x128xf32, #tpu.memory_space<vmem>> -> memref<80x128xf32, #tpu.memory_space<vmem>>
      %dma_start3A_949 = arith.constant 0 : i32
      %dma_start3A_950 = tpu.memref_slice %arg15[%select_n3A_122, %dma_start3A_943, %dma_start3A_949] : memref<2x5x80xi32, #tpu.memory_space<vmem>> -> memref<1x1x80xi32, #tpu.memory_space<vmem>>
      %dma_start3A_951 = tpu.memref_squeeze %dma_start3A_950 : memref<1x1x80xi32, #tpu.memory_space<vmem>> -> memref<80xi32, #tpu.memory_space<vmem>>
      %dma_start3A_952 = arith.constant 0 : i32
      %dma_start3A_953 = arith.constant 0 : i32
      %dma_start3A_954 = tpu.memref_slice %arg17[%dma_start3A_952, %dma_start3A_953] : memref<10240x128xf32, #tpu.memory_space<vmem_shared>> -> memref<10240x128xf32, #tpu.memory_space<vmem_shared>>
      %dma_start3A_955 = tpu.memref_slice %arg21[%dma_start3A_944] : memref<2x!tpu.dma_semaphore, #tpu.memory_space<semaphore_mem>> -> memref<1x!tpu.dma_semaphore, #tpu.memory_space<semaphore_mem>>
      %dma_start3A_956 = tpu.memref_squeeze %dma_start3A_955 : memref<1x!tpu.dma_semaphore, #tpu.memory_space<semaphore_mem>> -> memref<!tpu.dma_semaphore, #tpu.memory_space<semaphore_mem>>
      tpu.enqueue_indirect_dma source(%dma_start3A_948 : memref<80x128xf32, #tpu.memory_space<vmem>>) target(%dma_start3A_954 : memref<10240x128xf32, #tpu.memory_space<vmem_shared>>) offsets(%dma_start3A_951 : memref<80xi32, #tpu.memory_space<vmem>>) semaphore(%dma_start3A_956 : memref<!tpu.dma_semaphore, #tpu.memory_space<semaphore_mem>>) {add = true}
      %dma_start3A_957 = arith.constant 0 : i32
      %dma_start3A_958 = arith.constant 2 : i32
      %dma_start3A_959 = arith.constant 0 : i32
      %dma_start3A_960 = arith.constant 0 : i32
      %dma_start3A_961 = arith.constant 0 : i32
      %dma_start3A_962 = tpu.memref_slice %arg14[%dma_start3A_957, %dma_start3A_960, %dma_start3A_961] : memref<2x80x16xf32, #tpu.memory_space<vmem>> -> memref<1x80x16xf32, #tpu.memory_space<vmem>>
      %dma_start3A_963 = tpu.memref_squeeze %dma_start3A_962 : memref<1x80x16xf32, #tpu.memory_space<vmem>> -> memref<80x16xf32, #tpu.memory_space<vmem>>
      %dma_start3A_964 = arith.constant 0 : i32
      %dma_start3A_965 = tpu.memref_slice %arg15[%select_n3A_122, %dma_start3A_958, %dma_start3A_964] : memref<2x5x80xi32, #tpu.memory_space<vmem>> -> memref<1x1x80xi32, #tpu.memory_space<vmem>>
      %dma_start3A_966 = tpu.memref_squeeze %dma_start3A_965 : memref<1x1x80xi32, #tpu.memory_space<vmem>> -> memref<80xi32, #tpu.memory_space<vmem>>
      %dma_start3A_967 = arith.constant 0 : i32
      %dma_start3A_968 = arith.constant 0 : i32
      %dma_start3A_969 = tpu.memref_slice %arg18[%dma_start3A_967, %dma_start3A_968] : memref<10240x16xf32, #tpu.memory_space<vmem_shared>> -> memref<10240x16xf32, #tpu.memory_space<vmem_shared>>
      %dma_start3A_970 = tpu.memref_slice %arg22[%dma_start3A_959] : memref<2x!tpu.dma_semaphore, #tpu.memory_space<semaphore_mem>> -> memref<1x!tpu.dma_semaphore, #tpu.memory_space<semaphore_mem>>
      %dma_start3A_971 = tpu.memref_squeeze %dma_start3A_970 : memref<1x!tpu.dma_semaphore, #tpu.memory_space<semaphore_mem>> -> memref<!tpu.dma_semaphore, #tpu.memory_space<semaphore_mem>>
      tpu.enqueue_indirect_dma source(%dma_start3A_963 : memref<80x16xf32, #tpu.memory_space<vmem>>) target(%dma_start3A_969 : memref<10240x16xf32, #tpu.memory_space<vmem_shared>>) offsets(%dma_start3A_966 : memref<80xi32, #tpu.memory_space<vmem>>) semaphore(%dma_start3A_971 : memref<!tpu.dma_semaphore, #tpu.memory_space<semaphore_mem>>) {add = true}
      %scan3A_972 = arith.constant 0 : i32
      %scan3A_973 = arith.constant 0 : i32
      %scan3A_974 = arith.constant 9 : i32
      %scan3A_975 = arith.addi %scan3A_973, %scan3A_974 : i32
      %scan3A_976 = arith.constant 1 : i32
      %scan3A_977 = scf.for %scan3A_1526 = %scan3A_973 to %scan3A_975 step %scan3A_976 iter_args(%scan3A_1527 = %scan3A_972) -> (i32)  : i32 {
        %mul3A_1528 = arith.constant 16 : i32
        %mul3A_1529 = arith.muli %scan3A_1526, %mul3A_1528 : i32
        %get3A_1530 = arith.index_cast %sub3A_123 : i32 to index
        %get3A_1531 = arith.index_cast %mul3A_1529 : i32 to index
        %get3A_1532 = tpu.vector_load %arg11[%get3A_1530, %get3A_1531] {strides = array<i32>} : memref<2x400xi32, #tpu.memory_space<vmem>>, vector<16xi32>,
        %mul3A_1533 = arith.constant 16 : i32
        %mul3A_1534 = arith.muli %scan3A_1526, %mul3A_1533 : i32
        %get3A_1535 = arith.index_cast %sub3A_123 : i32 to index
        %get3A_1536 = arith.index_cast %mul3A_1534 : i32 to index
        %get3A_1537 = tpu.vector_load %arg12[%get3A_1535, %get3A_1536] {strides = array<i32>} : memref<2x400xi32, #tpu.memory_space<vmem>>, vector<16xi32>,
        %gather3A = tpu.vector_load_idx %arg10[%get3A_1532] : memref<10000xi32, #tpu.memory_space<vmem>>[vector<16xi32>], vector<16xi32>,
        %gather3A_1538 = tpu.vector_load_idx %arg10[%get3A_1537] : memref<10000xi32, #tpu.memory_space<vmem>>[vector<16xi32>], vector<16xi32>,
        %and3A_1539 = arith.andi %gather3A, %gather3A_1538 : vector<16xi32>
        %gt3A = arith.constant 0 : i32
        %gt3A_1540 = vector.broadcast %gt3A : i32 to vector<16xi32>
        %gt3A_1541 = arith.cmpi sgt, %and3A_1539, %gt3A_1540 : vector<16xi32>
        %jit3A_1542 = arith.constant 10200 : i32
        %broadcast_in_dim3A_1543 = vector.broadcast %jit3A_1542 : i32 to vector<16xi32>
        %select_n3A_1544 = arith.select %gt3A_1541, %get3A_1537, %broadcast_in_dim3A_1543 : vector<16xi1>, vector<16xi32>
        %jit3A_1545 = arith.constant 5 : i32
        %div3A = arith.divsi %scan3A_1526, %jit3A_1545 : i32
        %sign3A = arith.constant 0 : i32
        %sign3A_1546 = arith.cmpi sgt, %scan3A_1526, %sign3A : i32
        %sign3A_1547 = arith.extui %sign3A_1546 : i1 to i32
        %sign3A_1548 = arith.constant 0 : i32
        %sign3A_1549 = arith.cmpi slt, %scan3A_1526, %sign3A_1548 : i32
        %sign3A_1550 = arith.extui %sign3A_1549 : i1 to i32
        %sign3A_1551 = arith.subi %sign3A_1547, %sign3A_1550 : i32
        %sign3A_1552 = arith.constant 0 : i32
        %sign3A_1553 = arith.cmpi sgt, %jit3A_1545, %sign3A_1552 : i32
        %sign3A_1554 = arith.extui %sign3A_1553 : i1 to i32
        %sign3A_1555 = arith.constant 0 : i32
        %sign3A_1556 = arith.cmpi slt, %jit3A_1545, %sign3A_1555 : i32
        %sign3A_1557 = arith.extui %sign3A_1556 : i1 to i32
        %sign3A_1558 = arith.subi %sign3A_1554, %sign3A_1557 : i32
        %ne3A_1559 = arith.cmpi ne, %sign3A_1551, %sign3A_1558 : i32
        %rem3A_1560 = arith.remsi %scan3A_1526, %jit3A_1545 : i32
        %ne3A_1561 = arith.constant 0 : i32
        %ne3A_1562 = arith.cmpi ne, %rem3A_1560, %ne3A_1561 : i32
        %and3A_1563 = arith.andi %ne3A_1559, %ne3A_1562 : i1
        %sub3A_1564 = arith.constant 1 : i32
        %sub3A_1565 = arith.subi %div3A, %sub3A_1564 : i32
        %select_n3A_1566 = arith.select %and3A_1563, %sub3A_1565, %div3A : i32
        %jit3A_1567 = arith.constant 5 : i32
        %eq3A_1568 = arith.constant 0 : i32
        %eq3A_1569 = arith.cmpi eq, %jit3A_1567, %eq3A_1568 : i32
        %jit3A_1570 = arith.constant 1 : i32
        %select_n3A_1571 = arith.select %eq3A_1569, %jit3A_1570, %jit3A_1567 : i32
        %rem3A_1572 = arith.remsi %scan3A_1526, %select_n3A_1571 : i32
        %ne3A_1573 = arith.constant 0 : i32
        %ne3A_1574 = arith.cmpi ne, %rem3A_1572, %ne3A_1573 : i32
        %lt3A_1575 = arith.constant 0 : i32
        %lt3A_1576 = arith.cmpi slt, %rem3A_1572, %lt3A_1575 : i32
        %lt3A_1577 = arith.constant 0 : i32
        %lt3A_1578 = arith.cmpi slt, %select_n3A_1571, %lt3A_1577 : i32
        %ne3A_1579 = arith.xori %lt3A_1576, %lt3A_1578 : i1
        %and3A_1580 = arith.andi %ne3A_1579, %ne3A_1574 : i1
        %add3A_1581 = arith.addi %rem3A_1572, %select_n3A_1571 : i32
        %select_n3A_1582 = arith.select %and3A_1580, %add3A_1581, %rem3A_1572 : i32
        %mul3A_1583 = arith.constant 16 : i32
        %mul3A_1584 = arith.muli %select_n3A_1582, %mul3A_1583 : i32
        %swap3A = arith.index_cast %sub3A_123 : i32 to index
        %swap3A_1585 = arith.index_cast %select_n3A_1566 : i32 to index
        %swap3A_1586 = arith.index_cast %mul3A_1584 : i32 to index
        %swap3A_1587 = tpu.vector_load %arg15[%swap3A, %swap3A_1585, %swap3A_1586] {strides = array<i32>} : memref<2x5x80xi32, #tpu.memory_space<vmem>>, vector<16xi32>,
        tpu.vector_store %arg15[%swap3A, %swap3A_1585, %swap3A_1586], %select_n3A_1544 {strides = array<i32>} : memref<2x5x80xi32, #tpu.memory_space<vmem>>, vector<16xi32>,
        %scan3A_1588 = arith.constant 0 : i32
        scf.yield %scan3A_1588 : i32
      }
      %scan3A_978 = arith.constant 9 : i32
      %dma_wait3A_979 = arith.constant 0 : i32
      %dma_wait3A_980 = arith.constant 2 : i32
      %dma_wait3A_981 = arith.constant 0 : i32
      %dma_wait3A_982 = arith.constant 0 : i32
      %dma_wait3A_983 = arith.constant 0 : i32
      %dma_wait3A_984 = tpu.memref_slice %arg16[%dma_wait3A_979, %dma_wait3A_982, %dma_wait3A_983] : memref<2x80x128xf32, #tpu.memory_space<vmem>> -> memref<1x80x128xf32, #tpu.memory_space<vmem>>
      %dma_wait3A_985 = tpu.memref_squeeze %dma_wait3A_984 : memref<1x80x128xf32, #tpu.memory_space<vmem>> -> memref<80x128xf32, #tpu.memory_space<vmem>>
      %dma_wait3A_986 = arith.constant 0 : i32
      %dma_wait3A_987 = tpu.memref_slice %arg15[%select_n3A_122, %dma_wait3A_980, %dma_wait3A_986] : memref<2x5x80xi32, #tpu.memory_space<vmem>> -> memref<1x1x80xi32, #tpu.memory_space<vmem>>
      %dma_wait3A_988 = tpu.memref_squeeze %dma_wait3A_987 : memref<1x1x80xi32, #tpu.memory_space<vmem>> -> memref<80xi32, #tpu.memory_space<vmem>>
      %dma_wait3A_989 = arith.constant 0 : i32
      %dma_wait3A_990 = arith.constant 0 : i32
      %dma_wait3A_991 = tpu.memref_slice %arg17[%dma_wait3A_989, %dma_wait3A_990] : memref<10240x128xf32, #tpu.memory_space<vmem_shared>> -> memref<10240x128xf32, #tpu.memory_space<vmem_shared>>
      %dma_wait3A_992 = tpu.memref_slice %arg21[%dma_wait3A_981] : memref<2x!tpu.dma_semaphore, #tpu.memory_space<semaphore_mem>> -> memref<1x!tpu.dma_semaphore, #tpu.memory_space<semaphore_mem>>
      %dma_wait3A_993 = tpu.memref_squeeze %dma_wait3A_992 : memref<1x!tpu.dma_semaphore, #tpu.memory_space<semaphore_mem>> -> memref<!tpu.dma_semaphore, #tpu.memory_space<semaphore_mem>>
      tpu.wait_indirect_dma semaphore(%dma_wait3A_993 : memref<!tpu.dma_semaphore, #tpu.memory_space<semaphore_mem>>) src(%dma_wait3A_985 : memref<80x128xf32, #tpu.memory_space<vmem>>) dst(%dma_wait3A_991 : memref<10240x128xf32, #tpu.memory_space<vmem_shared>>)
      %dma_wait3A_994 = arith.constant 0 : i32
      %dma_wait3A_995 = arith.constant 2 : i32
      %dma_wait3A_996 = arith.constant 0 : i32
      %dma_wait3A_997 = arith.constant 0 : i32
      %dma_wait3A_998 = arith.constant 0 : i32
      %dma_wait3A_999 = tpu.memref_slice %arg14[%dma_wait3A_994, %dma_wait3A_997, %dma_wait3A_998] : memref<2x80x16xf32, #tpu.memory_space<vmem>> -> memref<1x80x16xf32, #tpu.memory_space<vmem>>
      %dma_wait3A_1000 = tpu.memref_squeeze %dma_wait3A_999 : memref<1x80x16xf32, #tpu.memory_space<vmem>> -> memref<80x16xf32, #tpu.memory_space<vmem>>
      %dma_wait3A_1001 = arith.constant 0 : i32
      %dma_wait3A_1002 = tpu.memref_slice %arg15[%select_n3A_122, %dma_wait3A_995, %dma_wait3A_1001] : memref<2x5x80xi32, #tpu.memory_space<vmem>> -> memref<1x1x80xi32, #tpu.memory_space<vmem>>
      %dma_wait3A_1003 = tpu.memref_squeeze %dma_wait3A_1002 : memref<1x1x80xi32, #tpu.memory_space<vmem>> -> memref<80xi32, #tpu.memory_space<vmem>>
      %dma_wait3A_1004 = arith.constant 0 : i32
      %dma_wait3A_1005 = arith.constant 0 : i32
      %dma_wait3A_1006 = tpu.memref_slice %arg18[%dma_wait3A_1004, %dma_wait3A_1005] : memref<10240x16xf32, #tpu.memory_space<vmem_shared>> -> memref<10240x16xf32, #tpu.memory_space<vmem_shared>>
      %dma_wait3A_1007 = tpu.memref_slice %arg22[%dma_wait3A_996] : memref<2x!tpu.dma_semaphore, #tpu.memory_space<semaphore_mem>> -> memref<1x!tpu.dma_semaphore, #tpu.memory_space<semaphore_mem>>
      %dma_wait3A_1008 = tpu.memref_squeeze %dma_wait3A_1007 : memref<1x!tpu.dma_semaphore, #tpu.memory_space<semaphore_mem>> -> memref<!tpu.dma_semaphore, #tpu.memory_space<semaphore_mem>>
      tpu.wait_indirect_dma semaphore(%dma_wait3A_1008 : memref<!tpu.dma_semaphore, #tpu.memory_space<semaphore_mem>>) src(%dma_wait3A_1000 : memref<80x16xf32, #tpu.memory_space<vmem>>) dst(%dma_wait3A_1006 : memref<10240x16xf32, #tpu.memory_space<vmem_shared>>)
      %dma_start3A_1009 = arith.constant 0 : i32
      %dma_start3A_1010 = arith.constant 0 : i32
      %dma_start3A_1011 = arith.constant 0 : i32
      %dma_start3A_1012 = arith.constant 0 : i32
      %dma_start3A_1013 = tpu.memref_slice %arg16[%dma_start3A_1009, %dma_start3A_1011, %dma_start3A_1012] : memref<2x80x128xf32, #tpu.memory_space<vmem>> -> memref<1x80x128xf32, #tpu.memory_space<vmem>>
      %dma_start3A_1014 = tpu.memref_squeeze %dma_start3A_1013 : memref<1x80x128xf32, #tpu.memory_space<vmem>> -> memref<80x128xf32, #tpu.memory_space<vmem>>
      %dma_start3A_1015 = arith.constant 320 : i32
      %dma_start3A_1016 = tpu.memref_slice %arg11[%select_n3A_122, %dma_start3A_1015] : memref<2x400xi32, #tpu.memory_space<vmem>> -> memref<1x80xi32, #tpu.memory_space<vmem>>
      %dma_start3A_1017 = tpu.memref_squeeze %dma_start3A_1016 : memref<1x80xi32, #tpu.memory_space<vmem>> -> memref<80xi32, #tpu.memory_space<vmem>>
      %dma_start3A_1018 = arith.constant 0 : i32
      %dma_start3A_1019 = arith.constant 0 : i32
      %dma_start3A_1020 = tpu.memref_slice %arg2[%dma_start3A_1018, %dma_start3A_1019] : memref<10000x128xf32, #tpu.memory_space<hbm>> -> memref<10000x128xf32, #tpu.memory_space<hbm>>
      %dma_start3A_1021 = tpu.memref_slice %arg20[%dma_start3A_1010] : memref<2x!tpu.dma_semaphore, #tpu.memory_space<semaphore_mem>> -> memref<1x!tpu.dma_semaphore, #tpu.memory_space<semaphore_mem>>
      %dma_start3A_1022 = tpu.memref_squeeze %dma_start3A_1021 : memref<1x!tpu.dma_semaphore, #tpu.memory_space<semaphore_mem>> -> memref<!tpu.dma_semaphore, #tpu.memory_space<semaphore_mem>>
      tpu.enqueue_indirect_dma source(%dma_start3A_1020 : memref<10000x128xf32, #tpu.memory_space<hbm>>) target(%dma_start3A_1014 : memref<80x128xf32, #tpu.memory_space<vmem>>) offsets(%dma_start3A_1017 : memref<80xi32, #tpu.memory_space<vmem>>) semaphore(%dma_start3A_1022 : memref<!tpu.dma_semaphore, #tpu.memory_space<semaphore_mem>>)
      %broadcast_in_dim3A_1023 = arith.constant 1 : i32
      %broadcast_in_dim3A_1024 = vector.broadcast %broadcast_in_dim3A_1023 : i32 to vector<16xi32>
      %broadcast_in_dim3A_1025 = arith.constant 0 : i32
      %broadcast_in_dim3A_1026 = vector.broadcast %broadcast_in_dim3A_1025 : i32 to vector<16xi32>
      %get3A_1027 = arith.constant 0 : i32
      %get3A_1028 = arith.index_cast %select_n3A_122 : i32 to index
      %get3A_1029 = arith.index_cast %get3A_1027 : i32 to index
      %get3A_1030 = arith.constant 240 : index
      %get3A_1031 = tpu.vector_load %arg13[%get3A_1028, %get3A_1029, %get3A_1030] {strides = array<i32>} : memref<2x4x400xf32, #tpu.memory_space<vmem>>, vector<16xf32>,
      %add3A_1032 = arith.constant 0 : i32
      %add3A_1033 = vector.broadcast %add3A_1032 : i32 to vector<16xi32>
      %add3A_1034 = arith.addi %add3A_1033, %iota3A : vector<16xi32>
      tpu.vector_store_idx %arg14[%broadcast_in_dim3A_1024, %add3A_1034, %broadcast_in_dim3A_1026], %get3A_1031 : memref<2x80x16xf32, #tpu.memory_space<vmem>>[vector<16xi32>, vector<16xi32>, vector<16xi32>], vector<16xf32>,
      %get3A_1035 = arith.constant 0 : i32
      %get3A_1036 = arith.index_cast %select_n3A_122 : i32 to index
      %get3A_1037 = arith.index_cast %get3A_1035 : i32 to index
      %get3A_1038 = arith.constant 256 : index
      %get3A_1039 = tpu.vector_load %arg13[%get3A_1036, %get3A_1037, %get3A_1038] {strides = array<i32>} : memref<2x4x400xf32, #tpu.memory_space<vmem>>, vector<16xf32>,
      %add3A_1040 = arith.constant 16 : i32
      %add3A_1041 = vector.broadcast %add3A_1040 : i32 to vector<16xi32>
      %add3A_1042 = arith.addi %add3A_1041, %iota3A : vector<16xi32>
      tpu.vector_store_idx %arg14[%broadcast_in_dim3A_1024, %add3A_1042, %broadcast_in_dim3A_1026], %get3A_1039 : memref<2x80x16xf32, #tpu.memory_space<vmem>>[vector<16xi32>, vector<16xi32>, vector<16xi32>], vector<16xf32>,
      %get3A_1043 = arith.constant 0 : i32
      %get3A_1044 = arith.index_cast %select_n3A_122 : i32 to index
      %get3A_1045 = arith.index_cast %get3A_1043 : i32 to index
      %get3A_1046 = arith.constant 272 : index
      %get3A_1047 = tpu.vector_load %arg13[%get3A_1044, %get3A_1045, %get3A_1046] {strides = array<i32>} : memref<2x4x400xf32, #tpu.memory_space<vmem>>, vector<16xf32>,
      %add3A_1048 = arith.constant 32 : i32
      %add3A_1049 = vector.broadcast %add3A_1048 : i32 to vector<16xi32>
      %add3A_1050 = arith.addi %add3A_1049, %iota3A : vector<16xi32>
      tpu.vector_store_idx %arg14[%broadcast_in_dim3A_1024, %add3A_1050, %broadcast_in_dim3A_1026], %get3A_1047 : memref<2x80x16xf32, #tpu.memory_space<vmem>>[vector<16xi32>, vector<16xi32>, vector<16xi32>], vector<16xf32>,
      %get3A_1051 = arith.constant 0 : i32
      %get3A_1052 = arith.index_cast %select_n3A_122 : i32 to index
      %get3A_1053 = arith.index_cast %get3A_1051 : i32 to index
      %get3A_1054 = arith.constant 288 : index
      %get3A_1055 = tpu.vector_load %arg13[%get3A_1052, %get3A_1053, %get3A_1054] {strides = array<i32>} : memref<2x4x400xf32, #tpu.memory_space<vmem>>, vector<16xf32>,
      %add3A_1056 = arith.constant 48 : i32
      %add3A_1057 = vector.broadcast %add3A_1056 : i32 to vector<16xi32>
      %add3A_1058 = arith.addi %add3A_1057, %iota3A : vector<16xi32>
      tpu.vector_store_idx %arg14[%broadcast_in_dim3A_1024, %add3A_1058, %broadcast_in_dim3A_1026], %get3A_1055 : memref<2x80x16xf32, #tpu.memory_space<vmem>>[vector<16xi32>, vector<16xi32>, vector<16xi32>], vector<16xf32>,
      %get3A_1059 = arith.constant 0 : i32
      %get3A_1060 = arith.index_cast %select_n3A_122 : i32 to index
      %get3A_1061 = arith.index_cast %get3A_1059 : i32 to index
      %get3A_1062 = arith.constant 304 : index
      %get3A_1063 = tpu.vector_load %arg13[%get3A_1060, %get3A_1061, %get3A_1062] {strides = array<i32>} : memref<2x4x400xf32, #tpu.memory_space<vmem>>, vector<16xf32>,
      %add3A_1064 = arith.constant 64 : i32
      %add3A_1065 = vector.broadcast %add3A_1064 : i32 to vector<16xi32>
      %add3A_1066 = arith.addi %add3A_1065, %iota3A : vector<16xi32>
      tpu.vector_store_idx %arg14[%broadcast_in_dim3A_1024, %add3A_1066, %broadcast_in_dim3A_1026], %get3A_1063 : memref<2x80x16xf32, #tpu.memory_space<vmem>>[vector<16xi32>, vector<16xi32>, vector<16xi32>], vector<16xf32>,
      %broadcast_in_dim3A_1067 = arith.constant 1 : i32
      %broadcast_in_dim3A_1068 = vector.broadcast %broadcast_in_dim3A_1067 : i32 to vector<16xi32>
      %get3A_1069 = arith.constant 1 : i32
      %get3A_1070 = arith.index_cast %select_n3A_122 : i32 to index
      %get3A_1071 = arith.index_cast %get3A_1069 : i32 to index
      %get3A_1072 = arith.constant 240 : index
      %get3A_1073 = tpu.vector_load %arg13[%get3A_1070, %get3A_1071, %get3A_1072] {strides = array<i32>} : memref<2x4x400xf32, #tpu.memory_space<vmem>>, vector<16xf32>,
      %add3A_1074 = arith.constant 0 : i32
      %add3A_1075 = vector.broadcast %add3A_1074 : i32 to vector<16xi32>
      %add3A_1076 = arith.addi %add3A_1075, %iota3A : vector<16xi32>
      tpu.vector_store_idx %arg14[%broadcast_in_dim3A_1024, %add3A_1076, %broadcast_in_dim3A_1068], %get3A_1073 : memref<2x80x16xf32, #tpu.memory_space<vmem>>[vector<16xi32>, vector<16xi32>, vector<16xi32>], vector<16xf32>,
      %get3A_1077 = arith.constant 1 : i32
      %get3A_1078 = arith.index_cast %select_n3A_122 : i32 to index
      %get3A_1079 = arith.index_cast %get3A_1077 : i32 to index
      %get3A_1080 = arith.constant 256 : index
      %get3A_1081 = tpu.vector_load %arg13[%get3A_1078, %get3A_1079, %get3A_1080] {strides = array<i32>} : memref<2x4x400xf32, #tpu.memory_space<vmem>>, vector<16xf32>,
      %add3A_1082 = arith.constant 16 : i32
      %add3A_1083 = vector.broadcast %add3A_1082 : i32 to vector<16xi32>
      %add3A_1084 = arith.addi %add3A_1083, %iota3A : vector<16xi32>
      tpu.vector_store_idx %arg14[%broadcast_in_dim3A_1024, %add3A_1084, %broadcast_in_dim3A_1068], %get3A_1081 : memref<2x80x16xf32, #tpu.memory_space<vmem>>[vector<16xi32>, vector<16xi32>, vector<16xi32>], vector<16xf32>,
      %get3A_1085 = arith.constant 1 : i32
      %get3A_1086 = arith.index_cast %select_n3A_122 : i32 to index
      %get3A_1087 = arith.index_cast %get3A_1085 : i32 to index
      %get3A_1088 = arith.constant 272 : index
      %get3A_1089 = tpu.vector_load %arg13[%get3A_1086, %get3A_1087, %get3A_1088] {strides = array<i32>} : memref<2x4x400xf32, #tpu.memory_space<vmem>>, vector<16xf32>,
      %add3A_1090 = arith.constant 32 : i32
      %add3A_1091 = vector.broadcast %add3A_1090 : i32 to vector<16xi32>
      %add3A_1092 = arith.addi %add3A_1091, %iota3A : vector<16xi32>
      tpu.vector_store_idx %arg14[%broadcast_in_dim3A_1024, %add3A_1092, %broadcast_in_dim3A_1068], %get3A_1089 : memref<2x80x16xf32, #tpu.memory_space<vmem>>[vector<16xi32>, vector<16xi32>, vector<16xi32>], vector<16xf32>,
      %get3A_1093 = arith.constant 1 : i32
      %get3A_1094 = arith.index_cast %select_n3A_122 : i32 to index
      %get3A_1095 = arith.index_cast %get3A_1093 : i32 to index
      %get3A_1096 = arith.constant 288 : index
      %get3A_1097 = tpu.vector_load %arg13[%get3A_1094, %get3A_1095, %get3A_1096] {strides = array<i32>} : memref<2x4x400xf32, #tpu.memory_space<vmem>>, vector<16xf32>,
      %add3A_1098 = arith.constant 48 : i32
      %add3A_1099 = vector.broadcast %add3A_1098 : i32 to vector<16xi32>
      %add3A_1100 = arith.addi %add3A_1099, %iota3A : vector<16xi32>
      tpu.vector_store_idx %arg14[%broadcast_in_dim3A_1024, %add3A_1100, %broadcast_in_dim3A_1068], %get3A_1097 : memref<2x80x16xf32, #tpu.memory_space<vmem>>[vector<16xi32>, vector<16xi32>, vector<16xi32>], vector<16xf32>,
      %get3A_1101 = arith.constant 1 : i32
      %get3A_1102 = arith.index_cast %select_n3A_122 : i32 to index
      %get3A_1103 = arith.index_cast %get3A_1101 : i32 to index
      %get3A_1104 = arith.constant 304 : index
      %get3A_1105 = tpu.vector_load %arg13[%get3A_1102, %get3A_1103, %get3A_1104] {strides = array<i32>} : memref<2x4x400xf32, #tpu.memory_space<vmem>>, vector<16xf32>,
      %add3A_1106 = arith.constant 64 : i32
      %add3A_1107 = vector.broadcast %add3A_1106 : i32 to vector<16xi32>
      %add3A_1108 = arith.addi %add3A_1107, %iota3A : vector<16xi32>
      tpu.vector_store_idx %arg14[%broadcast_in_dim3A_1024, %add3A_1108, %broadcast_in_dim3A_1068], %get3A_1105 : memref<2x80x16xf32, #tpu.memory_space<vmem>>[vector<16xi32>, vector<16xi32>, vector<16xi32>], vector<16xf32>,
      %broadcast_in_dim3A_1109 = arith.constant 2 : i32
      %broadcast_in_dim3A_1110 = vector.broadcast %broadcast_in_dim3A_1109 : i32 to vector<16xi32>
      %get3A_1111 = arith.constant 2 : i32
      %get3A_1112 = arith.index_cast %select_n3A_122 : i32 to index
      %get3A_1113 = arith.index_cast %get3A_1111 : i32 to index
      %get3A_1114 = arith.constant 240 : index
      %get3A_1115 = tpu.vector_load %arg13[%get3A_1112, %get3A_1113, %get3A_1114] {strides = array<i32>} : memref<2x4x400xf32, #tpu.memory_space<vmem>>, vector<16xf32>,
      %add3A_1116 = arith.constant 0 : i32
      %add3A_1117 = vector.broadcast %add3A_1116 : i32 to vector<16xi32>
      %add3A_1118 = arith.addi %add3A_1117, %iota3A : vector<16xi32>
      tpu.vector_store_idx %arg14[%broadcast_in_dim3A_1024, %add3A_1118, %broadcast_in_dim3A_1110], %get3A_1115 : memref<2x80x16xf32, #tpu.memory_space<vmem>>[vector<16xi32>, vector<16xi32>, vector<16xi32>], vector<16xf32>,
      %get3A_1119 = arith.constant 2 : i32
      %get3A_1120 = arith.index_cast %select_n3A_122 : i32 to index
      %get3A_1121 = arith.index_cast %get3A_1119 : i32 to index
      %get3A_1122 = arith.constant 256 : index
      %get3A_1123 = tpu.vector_load %arg13[%get3A_1120, %get3A_1121, %get3A_1122] {strides = array<i32>} : memref<2x4x400xf32, #tpu.memory_space<vmem>>, vector<16xf32>,
      %add3A_1124 = arith.constant 16 : i32
      %add3A_1125 = vector.broadcast %add3A_1124 : i32 to vector<16xi32>
      %add3A_1126 = arith.addi %add3A_1125, %iota3A : vector<16xi32>
      tpu.vector_store_idx %arg14[%broadcast_in_dim3A_1024, %add3A_1126, %broadcast_in_dim3A_1110], %get3A_1123 : memref<2x80x16xf32, #tpu.memory_space<vmem>>[vector<16xi32>, vector<16xi32>, vector<16xi32>], vector<16xf32>,
      %get3A_1127 = arith.constant 2 : i32
      %get3A_1128 = arith.index_cast %select_n3A_122 : i32 to index
      %get3A_1129 = arith.index_cast %get3A_1127 : i32 to index
      %get3A_1130 = arith.constant 272 : index
      %get3A_1131 = tpu.vector_load %arg13[%get3A_1128, %get3A_1129, %get3A_1130] {strides = array<i32>} : memref<2x4x400xf32, #tpu.memory_space<vmem>>, vector<16xf32>,
      %add3A_1132 = arith.constant 32 : i32
      %add3A_1133 = vector.broadcast %add3A_1132 : i32 to vector<16xi32>
      %add3A_1134 = arith.addi %add3A_1133, %iota3A : vector<16xi32>
      tpu.vector_store_idx %arg14[%broadcast_in_dim3A_1024, %add3A_1134, %broadcast_in_dim3A_1110], %get3A_1131 : memref<2x80x16xf32, #tpu.memory_space<vmem>>[vector<16xi32>, vector<16xi32>, vector<16xi32>], vector<16xf32>,
      %get3A_1135 = arith.constant 2 : i32
      %get3A_1136 = arith.index_cast %select_n3A_122 : i32 to index
      %get3A_1137 = arith.index_cast %get3A_1135 : i32 to index
      %get3A_1138 = arith.constant 288 : index
      %get3A_1139 = tpu.vector_load %arg13[%get3A_1136, %get3A_1137, %get3A_1138] {strides = array<i32>} : memref<2x4x400xf32, #tpu.memory_space<vmem>>, vector<16xf32>,
      %add3A_1140 = arith.constant 48 : i32
      %add3A_1141 = vector.broadcast %add3A_1140 : i32 to vector<16xi32>
      %add3A_1142 = arith.addi %add3A_1141, %iota3A : vector<16xi32>
      tpu.vector_store_idx %arg14[%broadcast_in_dim3A_1024, %add3A_1142, %broadcast_in_dim3A_1110], %get3A_1139 : memref<2x80x16xf32, #tpu.memory_space<vmem>>[vector<16xi32>, vector<16xi32>, vector<16xi32>], vector<16xf32>,
      %get3A_1143 = arith.constant 2 : i32
      %get3A_1144 = arith.index_cast %select_n3A_122 : i32 to index
      %get3A_1145 = arith.index_cast %get3A_1143 : i32 to index
      %get3A_1146 = arith.constant 304 : index
      %get3A_1147 = tpu.vector_load %arg13[%get3A_1144, %get3A_1145, %get3A_1146] {strides = array<i32>} : memref<2x4x400xf32, #tpu.memory_space<vmem>>, vector<16xf32>,
      %add3A_1148 = arith.constant 64 : i32
      %add3A_1149 = vector.broadcast %add3A_1148 : i32 to vector<16xi32>
      %add3A_1150 = arith.addi %add3A_1149, %iota3A : vector<16xi32>
      tpu.vector_store_idx %arg14[%broadcast_in_dim3A_1024, %add3A_1150, %broadcast_in_dim3A_1110], %get3A_1147 : memref<2x80x16xf32, #tpu.memory_space<vmem>>[vector<16xi32>, vector<16xi32>, vector<16xi32>], vector<16xf32>,
      %broadcast_in_dim3A_1151 = arith.constant 3 : i32
      %broadcast_in_dim3A_1152 = vector.broadcast %broadcast_in_dim3A_1151 : i32 to vector<16xi32>
      %get3A_1153 = arith.constant 3 : i32
      %get3A_1154 = arith.index_cast %select_n3A_122 : i32 to index
      %get3A_1155 = arith.index_cast %get3A_1153 : i32 to index
      %get3A_1156 = arith.constant 240 : index
      %get3A_1157 = tpu.vector_load %arg13[%get3A_1154, %get3A_1155, %get3A_1156] {strides = array<i32>} : memref<2x4x400xf32, #tpu.memory_space<vmem>>, vector<16xf32>,
      %add3A_1158 = arith.constant 0 : i32
      %add3A_1159 = vector.broadcast %add3A_1158 : i32 to vector<16xi32>
      %add3A_1160 = arith.addi %add3A_1159, %iota3A : vector<16xi32>
      tpu.vector_store_idx %arg14[%broadcast_in_dim3A_1024, %add3A_1160, %broadcast_in_dim3A_1152], %get3A_1157 : memref<2x80x16xf32, #tpu.memory_space<vmem>>[vector<16xi32>, vector<16xi32>, vector<16xi32>], vector<16xf32>,
      %get3A_1161 = arith.constant 3 : i32
      %get3A_1162 = arith.index_cast %select_n3A_122 : i32 to index
      %get3A_1163 = arith.index_cast %get3A_1161 : i32 to index
      %get3A_1164 = arith.constant 256 : index
      %get3A_1165 = tpu.vector_load %arg13[%get3A_1162, %get3A_1163, %get3A_1164] {strides = array<i32>} : memref<2x4x400xf32, #tpu.memory_space<vmem>>, vector<16xf32>,
      %add3A_1166 = arith.constant 16 : i32
      %add3A_1167 = vector.broadcast %add3A_1166 : i32 to vector<16xi32>
      %add3A_1168 = arith.addi %add3A_1167, %iota3A : vector<16xi32>
      tpu.vector_store_idx %arg14[%broadcast_in_dim3A_1024, %add3A_1168, %broadcast_in_dim3A_1152], %get3A_1165 : memref<2x80x16xf32, #tpu.memory_space<vmem>>[vector<16xi32>, vector<16xi32>, vector<16xi32>], vector<16xf32>,
      %get3A_1169 = arith.constant 3 : i32
      %get3A_1170 = arith.index_cast %select_n3A_122 : i32 to index
      %get3A_1171 = arith.index_cast %get3A_1169 : i32 to index
      %get3A_1172 = arith.constant 272 : index
      %get3A_1173 = tpu.vector_load %arg13[%get3A_1170, %get3A_1171, %get3A_1172] {strides = array<i32>} : memref<2x4x400xf32, #tpu.memory_space<vmem>>, vector<16xf32>,
      %add3A_1174 = arith.constant 32 : i32
      %add3A_1175 = vector.broadcast %add3A_1174 : i32 to vector<16xi32>
      %add3A_1176 = arith.addi %add3A_1175, %iota3A : vector<16xi32>
      tpu.vector_store_idx %arg14[%broadcast_in_dim3A_1024, %add3A_1176, %broadcast_in_dim3A_1152], %get3A_1173 : memref<2x80x16xf32, #tpu.memory_space<vmem>>[vector<16xi32>, vector<16xi32>, vector<16xi32>], vector<16xf32>,
      %get3A_1177 = arith.constant 3 : i32
      %get3A_1178 = arith.index_cast %select_n3A_122 : i32 to index
      %get3A_1179 = arith.index_cast %get3A_1177 : i32 to index
      %get3A_1180 = arith.constant 288 : index
      %get3A_1181 = tpu.vector_load %arg13[%get3A_1178, %get3A_1179, %get3A_1180] {strides = array<i32>} : memref<2x4x400xf32, #tpu.memory_space<vmem>>, vector<16xf32>,
      %add3A_1182 = arith.constant 48 : i32
      %add3A_1183 = vector.broadcast %add3A_1182 : i32 to vector<16xi32>
      %add3A_1184 = arith.addi %add3A_1183, %iota3A : vector<16xi32>
      tpu.vector_store_idx %arg14[%broadcast_in_dim3A_1024, %add3A_1184, %broadcast_in_dim3A_1152], %get3A_1181 : memref<2x80x16xf32, #tpu.memory_space<vmem>>[vector<16xi32>, vector<16xi32>, vector<16xi32>], vector<16xf32>,
      %get3A_1185 = arith.constant 3 : i32
      %get3A_1186 = arith.index_cast %select_n3A_122 : i32 to index
      %get3A_1187 = arith.index_cast %get3A_1185 : i32 to index
      %get3A_1188 = arith.constant 304 : index
      %get3A_1189 = tpu.vector_load %arg13[%get3A_1186, %get3A_1187, %get3A_1188] {strides = array<i32>} : memref<2x4x400xf32, #tpu.memory_space<vmem>>, vector<16xf32>,
      %add3A_1190 = arith.constant 64 : i32
      %add3A_1191 = vector.broadcast %add3A_1190 : i32 to vector<16xi32>
      %add3A_1192 = arith.addi %add3A_1191, %iota3A : vector<16xi32>
      tpu.vector_store_idx %arg14[%broadcast_in_dim3A_1024, %add3A_1192, %broadcast_in_dim3A_1152], %get3A_1189 : memref<2x80x16xf32, #tpu.memory_space<vmem>>[vector<16xi32>, vector<16xi32>, vector<16xi32>], vector<16xf32>,
      %dma_wait3A_1193 = arith.constant 1 : i32
      %dma_wait3A_1194 = arith.constant 1 : i32
      %dma_wait3A_1195 = arith.constant 0 : i32
      %dma_wait3A_1196 = arith.constant 0 : i32
      %dma_wait3A_1197 = tpu.memref_slice %arg16[%dma_wait3A_1193, %dma_wait3A_1195, %dma_wait3A_1196] : memref<2x80x128xf32, #tpu.memory_space<vmem>> -> memref<1x80x128xf32, #tpu.memory_space<vmem>>
      %dma_wait3A_1198 = tpu.memref_squeeze %dma_wait3A_1197 : memref<1x80x128xf32, #tpu.memory_space<vmem>> -> memref<80x128xf32, #tpu.memory_space<vmem>>
      %dma_wait3A_1199 = arith.constant 240 : i32
      %dma_wait3A_1200 = tpu.memref_slice %arg11[%select_n3A_122, %dma_wait3A_1199] : memref<2x400xi32, #tpu.memory_space<vmem>> -> memref<1x80xi32, #tpu.memory_space<vmem>>
      %dma_wait3A_1201 = tpu.memref_squeeze %dma_wait3A_1200 : memref<1x80xi32, #tpu.memory_space<vmem>> -> memref<80xi32, #tpu.memory_space<vmem>>
      %dma_wait3A_1202 = arith.constant 0 : i32
      %dma_wait3A_1203 = arith.constant 0 : i32
      %dma_wait3A_1204 = tpu.memref_slice %arg2[%dma_wait3A_1202, %dma_wait3A_1203] : memref<10000x128xf32, #tpu.memory_space<hbm>> -> memref<10000x128xf32, #tpu.memory_space<hbm>>
      %dma_wait3A_1205 = tpu.memref_slice %arg20[%dma_wait3A_1194] : memref<2x!tpu.dma_semaphore, #tpu.memory_space<semaphore_mem>> -> memref<1x!tpu.dma_semaphore, #tpu.memory_space<semaphore_mem>>
      %dma_wait3A_1206 = tpu.memref_squeeze %dma_wait3A_1205 : memref<1x!tpu.dma_semaphore, #tpu.memory_space<semaphore_mem>> -> memref<!tpu.dma_semaphore, #tpu.memory_space<semaphore_mem>>
      tpu.wait_indirect_dma semaphore(%dma_wait3A_1206 : memref<!tpu.dma_semaphore, #tpu.memory_space<semaphore_mem>>) src(%dma_wait3A_1204 : memref<10000x128xf32, #tpu.memory_space<hbm>>) dst(%dma_wait3A_1198 : memref<80x128xf32, #tpu.memory_space<vmem>>)
      %dma_start3A_1207 = arith.constant 1 : i32
      %dma_start3A_1208 = arith.constant 3 : i32
      %dma_start3A_1209 = arith.constant 1 : i32
      %dma_start3A_1210 = arith.constant 0 : i32
      %dma_start3A_1211 = arith.constant 0 : i32
      %dma_start3A_1212 = tpu.memref_slice %arg16[%dma_start3A_1207, %dma_start3A_1210, %dma_start3A_1211] : memref<2x80x128xf32, #tpu.memory_space<vmem>> -> memref<1x80x128xf32, #tpu.memory_space<vmem>>
      %dma_start3A_1213 = tpu.memref_squeeze %dma_start3A_1212 : memref<1x80x128xf32, #tpu.memory_space<vmem>> -> memref<80x128xf32, #tpu.memory_space<vmem>>
      %dma_start3A_1214 = arith.constant 0 : i32
      %dma_start3A_1215 = tpu.memref_slice %arg15[%select_n3A_122, %dma_start3A_1208, %dma_start3A_1214] : memref<2x5x80xi32, #tpu.memory_space<vmem>> -> memref<1x1x80xi32, #tpu.memory_space<vmem>>
      %dma_start3A_1216 = tpu.memref_squeeze %dma_start3A_1215 : memref<1x1x80xi32, #tpu.memory_space<vmem>> -> memref<80xi32, #tpu.memory_space<vmem>>
      %dma_start3A_1217 = arith.constant 0 : i32
      %dma_start3A_1218 = arith.constant 0 : i32
      %dma_start3A_1219 = tpu.memref_slice %arg17[%dma_start3A_1217, %dma_start3A_1218] : memref<10240x128xf32, #tpu.memory_space<vmem_shared>> -> memref<10240x128xf32, #tpu.memory_space<vmem_shared>>
      %dma_start3A_1220 = tpu.memref_slice %arg21[%dma_start3A_1209] : memref<2x!tpu.dma_semaphore, #tpu.memory_space<semaphore_mem>> -> memref<1x!tpu.dma_semaphore, #tpu.memory_space<semaphore_mem>>
      %dma_start3A_1221 = tpu.memref_squeeze %dma_start3A_1220 : memref<1x!tpu.dma_semaphore, #tpu.memory_space<semaphore_mem>> -> memref<!tpu.dma_semaphore, #tpu.memory_space<semaphore_mem>>
      tpu.enqueue_indirect_dma source(%dma_start3A_1213 : memref<80x128xf32, #tpu.memory_space<vmem>>) target(%dma_start3A_1219 : memref<10240x128xf32, #tpu.memory_space<vmem_shared>>) offsets(%dma_start3A_1216 : memref<80xi32, #tpu.memory_space<vmem>>) semaphore(%dma_start3A_1221 : memref<!tpu.dma_semaphore, #tpu.memory_space<semaphore_mem>>) {add = true}
      %dma_start3A_1222 = arith.constant 1 : i32
      %dma_start3A_1223 = arith.constant 3 : i32
      %dma_start3A_1224 = arith.constant 1 : i32
      %dma_start3A_1225 = arith.constant 0 : i32
      %dma_start3A_1226 = arith.constant 0 : i32
      %dma_start3A_1227 = tpu.memref_slice %arg14[%dma_start3A_1222, %dma_start3A_1225, %dma_start3A_1226] : memref<2x80x16xf32, #tpu.memory_space<vmem>> -> memref<1x80x16xf32, #tpu.memory_space<vmem>>
      %dma_start3A_1228 = tpu.memref_squeeze %dma_start3A_1227 : memref<1x80x16xf32, #tpu.memory_space<vmem>> -> memref<80x16xf32, #tpu.memory_space<vmem>>
      %dma_start3A_1229 = arith.constant 0 : i32
      %dma_start3A_1230 = tpu.memref_slice %arg15[%select_n3A_122, %dma_start3A_1223, %dma_start3A_1229] : memref<2x5x80xi32, #tpu.memory_space<vmem>> -> memref<1x1x80xi32, #tpu.memory_space<vmem>>
      %dma_start3A_1231 = tpu.memref_squeeze %dma_start3A_1230 : memref<1x1x80xi32, #tpu.memory_space<vmem>> -> memref<80xi32, #tpu.memory_space<vmem>>
      %dma_start3A_1232 = arith.constant 0 : i32
      %dma_start3A_1233 = arith.constant 0 : i32
      %dma_start3A_1234 = tpu.memref_slice %arg18[%dma_start3A_1232, %dma_start3A_1233] : memref<10240x16xf32, #tpu.memory_space<vmem_shared>> -> memref<10240x16xf32, #tpu.memory_space<vmem_shared>>
      %dma_start3A_1235 = tpu.memref_slice %arg22[%dma_start3A_1224] : memref<2x!tpu.dma_semaphore, #tpu.memory_space<semaphore_mem>> -> memref<1x!tpu.dma_semaphore, #tpu.memory_space<semaphore_mem>>
      %dma_start3A_1236 = tpu.memref_squeeze %dma_start3A_1235 : memref<1x!tpu.dma_semaphore, #tpu.memory_space<semaphore_mem>> -> memref<!tpu.dma_semaphore, #tpu.memory_space<semaphore_mem>>
      tpu.enqueue_indirect_dma source(%dma_start3A_1228 : memref<80x16xf32, #tpu.memory_space<vmem>>) target(%dma_start3A_1234 : memref<10240x16xf32, #tpu.memory_space<vmem_shared>>) offsets(%dma_start3A_1231 : memref<80xi32, #tpu.memory_space<vmem>>) semaphore(%dma_start3A_1236 : memref<!tpu.dma_semaphore, #tpu.memory_space<semaphore_mem>>) {add = true}
      %scan3A_1237 = arith.constant 0 : i32
      %scan3A_1238 = arith.constant 9 : i32
      %scan3A_1239 = arith.constant 9 : i32
      %scan3A_1240 = arith.addi %scan3A_1238, %scan3A_1239 : i32
      %scan3A_1241 = arith.constant 1 : i32
      %scan3A_1242 = scf.for %scan3A_1526 = %scan3A_1238 to %scan3A_1240 step %scan3A_1241 iter_args(%scan3A_1527 = %scan3A_1237) -> (i32)  : i32 {
        %mul3A_1528 = arith.constant 16 : i32
        %mul3A_1529 = arith.muli %scan3A_1526, %mul3A_1528 : i32
        %get3A_1530 = arith.index_cast %sub3A_123 : i32 to index
        %get3A_1531 = arith.index_cast %mul3A_1529 : i32 to index
        %get3A_1532 = tpu.vector_load %arg11[%get3A_1530, %get3A_1531] {strides = array<i32>} : memref<2x400xi32, #tpu.memory_space<vmem>>, vector<16xi32>,
        %mul3A_1533 = arith.constant 16 : i32
        %mul3A_1534 = arith.muli %scan3A_1526, %mul3A_1533 : i32
        %get3A_1535 = arith.index_cast %sub3A_123 : i32 to index
        %get3A_1536 = arith.index_cast %mul3A_1534 : i32 to index
        %get3A_1537 = tpu.vector_load %arg12[%get3A_1535, %get3A_1536] {strides = array<i32>} : memref<2x400xi32, #tpu.memory_space<vmem>>, vector<16xi32>,
        %gather3A = tpu.vector_load_idx %arg10[%get3A_1532] : memref<10000xi32, #tpu.memory_space<vmem>>[vector<16xi32>], vector<16xi32>,
        %gather3A_1538 = tpu.vector_load_idx %arg10[%get3A_1537] : memref<10000xi32, #tpu.memory_space<vmem>>[vector<16xi32>], vector<16xi32>,
        %and3A_1539 = arith.andi %gather3A, %gather3A_1538 : vector<16xi32>
        %gt3A = arith.constant 0 : i32
        %gt3A_1540 = vector.broadcast %gt3A : i32 to vector<16xi32>
        %gt3A_1541 = arith.cmpi sgt, %and3A_1539, %gt3A_1540 : vector<16xi32>
        %jit3A_1542 = arith.constant 10200 : i32
        %broadcast_in_dim3A_1543 = vector.broadcast %jit3A_1542 : i32 to vector<16xi32>
        %select_n3A_1544 = arith.select %gt3A_1541, %get3A_1537, %broadcast_in_dim3A_1543 : vector<16xi1>, vector<16xi32>
        %jit3A_1545 = arith.constant 5 : i32
        %div3A = arith.divsi %scan3A_1526, %jit3A_1545 : i32
        %sign3A = arith.constant 0 : i32
        %sign3A_1546 = arith.cmpi sgt, %scan3A_1526, %sign3A : i32
        %sign3A_1547 = arith.extui %sign3A_1546 : i1 to i32
        %sign3A_1548 = arith.constant 0 : i32
        %sign3A_1549 = arith.cmpi slt, %scan3A_1526, %sign3A_1548 : i32
        %sign3A_1550 = arith.extui %sign3A_1549 : i1 to i32
        %sign3A_1551 = arith.subi %sign3A_1547, %sign3A_1550 : i32
        %sign3A_1552 = arith.constant 0 : i32
        %sign3A_1553 = arith.cmpi sgt, %jit3A_1545, %sign3A_1552 : i32
        %sign3A_1554 = arith.extui %sign3A_1553 : i1 to i32
        %sign3A_1555 = arith.constant 0 : i32
        %sign3A_1556 = arith.cmpi slt, %jit3A_1545, %sign3A_1555 : i32
        %sign3A_1557 = arith.extui %sign3A_1556 : i1 to i32
        %sign3A_1558 = arith.subi %sign3A_1554, %sign3A_1557 : i32
        %ne3A_1559 = arith.cmpi ne, %sign3A_1551, %sign3A_1558 : i32
        %rem3A_1560 = arith.remsi %scan3A_1526, %jit3A_1545 : i32
        %ne3A_1561 = arith.constant 0 : i32
        %ne3A_1562 = arith.cmpi ne, %rem3A_1560, %ne3A_1561 : i32
        %and3A_1563 = arith.andi %ne3A_1559, %ne3A_1562 : i1
        %sub3A_1564 = arith.constant 1 : i32
        %sub3A_1565 = arith.subi %div3A, %sub3A_1564 : i32
        %select_n3A_1566 = arith.select %and3A_1563, %sub3A_1565, %div3A : i32
        %jit3A_1567 = arith.constant 5 : i32
        %eq3A_1568 = arith.constant 0 : i32
        %eq3A_1569 = arith.cmpi eq, %jit3A_1567, %eq3A_1568 : i32
        %jit3A_1570 = arith.constant 1 : i32
        %select_n3A_1571 = arith.select %eq3A_1569, %jit3A_1570, %jit3A_1567 : i32
        %rem3A_1572 = arith.remsi %scan3A_1526, %select_n3A_1571 : i32
        %ne3A_1573 = arith.constant 0 : i32
        %ne3A_1574 = arith.cmpi ne, %rem3A_1572, %ne3A_1573 : i32
        %lt3A_1575 = arith.constant 0 : i32
        %lt3A_1576 = arith.cmpi slt, %rem3A_1572, %lt3A_1575 : i32
        %lt3A_1577 = arith.constant 0 : i32
        %lt3A_1578 = arith.cmpi slt, %select_n3A_1571, %lt3A_1577 : i32
        %ne3A_1579 = arith.xori %lt3A_1576, %lt3A_1578 : i1
        %and3A_1580 = arith.andi %ne3A_1579, %ne3A_1574 : i1
        %add3A_1581 = arith.addi %rem3A_1572, %select_n3A_1571 : i32
        %select_n3A_1582 = arith.select %and3A_1580, %add3A_1581, %rem3A_1572 : i32
        %mul3A_1583 = arith.constant 16 : i32
        %mul3A_1584 = arith.muli %select_n3A_1582, %mul3A_1583 : i32
        %swap3A = arith.index_cast %sub3A_123 : i32 to index
        %swap3A_1585 = arith.index_cast %select_n3A_1566 : i32 to index
        %swap3A_1586 = arith.index_cast %mul3A_1584 : i32 to index
        %swap3A_1587 = tpu.vector_load %arg15[%swap3A, %swap3A_1585, %swap3A_1586] {strides = array<i32>} : memref<2x5x80xi32, #tpu.memory_space<vmem>>, vector<16xi32>,
        tpu.vector_store %arg15[%swap3A, %swap3A_1585, %swap3A_1586], %select_n3A_1544 {strides = array<i32>} : memref<2x5x80xi32, #tpu.memory_space<vmem>>, vector<16xi32>,
        %scan3A_1588 = arith.constant 0 : i32
        scf.yield %scan3A_1588 : i32
      }
      %scan3A_1243 = arith.constant 9 : i32
      %dma_wait3A_1244 = arith.constant 1 : i32
      %dma_wait3A_1245 = arith.constant 3 : i32
      %dma_wait3A_1246 = arith.constant 1 : i32
      %dma_wait3A_1247 = arith.constant 0 : i32
      %dma_wait3A_1248 = arith.constant 0 : i32
      %dma_wait3A_1249 = tpu.memref_slice %arg16[%dma_wait3A_1244, %dma_wait3A_1247, %dma_wait3A_1248] : memref<2x80x128xf32, #tpu.memory_space<vmem>> -> memref<1x80x128xf32, #tpu.memory_space<vmem>>
      %dma_wait3A_1250 = tpu.memref_squeeze %dma_wait3A_1249 : memref<1x80x128xf32, #tpu.memory_space<vmem>> -> memref<80x128xf32, #tpu.memory_space<vmem>>
      %dma_wait3A_1251 = arith.constant 0 : i32
      %dma_wait3A_1252 = tpu.memref_slice %arg15[%select_n3A_122, %dma_wait3A_1245, %dma_wait3A_1251] : memref<2x5x80xi32, #tpu.memory_space<vmem>> -> memref<1x1x80xi32, #tpu.memory_space<vmem>>
      %dma_wait3A_1253 = tpu.memref_squeeze %dma_wait3A_1252 : memref<1x1x80xi32, #tpu.memory_space<vmem>> -> memref<80xi32, #tpu.memory_space<vmem>>
      %dma_wait3A_1254 = arith.constant 0 : i32
      %dma_wait3A_1255 = arith.constant 0 : i32
      %dma_wait3A_1256 = tpu.memref_slice %arg17[%dma_wait3A_1254, %dma_wait3A_1255] : memref<10240x128xf32, #tpu.memory_space<vmem_shared>> -> memref<10240x128xf32, #tpu.memory_space<vmem_shared>>
      %dma_wait3A_1257 = tpu.memref_slice %arg21[%dma_wait3A_1246] : memref<2x!tpu.dma_semaphore, #tpu.memory_space<semaphore_mem>> -> memref<1x!tpu.dma_semaphore, #tpu.memory_space<semaphore_mem>>
      %dma_wait3A_1258 = tpu.memref_squeeze %dma_wait3A_1257 : memref<1x!tpu.dma_semaphore, #tpu.memory_space<semaphore_mem>> -> memref<!tpu.dma_semaphore, #tpu.memory_space<semaphore_mem>>
      tpu.wait_indirect_dma semaphore(%dma_wait3A_1258 : memref<!tpu.dma_semaphore, #tpu.memory_space<semaphore_mem>>) src(%dma_wait3A_1250 : memref<80x128xf32, #tpu.memory_space<vmem>>) dst(%dma_wait3A_1256 : memref<10240x128xf32, #tpu.memory_space<vmem_shared>>)
      %dma_wait3A_1259 = arith.constant 1 : i32
      %dma_wait3A_1260 = arith.constant 3 : i32
      %dma_wait3A_1261 = arith.constant 1 : i32
      %dma_wait3A_1262 = arith.constant 0 : i32
      %dma_wait3A_1263 = arith.constant 0 : i32
      %dma_wait3A_1264 = tpu.memref_slice %arg14[%dma_wait3A_1259, %dma_wait3A_1262, %dma_wait3A_1263] : memref<2x80x16xf32, #tpu.memory_space<vmem>> -> memref<1x80x16xf32, #tpu.memory_space<vmem>>
      %dma_wait3A_1265 = tpu.memref_squeeze %dma_wait3A_1264 : memref<1x80x16xf32, #tpu.memory_space<vmem>> -> memref<80x16xf32, #tpu.memory_space<vmem>>
      %dma_wait3A_1266 = arith.constant 0 : i32
      %dma_wait3A_1267 = tpu.memref_slice %arg15[%select_n3A_122, %dma_wait3A_1260, %dma_wait3A_1266] : memref<2x5x80xi32, #tpu.memory_space<vmem>> -> memref<1x1x80xi32, #tpu.memory_space<vmem>>
      %dma_wait3A_1268 = tpu.memref_squeeze %dma_wait3A_1267 : memref<1x1x80xi32, #tpu.memory_space<vmem>> -> memref<80xi32, #tpu.memory_space<vmem>>
      %dma_wait3A_1269 = arith.constant 0 : i32
      %dma_wait3A_1270 = arith.constant 0 : i32
      %dma_wait3A_1271 = tpu.memref_slice %arg18[%dma_wait3A_1269, %dma_wait3A_1270] : memref<10240x16xf32, #tpu.memory_space<vmem_shared>> -> memref<10240x16xf32, #tpu.memory_space<vmem_shared>>
      %dma_wait3A_1272 = tpu.memref_slice %arg22[%dma_wait3A_1261] : memref<2x!tpu.dma_semaphore, #tpu.memory_space<semaphore_mem>> -> memref<1x!tpu.dma_semaphore, #tpu.memory_space<semaphore_mem>>
      %dma_wait3A_1273 = tpu.memref_squeeze %dma_wait3A_1272 : memref<1x!tpu.dma_semaphore, #tpu.memory_space<semaphore_mem>> -> memref<!tpu.dma_semaphore, #tpu.memory_space<semaphore_mem>>
      tpu.wait_indirect_dma semaphore(%dma_wait3A_1273 : memref<!tpu.dma_semaphore, #tpu.memory_space<semaphore_mem>>) src(%dma_wait3A_1265 : memref<80x16xf32, #tpu.memory_space<vmem>>) dst(%dma_wait3A_1271 : memref<10240x16xf32, #tpu.memory_space<vmem_shared>>)
      %broadcast_in_dim3A_1274 = arith.constant 0 : i32
      %broadcast_in_dim3A_1275 = vector.broadcast %broadcast_in_dim3A_1274 : i32 to vector<16xi32>
      %broadcast_in_dim3A_1276 = arith.constant 0 : i32
      %broadcast_in_dim3A_1277 = vector.broadcast %broadcast_in_dim3A_1276 : i32 to vector<16xi32>
      %get3A_1278 = arith.constant 0 : i32
      %get3A_1279 = arith.index_cast %select_n3A_122 : i32 to index
      %get3A_1280 = arith.index_cast %get3A_1278 : i32 to index
      %get3A_1281 = arith.constant 320 : index
      %get3A_1282 = tpu.vector_load %arg13[%get3A_1279, %get3A_1280, %get3A_1281] {strides = array<i32>} : memref<2x4x400xf32, #tpu.memory_space<vmem>>, vector<16xf32>,
      %add3A_1283 = arith.constant 0 : i32
      %add3A_1284 = vector.broadcast %add3A_1283 : i32 to vector<16xi32>
      %add3A_1285 = arith.addi %add3A_1284, %iota3A : vector<16xi32>
      tpu.vector_store_idx %arg14[%broadcast_in_dim3A_1275, %add3A_1285, %broadcast_in_dim3A_1277], %get3A_1282 : memref<2x80x16xf32, #tpu.memory_space<vmem>>[vector<16xi32>, vector<16xi32>, vector<16xi32>], vector<16xf32>,
      %get3A_1286 = arith.constant 0 : i32
      %get3A_1287 = arith.index_cast %select_n3A_122 : i32 to index
      %get3A_1288 = arith.index_cast %get3A_1286 : i32 to index
      %get3A_1289 = arith.constant 336 : index
      %get3A_1290 = tpu.vector_load %arg13[%get3A_1287, %get3A_1288, %get3A_1289] {strides = array<i32>} : memref<2x4x400xf32, #tpu.memory_space<vmem>>, vector<16xf32>,
      %add3A_1291 = arith.constant 16 : i32
      %add3A_1292 = vector.broadcast %add3A_1291 : i32 to vector<16xi32>
      %add3A_1293 = arith.addi %add3A_1292, %iota3A : vector<16xi32>
      tpu.vector_store_idx %arg14[%broadcast_in_dim3A_1275, %add3A_1293, %broadcast_in_dim3A_1277], %get3A_1290 : memref<2x80x16xf32, #tpu.memory_space<vmem>>[vector<16xi32>, vector<16xi32>, vector<16xi32>], vector<16xf32>,
      %get3A_1294 = arith.constant 0 : i32
      %get3A_1295 = arith.index_cast %select_n3A_122 : i32 to index
      %get3A_1296 = arith.index_cast %get3A_1294 : i32 to index
      %get3A_1297 = arith.constant 352 : index
      %get3A_1298 = tpu.vector_load %arg13[%get3A_1295, %get3A_1296, %get3A_1297] {strides = array<i32>} : memref<2x4x400xf32, #tpu.memory_space<vmem>>, vector<16xf32>,
      %add3A_1299 = arith.constant 32 : i32
      %add3A_1300 = vector.broadcast %add3A_1299 : i32 to vector<16xi32>
      %add3A_1301 = arith.addi %add3A_1300, %iota3A : vector<16xi32>
      tpu.vector_store_idx %arg14[%broadcast_in_dim3A_1275, %add3A_1301, %broadcast_in_dim3A_1277], %get3A_1298 : memref<2x80x16xf32, #tpu.memory_space<vmem>>[vector<16xi32>, vector<16xi32>, vector<16xi32>], vector<16xf32>,
      %get3A_1302 = arith.constant 0 : i32
      %get3A_1303 = arith.index_cast %select_n3A_122 : i32 to index
      %get3A_1304 = arith.index_cast %get3A_1302 : i32 to index
      %get3A_1305 = arith.constant 368 : index
      %get3A_1306 = tpu.vector_load %arg13[%get3A_1303, %get3A_1304, %get3A_1305] {strides = array<i32>} : memref<2x4x400xf32, #tpu.memory_space<vmem>>, vector<16xf32>,
      %add3A_1307 = arith.constant 48 : i32
      %add3A_1308 = vector.broadcast %add3A_1307 : i32 to vector<16xi32>
      %add3A_1309 = arith.addi %add3A_1308, %iota3A : vector<16xi32>
      tpu.vector_store_idx %arg14[%broadcast_in_dim3A_1275, %add3A_1309, %broadcast_in_dim3A_1277], %get3A_1306 : memref<2x80x16xf32, #tpu.memory_space<vmem>>[vector<16xi32>, vector<16xi32>, vector<16xi32>], vector<16xf32>,
      %get3A_1310 = arith.constant 0 : i32
      %get3A_1311 = arith.index_cast %select_n3A_122 : i32 to index
      %get3A_1312 = arith.index_cast %get3A_1310 : i32 to index
      %get3A_1313 = arith.constant 384 : index
      %get3A_1314 = tpu.vector_load %arg13[%get3A_1311, %get3A_1312, %get3A_1313] {strides = array<i32>} : memref<2x4x400xf32, #tpu.memory_space<vmem>>, vector<16xf32>,
      %add3A_1315 = arith.constant 64 : i32
      %add3A_1316 = vector.broadcast %add3A_1315 : i32 to vector<16xi32>
      %add3A_1317 = arith.addi %add3A_1316, %iota3A : vector<16xi32>
      tpu.vector_store_idx %arg14[%broadcast_in_dim3A_1275, %add3A_1317, %broadcast_in_dim3A_1277], %get3A_1314 : memref<2x80x16xf32, #tpu.memory_space<vmem>>[vector<16xi32>, vector<16xi32>, vector<16xi32>], vector<16xf32>,
      %broadcast_in_dim3A_1318 = arith.constant 1 : i32
      %broadcast_in_dim3A_1319 = vector.broadcast %broadcast_in_dim3A_1318 : i32 to vector<16xi32>
      %get3A_1320 = arith.constant 1 : i32
      %get3A_1321 = arith.index_cast %select_n3A_122 : i32 to index
      %get3A_1322 = arith.index_cast %get3A_1320 : i32 to index
      %get3A_1323 = arith.constant 320 : index
      %get3A_1324 = tpu.vector_load %arg13[%get3A_1321, %get3A_1322, %get3A_1323] {strides = array<i32>} : memref<2x4x400xf32, #tpu.memory_space<vmem>>, vector<16xf32>,
      %add3A_1325 = arith.constant 0 : i32
      %add3A_1326 = vector.broadcast %add3A_1325 : i32 to vector<16xi32>
      %add3A_1327 = arith.addi %add3A_1326, %iota3A : vector<16xi32>
      tpu.vector_store_idx %arg14[%broadcast_in_dim3A_1275, %add3A_1327, %broadcast_in_dim3A_1319], %get3A_1324 : memref<2x80x16xf32, #tpu.memory_space<vmem>>[vector<16xi32>, vector<16xi32>, vector<16xi32>], vector<16xf32>,
      %get3A_1328 = arith.constant 1 : i32
      %get3A_1329 = arith.index_cast %select_n3A_122 : i32 to index
      %get3A_1330 = arith.index_cast %get3A_1328 : i32 to index
      %get3A_1331 = arith.constant 336 : index
      %get3A_1332 = tpu.vector_load %arg13[%get3A_1329, %get3A_1330, %get3A_1331] {strides = array<i32>} : memref<2x4x400xf32, #tpu.memory_space<vmem>>, vector<16xf32>,
      %add3A_1333 = arith.constant 16 : i32
      %add3A_1334 = vector.broadcast %add3A_1333 : i32 to vector<16xi32>
      %add3A_1335 = arith.addi %add3A_1334, %iota3A : vector<16xi32>
      tpu.vector_store_idx %arg14[%broadcast_in_dim3A_1275, %add3A_1335, %broadcast_in_dim3A_1319], %get3A_1332 : memref<2x80x16xf32, #tpu.memory_space<vmem>>[vector<16xi32>, vector<16xi32>, vector<16xi32>], vector<16xf32>,
      %get3A_1336 = arith.constant 1 : i32
      %get3A_1337 = arith.index_cast %select_n3A_122 : i32 to index
      %get3A_1338 = arith.index_cast %get3A_1336 : i32 to index
      %get3A_1339 = arith.constant 352 : index
      %get3A_1340 = tpu.vector_load %arg13[%get3A_1337, %get3A_1338, %get3A_1339] {strides = array<i32>} : memref<2x4x400xf32, #tpu.memory_space<vmem>>, vector<16xf32>,
      %add3A_1341 = arith.constant 32 : i32
      %add3A_1342 = vector.broadcast %add3A_1341 : i32 to vector<16xi32>
      %add3A_1343 = arith.addi %add3A_1342, %iota3A : vector<16xi32>
      tpu.vector_store_idx %arg14[%broadcast_in_dim3A_1275, %add3A_1343, %broadcast_in_dim3A_1319], %get3A_1340 : memref<2x80x16xf32, #tpu.memory_space<vmem>>[vector<16xi32>, vector<16xi32>, vector<16xi32>], vector<16xf32>,
      %get3A_1344 = arith.constant 1 : i32
      %get3A_1345 = arith.index_cast %select_n3A_122 : i32 to index
      %get3A_1346 = arith.index_cast %get3A_1344 : i32 to index
      %get3A_1347 = arith.constant 368 : index
      %get3A_1348 = tpu.vector_load %arg13[%get3A_1345, %get3A_1346, %get3A_1347] {strides = array<i32>} : memref<2x4x400xf32, #tpu.memory_space<vmem>>, vector<16xf32>,
      %add3A_1349 = arith.constant 48 : i32
      %add3A_1350 = vector.broadcast %add3A_1349 : i32 to vector<16xi32>
      %add3A_1351 = arith.addi %add3A_1350, %iota3A : vector<16xi32>
      tpu.vector_store_idx %arg14[%broadcast_in_dim3A_1275, %add3A_1351, %broadcast_in_dim3A_1319], %get3A_1348 : memref<2x80x16xf32, #tpu.memory_space<vmem>>[vector<16xi32>, vector<16xi32>, vector<16xi32>], vector<16xf32>,
      %get3A_1352 = arith.constant 1 : i32
      %get3A_1353 = arith.index_cast %select_n3A_122 : i32 to index
      %get3A_1354 = arith.index_cast %get3A_1352 : i32 to index
      %get3A_1355 = arith.constant 384 : index
      %get3A_1356 = tpu.vector_load %arg13[%get3A_1353, %get3A_1354, %get3A_1355] {strides = array<i32>} : memref<2x4x400xf32, #tpu.memory_space<vmem>>, vector<16xf32>,
      %add3A_1357 = arith.constant 64 : i32
      %add3A_1358 = vector.broadcast %add3A_1357 : i32 to vector<16xi32>
      %add3A_1359 = arith.addi %add3A_1358, %iota3A : vector<16xi32>
      tpu.vector_store_idx %arg14[%broadcast_in_dim3A_1275, %add3A_1359, %broadcast_in_dim3A_1319], %get3A_1356 : memref<2x80x16xf32, #tpu.memory_space<vmem>>[vector<16xi32>, vector<16xi32>, vector<16xi32>], vector<16xf32>,
      %broadcast_in_dim3A_1360 = arith.constant 2 : i32
      %broadcast_in_dim3A_1361 = vector.broadcast %broadcast_in_dim3A_1360 : i32 to vector<16xi32>
      %get3A_1362 = arith.constant 2 : i32
      %get3A_1363 = arith.index_cast %select_n3A_122 : i32 to index
      %get3A_1364 = arith.index_cast %get3A_1362 : i32 to index
      %get3A_1365 = arith.constant 320 : index
      %get3A_1366 = tpu.vector_load %arg13[%get3A_1363, %get3A_1364, %get3A_1365] {strides = array<i32>} : memref<2x4x400xf32, #tpu.memory_space<vmem>>, vector<16xf32>,
      %add3A_1367 = arith.constant 0 : i32
      %add3A_1368 = vector.broadcast %add3A_1367 : i32 to vector<16xi32>
      %add3A_1369 = arith.addi %add3A_1368, %iota3A : vector<16xi32>
      tpu.vector_store_idx %arg14[%broadcast_in_dim3A_1275, %add3A_1369, %broadcast_in_dim3A_1361], %get3A_1366 : memref<2x80x16xf32, #tpu.memory_space<vmem>>[vector<16xi32>, vector<16xi32>, vector<16xi32>], vector<16xf32>,
      %get3A_1370 = arith.constant 2 : i32
      %get3A_1371 = arith.index_cast %select_n3A_122 : i32 to index
      %get3A_1372 = arith.index_cast %get3A_1370 : i32 to index
      %get3A_1373 = arith.constant 336 : index
      %get3A_1374 = tpu.vector_load %arg13[%get3A_1371, %get3A_1372, %get3A_1373] {strides = array<i32>} : memref<2x4x400xf32, #tpu.memory_space<vmem>>, vector<16xf32>,
      %add3A_1375 = arith.constant 16 : i32
      %add3A_1376 = vector.broadcast %add3A_1375 : i32 to vector<16xi32>
      %add3A_1377 = arith.addi %add3A_1376, %iota3A : vector<16xi32>
      tpu.vector_store_idx %arg14[%broadcast_in_dim3A_1275, %add3A_1377, %broadcast_in_dim3A_1361], %get3A_1374 : memref<2x80x16xf32, #tpu.memory_space<vmem>>[vector<16xi32>, vector<16xi32>, vector<16xi32>], vector<16xf32>,
      %get3A_1378 = arith.constant 2 : i32
      %get3A_1379 = arith.index_cast %select_n3A_122 : i32 to index
      %get3A_1380 = arith.index_cast %get3A_1378 : i32 to index
      %get3A_1381 = arith.constant 352 : index
      %get3A_1382 = tpu.vector_load %arg13[%get3A_1379, %get3A_1380, %get3A_1381] {strides = array<i32>} : memref<2x4x400xf32, #tpu.memory_space<vmem>>, vector<16xf32>,
      %add3A_1383 = arith.constant 32 : i32
      %add3A_1384 = vector.broadcast %add3A_1383 : i32 to vector<16xi32>
      %add3A_1385 = arith.addi %add3A_1384, %iota3A : vector<16xi32>
      tpu.vector_store_idx %arg14[%broadcast_in_dim3A_1275, %add3A_1385, %broadcast_in_dim3A_1361], %get3A_1382 : memref<2x80x16xf32, #tpu.memory_space<vmem>>[vector<16xi32>, vector<16xi32>, vector<16xi32>], vector<16xf32>,
      %get3A_1386 = arith.constant 2 : i32
      %get3A_1387 = arith.index_cast %select_n3A_122 : i32 to index
      %get3A_1388 = arith.index_cast %get3A_1386 : i32 to index
      %get3A_1389 = arith.constant 368 : index
      %get3A_1390 = tpu.vector_load %arg13[%get3A_1387, %get3A_1388, %get3A_1389] {strides = array<i32>} : memref<2x4x400xf32, #tpu.memory_space<vmem>>, vector<16xf32>,
      %add3A_1391 = arith.constant 48 : i32
      %add3A_1392 = vector.broadcast %add3A_1391 : i32 to vector<16xi32>
      %add3A_1393 = arith.addi %add3A_1392, %iota3A : vector<16xi32>
      tpu.vector_store_idx %arg14[%broadcast_in_dim3A_1275, %add3A_1393, %broadcast_in_dim3A_1361], %get3A_1390 : memref<2x80x16xf32, #tpu.memory_space<vmem>>[vector<16xi32>, vector<16xi32>, vector<16xi32>], vector<16xf32>,
      %get3A_1394 = arith.constant 2 : i32
      %get3A_1395 = arith.index_cast %select_n3A_122 : i32 to index
      %get3A_1396 = arith.index_cast %get3A_1394 : i32 to index
      %get3A_1397 = arith.constant 384 : index
      %get3A_1398 = tpu.vector_load %arg13[%get3A_1395, %get3A_1396, %get3A_1397] {strides = array<i32>} : memref<2x4x400xf32, #tpu.memory_space<vmem>>, vector<16xf32>,
      %add3A_1399 = arith.constant 64 : i32
      %add3A_1400 = vector.broadcast %add3A_1399 : i32 to vector<16xi32>
      %add3A_1401 = arith.addi %add3A_1400, %iota3A : vector<16xi32>
      tpu.vector_store_idx %arg14[%broadcast_in_dim3A_1275, %add3A_1401, %broadcast_in_dim3A_1361], %get3A_1398 : memref<2x80x16xf32, #tpu.memory_space<vmem>>[vector<16xi32>, vector<16xi32>, vector<16xi32>], vector<16xf32>,
      %broadcast_in_dim3A_1402 = arith.constant 3 : i32
      %broadcast_in_dim3A_1403 = vector.broadcast %broadcast_in_dim3A_1402 : i32 to vector<16xi32>
      %get3A_1404 = arith.constant 3 : i32
      %get3A_1405 = arith.index_cast %select_n3A_122 : i32 to index
      %get3A_1406 = arith.index_cast %get3A_1404 : i32 to index
      %get3A_1407 = arith.constant 320 : index
      %get3A_1408 = tpu.vector_load %arg13[%get3A_1405, %get3A_1406, %get3A_1407] {strides = array<i32>} : memref<2x4x400xf32, #tpu.memory_space<vmem>>, vector<16xf32>,
      %add3A_1409 = arith.constant 0 : i32
      %add3A_1410 = vector.broadcast %add3A_1409 : i32 to vector<16xi32>
      %add3A_1411 = arith.addi %add3A_1410, %iota3A : vector<16xi32>
      tpu.vector_store_idx %arg14[%broadcast_in_dim3A_1275, %add3A_1411, %broadcast_in_dim3A_1403], %get3A_1408 : memref<2x80x16xf32, #tpu.memory_space<vmem>>[vector<16xi32>, vector<16xi32>, vector<16xi32>], vector<16xf32>,
      %get3A_1412 = arith.constant 3 : i32
      %get3A_1413 = arith.index_cast %select_n3A_122 : i32 to index
      %get3A_1414 = arith.index_cast %get3A_1412 : i32 to index
      %get3A_1415 = arith.constant 336 : index
      %get3A_1416 = tpu.vector_load %arg13[%get3A_1413, %get3A_1414, %get3A_1415] {strides = array<i32>} : memref<2x4x400xf32, #tpu.memory_space<vmem>>, vector<16xf32>,
      %add3A_1417 = arith.constant 16 : i32
      %add3A_1418 = vector.broadcast %add3A_1417 : i32 to vector<16xi32>
      %add3A_1419 = arith.addi %add3A_1418, %iota3A : vector<16xi32>
      tpu.vector_store_idx %arg14[%broadcast_in_dim3A_1275, %add3A_1419, %broadcast_in_dim3A_1403], %get3A_1416 : memref<2x80x16xf32, #tpu.memory_space<vmem>>[vector<16xi32>, vector<16xi32>, vector<16xi32>], vector<16xf32>,
      %get3A_1420 = arith.constant 3 : i32
      %get3A_1421 = arith.index_cast %select_n3A_122 : i32 to index
      %get3A_1422 = arith.index_cast %get3A_1420 : i32 to index
      %get3A_1423 = arith.constant 352 : index
      %get3A_1424 = tpu.vector_load %arg13[%get3A_1421, %get3A_1422, %get3A_1423] {strides = array<i32>} : memref<2x4x400xf32, #tpu.memory_space<vmem>>, vector<16xf32>,
      %add3A_1425 = arith.constant 32 : i32
      %add3A_1426 = vector.broadcast %add3A_1425 : i32 to vector<16xi32>
      %add3A_1427 = arith.addi %add3A_1426, %iota3A : vector<16xi32>
      tpu.vector_store_idx %arg14[%broadcast_in_dim3A_1275, %add3A_1427, %broadcast_in_dim3A_1403], %get3A_1424 : memref<2x80x16xf32, #tpu.memory_space<vmem>>[vector<16xi32>, vector<16xi32>, vector<16xi32>], vector<16xf32>,
      %get3A_1428 = arith.constant 3 : i32
      %get3A_1429 = arith.index_cast %select_n3A_122 : i32 to index
      %get3A_1430 = arith.index_cast %get3A_1428 : i32 to index
      %get3A_1431 = arith.constant 368 : index
      %get3A_1432 = tpu.vector_load %arg13[%get3A_1429, %get3A_1430, %get3A_1431] {strides = array<i32>} : memref<2x4x400xf32, #tpu.memory_space<vmem>>, vector<16xf32>,
      %add3A_1433 = arith.constant 48 : i32
      %add3A_1434 = vector.broadcast %add3A_1433 : i32 to vector<16xi32>
      %add3A_1435 = arith.addi %add3A_1434, %iota3A : vector<16xi32>
      tpu.vector_store_idx %arg14[%broadcast_in_dim3A_1275, %add3A_1435, %broadcast_in_dim3A_1403], %get3A_1432 : memref<2x80x16xf32, #tpu.memory_space<vmem>>[vector<16xi32>, vector<16xi32>, vector<16xi32>], vector<16xf32>,
      %get3A_1436 = arith.constant 3 : i32
      %get3A_1437 = arith.index_cast %select_n3A_122 : i32 to index
      %get3A_1438 = arith.index_cast %get3A_1436 : i32 to index
      %get3A_1439 = arith.constant 384 : index
      %get3A_1440 = tpu.vector_load %arg13[%get3A_1437, %get3A_1438, %get3A_1439] {strides = array<i32>} : memref<2x4x400xf32, #tpu.memory_space<vmem>>, vector<16xf32>,
      %add3A_1441 = arith.constant 64 : i32
      %add3A_1442 = vector.broadcast %add3A_1441 : i32 to vector<16xi32>
      %add3A_1443 = arith.addi %add3A_1442, %iota3A : vector<16xi32>
      tpu.vector_store_idx %arg14[%broadcast_in_dim3A_1275, %add3A_1443, %broadcast_in_dim3A_1403], %get3A_1440 : memref<2x80x16xf32, #tpu.memory_space<vmem>>[vector<16xi32>, vector<16xi32>, vector<16xi32>], vector<16xf32>,
      %dma_wait3A_1444 = arith.constant 0 : i32
      %dma_wait3A_1445 = arith.constant 0 : i32
      %dma_wait3A_1446 = arith.constant 0 : i32
      %dma_wait3A_1447 = arith.constant 0 : i32
      %dma_wait3A_1448 = tpu.memref_slice %arg16[%dma_wait3A_1444, %dma_wait3A_1446, %dma_wait3A_1447] : memref<2x80x128xf32, #tpu.memory_space<vmem>> -> memref<1x80x128xf32, #tpu.memory_space<vmem>>
      %dma_wait3A_1449 = tpu.memref_squeeze %dma_wait3A_1448 : memref<1x80x128xf32, #tpu.memory_space<vmem>> -> memref<80x128xf32, #tpu.memory_space<vmem>>
      %dma_wait3A_1450 = arith.constant 320 : i32
      %dma_wait3A_1451 = tpu.memref_slice %arg11[%select_n3A_122, %dma_wait3A_1450] : memref<2x400xi32, #tpu.memory_space<vmem>> -> memref<1x80xi32, #tpu.memory_space<vmem>>
      %dma_wait3A_1452 = tpu.memref_squeeze %dma_wait3A_1451 : memref<1x80xi32, #tpu.memory_space<vmem>> -> memref<80xi32, #tpu.memory_space<vmem>>
      %dma_wait3A_1453 = arith.constant 0 : i32
      %dma_wait3A_1454 = arith.constant 0 : i32
      %dma_wait3A_1455 = tpu.memref_slice %arg2[%dma_wait3A_1453, %dma_wait3A_1454] : memref<10000x128xf32, #tpu.memory_space<hbm>> -> memref<10000x128xf32, #tpu.memory_space<hbm>>
      %dma_wait3A_1456 = tpu.memref_slice %arg20[%dma_wait3A_1445] : memref<2x!tpu.dma_semaphore, #tpu.memory_space<semaphore_mem>> -> memref<1x!tpu.dma_semaphore, #tpu.memory_space<semaphore_mem>>
      %dma_wait3A_1457 = tpu.memref_squeeze %dma_wait3A_1456 : memref<1x!tpu.dma_semaphore, #tpu.memory_space<semaphore_mem>> -> memref<!tpu.dma_semaphore, #tpu.memory_space<semaphore_mem>>
      tpu.wait_indirect_dma semaphore(%dma_wait3A_1457 : memref<!tpu.dma_semaphore, #tpu.memory_space<semaphore_mem>>) src(%dma_wait3A_1455 : memref<10000x128xf32, #tpu.memory_space<hbm>>) dst(%dma_wait3A_1449 : memref<80x128xf32, #tpu.memory_space<vmem>>)
      %dma_start3A_1458 = arith.constant 0 : i32
      %dma_start3A_1459 = arith.constant 4 : i32
      %dma_start3A_1460 = arith.constant 0 : i32
      %dma_start3A_1461 = arith.constant 0 : i32
      %dma_start3A_1462 = arith.constant 0 : i32
      %dma_start3A_1463 = tpu.memref_slice %arg16[%dma_start3A_1458, %dma_start3A_1461, %dma_start3A_1462] : memref<2x80x128xf32, #tpu.memory_space<vmem>> -> memref<1x80x128xf32, #tpu.memory_space<vmem>>
      %dma_start3A_1464 = tpu.memref_squeeze %dma_start3A_1463 : memref<1x80x128xf32, #tpu.memory_space<vmem>> -> memref<80x128xf32, #tpu.memory_space<vmem>>
      %dma_start3A_1465 = arith.constant 0 : i32
      %dma_start3A_1466 = tpu.memref_slice %arg15[%select_n3A_122, %dma_start3A_1459, %dma_start3A_1465] : memref<2x5x80xi32, #tpu.memory_space<vmem>> -> memref<1x1x80xi32, #tpu.memory_space<vmem>>
      %dma_start3A_1467 = tpu.memref_squeeze %dma_start3A_1466 : memref<1x1x80xi32, #tpu.memory_space<vmem>> -> memref<80xi32, #tpu.memory_space<vmem>>
      %dma_start3A_1468 = arith.constant 0 : i32
      %dma_start3A_1469 = arith.constant 0 : i32
      %dma_start3A_1470 = tpu.memref_slice %arg17[%dma_start3A_1468, %dma_start3A_1469] : memref<10240x128xf32, #tpu.memory_space<vmem_shared>> -> memref<10240x128xf32, #tpu.memory_space<vmem_shared>>
      %dma_start3A_1471 = tpu.memref_slice %arg21[%dma_start3A_1460] : memref<2x!tpu.dma_semaphore, #tpu.memory_space<semaphore_mem>> -> memref<1x!tpu.dma_semaphore, #tpu.memory_space<semaphore_mem>>
      %dma_start3A_1472 = tpu.memref_squeeze %dma_start3A_1471 : memref<1x!tpu.dma_semaphore, #tpu.memory_space<semaphore_mem>> -> memref<!tpu.dma_semaphore, #tpu.memory_space<semaphore_mem>>
      tpu.enqueue_indirect_dma source(%dma_start3A_1464 : memref<80x128xf32, #tpu.memory_space<vmem>>) target(%dma_start3A_1470 : memref<10240x128xf32, #tpu.memory_space<vmem_shared>>) offsets(%dma_start3A_1467 : memref<80xi32, #tpu.memory_space<vmem>>) semaphore(%dma_start3A_1472 : memref<!tpu.dma_semaphore, #tpu.memory_space<semaphore_mem>>) {add = true}
      %dma_start3A_1473 = arith.constant 0 : i32
      %dma_start3A_1474 = arith.constant 4 : i32
      %dma_start3A_1475 = arith.constant 0 : i32
      %dma_start3A_1476 = arith.constant 0 : i32
      %dma_start3A_1477 = arith.constant 0 : i32
      %dma_start3A_1478 = tpu.memref_slice %arg14[%dma_start3A_1473, %dma_start3A_1476, %dma_start3A_1477] : memref<2x80x16xf32, #tpu.memory_space<vmem>> -> memref<1x80x16xf32, #tpu.memory_space<vmem>>
      %dma_start3A_1479 = tpu.memref_squeeze %dma_start3A_1478 : memref<1x80x16xf32, #tpu.memory_space<vmem>> -> memref<80x16xf32, #tpu.memory_space<vmem>>
      %dma_start3A_1480 = arith.constant 0 : i32
      %dma_start3A_1481 = tpu.memref_slice %arg15[%select_n3A_122, %dma_start3A_1474, %dma_start3A_1480] : memref<2x5x80xi32, #tpu.memory_space<vmem>> -> memref<1x1x80xi32, #tpu.memory_space<vmem>>
      %dma_start3A_1482 = tpu.memref_squeeze %dma_start3A_1481 : memref<1x1x80xi32, #tpu.memory_space<vmem>> -> memref<80xi32, #tpu.memory_space<vmem>>
      %dma_start3A_1483 = arith.constant 0 : i32
      %dma_start3A_1484 = arith.constant 0 : i32
      %dma_start3A_1485 = tpu.memref_slice %arg18[%dma_start3A_1483, %dma_start3A_1484] : memref<10240x16xf32, #tpu.memory_space<vmem_shared>> -> memref<10240x16xf32, #tpu.memory_space<vmem_shared>>
      %dma_start3A_1486 = tpu.memref_slice %arg22[%dma_start3A_1475] : memref<2x!tpu.dma_semaphore, #tpu.memory_space<semaphore_mem>> -> memref<1x!tpu.dma_semaphore, #tpu.memory_space<semaphore_mem>>
      %dma_start3A_1487 = tpu.memref_squeeze %dma_start3A_1486 : memref<1x!tpu.dma_semaphore, #tpu.memory_space<semaphore_mem>> -> memref<!tpu.dma_semaphore, #tpu.memory_space<semaphore_mem>>
      tpu.enqueue_indirect_dma source(%dma_start3A_1479 : memref<80x16xf32, #tpu.memory_space<vmem>>) target(%dma_start3A_1485 : memref<10240x16xf32, #tpu.memory_space<vmem_shared>>) offsets(%dma_start3A_1482 : memref<80xi32, #tpu.memory_space<vmem>>) semaphore(%dma_start3A_1487 : memref<!tpu.dma_semaphore, #tpu.memory_space<semaphore_mem>>) {add = true}
      %scan3A_1488 = arith.constant 0 : i32
      %scan3A_1489 = arith.constant 18 : i32
      %scan3A_1490 = arith.constant 7 : i32
      %scan3A_1491 = arith.addi %scan3A_1489, %scan3A_1490 : i32
      %scan3A_1492 = arith.constant 1 : i32
      %scan3A_1493 = scf.for %scan3A_1526 = %scan3A_1489 to %scan3A_1491 step %scan3A_1492 iter_args(%scan3A_1527 = %scan3A_1488) -> (i32)  : i32 {
        %mul3A_1528 = arith.constant 16 : i32
        %mul3A_1529 = arith.muli %scan3A_1526, %mul3A_1528 : i32
        %get3A_1530 = arith.index_cast %sub3A_123 : i32 to index
        %get3A_1531 = arith.index_cast %mul3A_1529 : i32 to index
        %get3A_1532 = tpu.vector_load %arg11[%get3A_1530, %get3A_1531] {strides = array<i32>} : memref<2x400xi32, #tpu.memory_space<vmem>>, vector<16xi32>,
        %mul3A_1533 = arith.constant 16 : i32
        %mul3A_1534 = arith.muli %scan3A_1526, %mul3A_1533 : i32
        %get3A_1535 = arith.index_cast %sub3A_123 : i32 to index
        %get3A_1536 = arith.index_cast %mul3A_1534 : i32 to index
        %get3A_1537 = tpu.vector_load %arg12[%get3A_1535, %get3A_1536] {strides = array<i32>} : memref<2x400xi32, #tpu.memory_space<vmem>>, vector<16xi32>,
        %gather3A = tpu.vector_load_idx %arg10[%get3A_1532] : memref<10000xi32, #tpu.memory_space<vmem>>[vector<16xi32>], vector<16xi32>,
        %gather3A_1538 = tpu.vector_load_idx %arg10[%get3A_1537] : memref<10000xi32, #tpu.memory_space<vmem>>[vector<16xi32>], vector<16xi32>,
        %and3A_1539 = arith.andi %gather3A, %gather3A_1538 : vector<16xi32>
        %gt3A = arith.constant 0 : i32
        %gt3A_1540 = vector.broadcast %gt3A : i32 to vector<16xi32>
        %gt3A_1541 = arith.cmpi sgt, %and3A_1539, %gt3A_1540 : vector<16xi32>
        %jit3A_1542 = arith.constant 10200 : i32
        %broadcast_in_dim3A_1543 = vector.broadcast %jit3A_1542 : i32 to vector<16xi32>
        %select_n3A_1544 = arith.select %gt3A_1541, %get3A_1537, %broadcast_in_dim3A_1543 : vector<16xi1>, vector<16xi32>
        %jit3A_1545 = arith.constant 5 : i32
        %div3A = arith.divsi %scan3A_1526, %jit3A_1545 : i32
        %sign3A = arith.constant 0 : i32
        %sign3A_1546 = arith.cmpi sgt, %scan3A_1526, %sign3A : i32
        %sign3A_1547 = arith.extui %sign3A_1546 : i1 to i32
        %sign3A_1548 = arith.constant 0 : i32
        %sign3A_1549 = arith.cmpi slt, %scan3A_1526, %sign3A_1548 : i32
        %sign3A_1550 = arith.extui %sign3A_1549 : i1 to i32
        %sign3A_1551 = arith.subi %sign3A_1547, %sign3A_1550 : i32
        %sign3A_1552 = arith.constant 0 : i32
        %sign3A_1553 = arith.cmpi sgt, %jit3A_1545, %sign3A_1552 : i32
        %sign3A_1554 = arith.extui %sign3A_1553 : i1 to i32
        %sign3A_1555 = arith.constant 0 : i32
        %sign3A_1556 = arith.cmpi slt, %jit3A_1545, %sign3A_1555 : i32
        %sign3A_1557 = arith.extui %sign3A_1556 : i1 to i32
        %sign3A_1558 = arith.subi %sign3A_1554, %sign3A_1557 : i32
        %ne3A_1559 = arith.cmpi ne, %sign3A_1551, %sign3A_1558 : i32
        %rem3A_1560 = arith.remsi %scan3A_1526, %jit3A_1545 : i32
        %ne3A_1561 = arith.constant 0 : i32
        %ne3A_1562 = arith.cmpi ne, %rem3A_1560, %ne3A_1561 : i32
        %and3A_1563 = arith.andi %ne3A_1559, %ne3A_1562 : i1
        %sub3A_1564 = arith.constant 1 : i32
        %sub3A_1565 = arith.subi %div3A, %sub3A_1564 : i32
        %select_n3A_1566 = arith.select %and3A_1563, %sub3A_1565, %div3A : i32
        %jit3A_1567 = arith.constant 5 : i32
        %eq3A_1568 = arith.constant 0 : i32
        %eq3A_1569 = arith.cmpi eq, %jit3A_1567, %eq3A_1568 : i32
        %jit3A_1570 = arith.constant 1 : i32
        %select_n3A_1571 = arith.select %eq3A_1569, %jit3A_1570, %jit3A_1567 : i32
        %rem3A_1572 = arith.remsi %scan3A_1526, %select_n3A_1571 : i32
        %ne3A_1573 = arith.constant 0 : i32
        %ne3A_1574 = arith.cmpi ne, %rem3A_1572, %ne3A_1573 : i32
        %lt3A_1575 = arith.constant 0 : i32
        %lt3A_1576 = arith.cmpi slt, %rem3A_1572, %lt3A_1575 : i32
        %lt3A_1577 = arith.constant 0 : i32
        %lt3A_1578 = arith.cmpi slt, %select_n3A_1571, %lt3A_1577 : i32
        %ne3A_1579 = arith.xori %lt3A_1576, %lt3A_1578 : i1
        %and3A_1580 = arith.andi %ne3A_1579, %ne3A_1574 : i1
        %add3A_1581 = arith.addi %rem3A_1572, %select_n3A_1571 : i32
        %select_n3A_1582 = arith.select %and3A_1580, %add3A_1581, %rem3A_1572 : i32
        %mul3A_1583 = arith.constant 16 : i32
        %mul3A_1584 = arith.muli %select_n3A_1582, %mul3A_1583 : i32
        %swap3A = arith.index_cast %sub3A_123 : i32 to index
        %swap3A_1585 = arith.index_cast %select_n3A_1566 : i32 to index
        %swap3A_1586 = arith.index_cast %mul3A_1584 : i32 to index
        %swap3A_1587 = tpu.vector_load %arg15[%swap3A, %swap3A_1585, %swap3A_1586] {strides = array<i32>} : memref<2x5x80xi32, #tpu.memory_space<vmem>>, vector<16xi32>,
        tpu.vector_store %arg15[%swap3A, %swap3A_1585, %swap3A_1586], %select_n3A_1544 {strides = array<i32>} : memref<2x5x80xi32, #tpu.memory_space<vmem>>, vector<16xi32>,
        %scan3A_1588 = arith.constant 0 : i32
        scf.yield %scan3A_1588 : i32
      }
      %scan3A_1494 = arith.constant 7 : i32
      %dma_wait3A_1495 = arith.constant 0 : i32
      %dma_wait3A_1496 = arith.constant 4 : i32
      %dma_wait3A_1497 = arith.constant 0 : i32
      %dma_wait3A_1498 = arith.constant 0 : i32
      %dma_wait3A_1499 = arith.constant 0 : i32
      %dma_wait3A_1500 = tpu.memref_slice %arg16[%dma_wait3A_1495, %dma_wait3A_1498, %dma_wait3A_1499] : memref<2x80x128xf32, #tpu.memory_space<vmem>> -> memref<1x80x128xf32, #tpu.memory_space<vmem>>
      %dma_wait3A_1501 = tpu.memref_squeeze %dma_wait3A_1500 : memref<1x80x128xf32, #tpu.memory_space<vmem>> -> memref<80x128xf32, #tpu.memory_space<vmem>>
      %dma_wait3A_1502 = arith.constant 0 : i32
      %dma_wait3A_1503 = tpu.memref_slice %arg15[%select_n3A_122, %dma_wait3A_1496, %dma_wait3A_1502] : memref<2x5x80xi32, #tpu.memory_space<vmem>> -> memref<1x1x80xi32, #tpu.memory_space<vmem>>
      %dma_wait3A_1504 = tpu.memref_squeeze %dma_wait3A_1503 : memref<1x1x80xi32, #tpu.memory_space<vmem>> -> memref<80xi32, #tpu.memory_space<vmem>>
      %dma_wait3A_1505 = arith.constant 0 : i32
      %dma_wait3A_1506 = arith.constant 0 : i32
      %dma_wait3A_1507 = tpu.memref_slice %arg17[%dma_wait3A_1505, %dma_wait3A_1506] : memref<10240x128xf32, #tpu.memory_space<vmem_shared>> -> memref<10240x128xf32, #tpu.memory_space<vmem_shared>>
      %dma_wait3A_1508 = tpu.memref_slice %arg21[%dma_wait3A_1497] : memref<2x!tpu.dma_semaphore, #tpu.memory_space<semaphore_mem>> -> memref<1x!tpu.dma_semaphore, #tpu.memory_space<semaphore_mem>>
      %dma_wait3A_1509 = tpu.memref_squeeze %dma_wait3A_1508 : memref<1x!tpu.dma_semaphore, #tpu.memory_space<semaphore_mem>> -> memref<!tpu.dma_semaphore, #tpu.memory_space<semaphore_mem>>
      tpu.wait_indirect_dma semaphore(%dma_wait3A_1509 : memref<!tpu.dma_semaphore, #tpu.memory_space<semaphore_mem>>) src(%dma_wait3A_1501 : memref<80x128xf32, #tpu.memory_space<vmem>>) dst(%dma_wait3A_1507 : memref<10240x128xf32, #tpu.memory_space<vmem_shared>>)
      %dma_wait3A_1510 = arith.constant 0 : i32
      %dma_wait3A_1511 = arith.constant 4 : i32
      %dma_wait3A_1512 = arith.constant 0 : i32
      %dma_wait3A_1513 = arith.constant 0 : i32
      %dma_wait3A_1514 = arith.constant 0 : i32
      %dma_wait3A_1515 = tpu.memref_slice %arg14[%dma_wait3A_1510, %dma_wait3A_1513, %dma_wait3A_1514] : memref<2x80x16xf32, #tpu.memory_space<vmem>> -> memref<1x80x16xf32, #tpu.memory_space<vmem>>
      %dma_wait3A_1516 = tpu.memref_squeeze %dma_wait3A_1515 : memref<1x80x16xf32, #tpu.memory_space<vmem>> -> memref<80x16xf32, #tpu.memory_space<vmem>>
      %dma_wait3A_1517 = arith.constant 0 : i32
      %dma_wait3A_1518 = tpu.memref_slice %arg15[%select_n3A_122, %dma_wait3A_1511, %dma_wait3A_1517] : memref<2x5x80xi32, #tpu.memory_space<vmem>> -> memref<1x1x80xi32, #tpu.memory_space<vmem>>
      %dma_wait3A_1519 = tpu.memref_squeeze %dma_wait3A_1518 : memref<1x1x80xi32, #tpu.memory_space<vmem>> -> memref<80xi32, #tpu.memory_space<vmem>>
      %dma_wait3A_1520 = arith.constant 0 : i32
      %dma_wait3A_1521 = arith.constant 0 : i32
      %dma_wait3A_1522 = tpu.memref_slice %arg18[%dma_wait3A_1520, %dma_wait3A_1521] : memref<10240x16xf32, #tpu.memory_space<vmem_shared>> -> memref<10240x16xf32, #tpu.memory_space<vmem_shared>>
      %dma_wait3A_1523 = tpu.memref_slice %arg22[%dma_wait3A_1512] : memref<2x!tpu.dma_semaphore, #tpu.memory_space<semaphore_mem>> -> memref<1x!tpu.dma_semaphore, #tpu.memory_space<semaphore_mem>>
      %dma_wait3A_1524 = tpu.memref_squeeze %dma_wait3A_1523 : memref<1x!tpu.dma_semaphore, #tpu.memory_space<semaphore_mem>> -> memref<!tpu.dma_semaphore, #tpu.memory_space<semaphore_mem>>
      tpu.wait_indirect_dma semaphore(%dma_wait3A_1524 : memref<!tpu.dma_semaphore, #tpu.memory_space<semaphore_mem>>) src(%dma_wait3A_1516 : memref<80x16xf32, #tpu.memory_space<vmem>>) dst(%dma_wait3A_1522 : memref<10240x16xf32, #tpu.memory_space<vmem_shared>>)
      %scan3A_1525 = arith.constant 0 : i32
      scf.yield %scan3A_1525 : i32
    }
    %scan3A_110 = arith.constant 25 : i32
    %barrier3A_111 = arith.constant 0 : index
    tpu.barrier barrier_id(%barrier3A_111)
    "tpu.region"() ({
      %run_scoped3A_112 = tpu.sem_alloc : memref<!tpu.dma_semaphore, #tpu.memory_space<semaphore_mem>>
      %dma_start3A_113 = arith.constant 0 : i32
      %dma_start3A_114 = tpu.memref_slice %arg8[%arg0, %mul3A_2, %dma_start3A_113] : memref<2x10240x128xf32, #tpu.memory_space<hbm>> -> memref<1x640x128xf32, #tpu.memory_space<hbm>>
      %dma_start3A_115 = tpu.memref_squeeze %dma_start3A_114 : memref<1x640x128xf32, #tpu.memory_space<hbm>> -> memref<640x128xf32, #tpu.memory_space<hbm>>
      %dma_start3A_116 = arith.constant 0 : i32
      %dma_start3A_117 = tpu.memref_slice %arg17[%mul3A_2, %dma_start3A_116] : memref<10240x128xf32, #tpu.memory_space<vmem_shared>> -> memref<640x128xf32, #tpu.memory_space<vmem_shared>>
      tpu.enqueue_dma source(%dma_start3A_117 : memref<640x128xf32, #tpu.memory_space<vmem_shared>>) target(%dma_start3A_115 : memref<640x128xf32, #tpu.memory_space<hbm>>) target_semaphore(%run_scoped3A_112 : memref<!tpu.dma_semaphore, #tpu.memory_space<semaphore_mem>>)
      %dma_wait3A_118 = arith.constant 0 : i32
      %dma_wait3A_119 = tpu.memref_slice %arg8[%arg0, %mul3A_2, %dma_wait3A_118] : memref<2x10240x128xf32, #tpu.memory_space<hbm>> -> memref<1x640x128xf32, #tpu.memory_space<hbm>>
      %dma_wait3A_120 = tpu.memref_squeeze %dma_wait3A_119 : memref<1x640x128xf32, #tpu.memory_space<hbm>> -> memref<640x128xf32, #tpu.memory_space<hbm>>
      %dma_wait3A_121 = arith.constant 0 : i32
      %dma_wait3A_122 = tpu.memref_slice %arg17[%mul3A_2, %dma_wait3A_121] : memref<10240x128xf32, #tpu.memory_space<vmem_shared>> -> memref<640x128xf32, #tpu.memory_space<vmem_shared>>
      tpu.wait_dma2 semaphore(%run_scoped3A_112 : memref<!tpu.dma_semaphore, #tpu.memory_space<semaphore_mem>>) src(%dma_wait3A_122 : memref<640x128xf32, #tpu.memory_space<vmem_shared>>) dst(%dma_wait3A_120 : memref<640x128xf32, #tpu.memory_space<hbm>>)
      tpu.yield
    }) : () -> ()
    "tpu.region"() ({
      %run_scoped3A_112 = tpu.sem_alloc : memref<!tpu.dma_semaphore, #tpu.memory_space<semaphore_mem>>
      %dma_start3A_113 = arith.constant 0 : i32
      %dma_start3A_114 = tpu.memref_slice %arg9[%arg0, %mul3A_2, %dma_start3A_113] : memref<2x10240x16xf32, #tpu.memory_space<hbm>> -> memref<1x640x16xf32, #tpu.memory_space<hbm>>
      %dma_start3A_115 = tpu.memref_squeeze %dma_start3A_114 : memref<1x640x16xf32, #tpu.memory_space<hbm>> -> memref<640x16xf32, #tpu.memory_space<hbm>>
      %dma_start3A_116 = arith.constant 0 : i32
      %dma_start3A_117 = tpu.memref_slice %arg18[%mul3A_2, %dma_start3A_116] : memref<10240x16xf32, #tpu.memory_space<vmem_shared>> -> memref<640x16xf32, #tpu.memory_space<vmem_shared>>
      tpu.enqueue_dma source(%dma_start3A_117 : memref<640x16xf32, #tpu.memory_space<vmem_shared>>) target(%dma_start3A_115 : memref<640x16xf32, #tpu.memory_space<hbm>>) target_semaphore(%run_scoped3A_112 : memref<!tpu.dma_semaphore, #tpu.memory_space<semaphore_mem>>)
      %dma_wait3A_118 = arith.constant 0 : i32
      %dma_wait3A_119 = tpu.memref_slice %arg9[%arg0, %mul3A_2, %dma_wait3A_118] : memref<2x10240x16xf32, #tpu.memory_space<hbm>> -> memref<1x640x16xf32, #tpu.memory_space<hbm>>
      %dma_wait3A_120 = tpu.memref_squeeze %dma_wait3A_119 : memref<1x640x16xf32, #tpu.memory_space<hbm>> -> memref<640x16xf32, #tpu.memory_space<hbm>>
      %dma_wait3A_121 = arith.constant 0 : i32
      %dma_wait3A_122 = tpu.memref_slice %arg18[%mul3A_2, %dma_wait3A_121] : memref<10240x16xf32, #tpu.memory_space<vmem_shared>> -> memref<640x16xf32, #tpu.memory_space<vmem_shared>>
      tpu.wait_dma2 semaphore(%run_scoped3A_112 : memref<!tpu.dma_semaphore, #tpu.memory_space<semaphore_mem>>) src(%dma_wait3A_122 : memref<640x16xf32, #tpu.memory_space<vmem_shared>>) dst(%dma_wait3A_120 : memref<640x16xf32, #tpu.memory_space<hbm>>)
      tpu.yield
    }) : () -> ()
    return
  }
}

module attributes {stable_mosaic.version = 14 : i64} {
  func.func @_dense_body(%arg0: i32, %arg1: memref<400x128xf32, #tpu.memory_space<vmem>>, %arg2: memref<2x400x128xf32, #tpu.memory_space<vmem>>, %arg3: memref<2x400x16xf32, #tpu.memory_space<vmem>>, %arg4: memref<128x128xf32, #tpu.memory_space<vmem>>, %arg5: memref<128x128xf32, #tpu.memory_space<vmem>>, %arg6: memref<16x128xf32, #tpu.memory_space<vmem>>, %arg7: memref<1x128xf32, #tpu.memory_space<vmem>>, %arg8: memref<400x1xf32, #tpu.memory_space<vmem>>, %arg9: memref<400x128xf32, #tpu.memory_space<vmem>>) attributes {dimension_semantics = [#tpu.dimension_semantics<arbitrary>], iteration_bounds = array<i64: 25>, scalar_prefetch = 0 : i64, scratch_operands = 0 : i64, tpu.core_type = #tpu.core_type<tc>, window_params = [{transform_indices = @transform_0, window_bounds = array<i64: 400, 128>}, {transform_indices = @transform_1, window_bounds = array<i64: 2, 400, 128>}, {transform_indices = @transform_2, window_bounds = array<i64: 2, 400, 16>}, {pipeline_mode = #tpu.pipeline_mode<synchronous>, transform_indices = @transform_3, window_bounds = array<i64: 128, 128>}, {pipeline_mode = #tpu.pipeline_mode<synchronous>, transform_indices = @transform_4, window_bounds = array<i64: 128, 128>}, {pipeline_mode = #tpu.pipeline_mode<synchronous>, transform_indices = @transform_5, window_bounds = array<i64: 16, 128>}, {pipeline_mode = #tpu.pipeline_mode<synchronous>, transform_indices = @transform_6, window_bounds = array<i64: 1, 128>}, {transform_indices = @transform_7, window_bounds = array<i64: 400, 1>}, {transform_indices = @transform_8, window_bounds = array<i64: 400, 128>}]} {
    %get3A = arith.constant 0 : index
    %get3A_0 = arith.constant 0 : index
    %get3A_1 = arith.constant 0 : index
    %get3A_2 = vector.load %arg2[%get3A, %get3A_0, %get3A_1] : memref<2x400x128xf32, #tpu.memory_space<vmem>>, vector<1x400x128xf32>
    %get3A_3 = vector.shape_cast %get3A_2 : vector<1x400x128xf32> to vector<400x128xf32>
    %get3A_4 = arith.constant 1 : index
    %get3A_5 = arith.constant 0 : index
    %get3A_6 = arith.constant 0 : index
    %get3A_7 = vector.load %arg2[%get3A_4, %get3A_5, %get3A_6] : memref<2x400x128xf32, #tpu.memory_space<vmem>>, vector<1x400x128xf32>
    %get3A_8 = vector.shape_cast %get3A_7 : vector<1x400x128xf32> to vector<400x128xf32>
    %add3A = arith.addf %get3A_3, %get3A_8 : vector<400x128xf32>
    %get3A_9 = arith.constant 0 : index
    %get3A_10 = arith.constant 0 : index
    %get3A_11 = arith.constant 0 : index
    %get3A_12 = vector.load %arg3[%get3A_9, %get3A_10, %get3A_11] : memref<2x400x16xf32, #tpu.memory_space<vmem>>, vector<1x400x16xf32>
    %get3A_13 = vector.shape_cast %get3A_12 : vector<1x400x16xf32> to vector<400x16xf32>
    %get3A_14 = arith.constant 1 : index
    %get3A_15 = arith.constant 0 : index
    %get3A_16 = arith.constant 0 : index
    %get3A_17 = vector.load %arg3[%get3A_14, %get3A_15, %get3A_16] : memref<2x400x16xf32, #tpu.memory_space<vmem>>, vector<1x400x16xf32>
    %get3A_18 = vector.shape_cast %get3A_17 : vector<1x400x16xf32> to vector<400x16xf32>
    %add3A_19 = arith.addf %get3A_13, %get3A_18 : vector<400x16xf32>
    %get3A_20 = arith.constant 0 : index
    %get3A_21 = arith.constant 0 : index
    %get3A_22 = vector.load %arg1[%get3A_20, %get3A_21] : memref<400x128xf32, #tpu.memory_space<vmem>>, vector<400x128xf32>
    %get3A_23 = arith.constant 0 : index
    %get3A_24 = arith.constant 0 : index
    %get3A_25 = vector.load %arg4[%get3A_23, %get3A_24] : memref<128x128xf32, #tpu.memory_space<vmem>>, vector<128x128xf32>
    %dot_general3A = arith.constant dense<0.000000e+00> : vector<400x128xf32>
    %dot_general3A_26 = tpu.matmul %get3A_22, %get3A_25, %dot_general3A {dimension_numbers = #tpu.dot_dimension_numbers<[1], [0], [0], [1], [0, 0, 1, 1], [], []>, transpose_lhs_hint = false} : vector<400x128xf32>, vector<128x128xf32>, vector<400x128xf32> -> vector<400x128xf32>
    %get3A_27 = arith.constant 0 : index
    %get3A_28 = arith.constant 0 : index
    %get3A_29 = vector.load %arg5[%get3A_27, %get3A_28] : memref<128x128xf32, #tpu.memory_space<vmem>>, vector<128x128xf32>
    %dot_general3A_30 = arith.constant dense<0.000000e+00> : vector<400x128xf32>
    %dot_general3A_31 = tpu.matmul %add3A, %get3A_29, %dot_general3A_30 {dimension_numbers = #tpu.dot_dimension_numbers<[1], [0], [0], [1], [0, 0, 1, 1], [], []>, transpose_lhs_hint = false} : vector<400x128xf32>, vector<128x128xf32>, vector<400x128xf32> -> vector<400x128xf32>
    %add3A_32 = arith.addf %dot_general3A_26, %dot_general3A_31 : vector<400x128xf32>
    %get3A_33 = arith.constant 0 : index
    %get3A_34 = arith.constant 0 : index
    %get3A_35 = vector.load %arg6[%get3A_33, %get3A_34] : memref<16x128xf32, #tpu.memory_space<vmem>>, vector<16x128xf32>
    %dot_general3A_36 = arith.constant dense<0.000000e+00> : vector<400x128xf32>
    %dot_general3A_37 = tpu.matmul %add3A_19, %get3A_35, %dot_general3A_36 {dimension_numbers = #tpu.dot_dimension_numbers<[1], [0], [0], [1], [0, 0, 1, 1], [], []>, transpose_lhs_hint = false} : vector<400x16xf32>, vector<16x128xf32>, vector<400x128xf32> -> vector<400x128xf32>
    %add3A_38 = arith.addf %add3A_32, %dot_general3A_37 : vector<400x128xf32>
    %get3A_39 = arith.constant 0 : index
    %get3A_40 = arith.constant 0 : index
    %get3A_41 = vector.load %arg7[%get3A_39, %get3A_40] : memref<1x128xf32, #tpu.memory_space<vmem>>, vector<1x128xf32>
    %add3A_42 = vector.broadcast %get3A_41 : vector<1x128xf32> to vector<400x128xf32>
    %add3A_43 = arith.addf %add3A_38, %add3A_42 : vector<400x128xf32>
    %max3A = arith.constant 0.000000e+00 : f32
    %max3A_44 = vector.broadcast %max3A : f32 to vector<400x128xf32>
    %max3A_45 = arith.maximumf %add3A_43, %max3A_44 : vector<400x128xf32>
    %get3A_46 = arith.constant 0 : index
    %get3A_47 = arith.constant 0 : index
    %get3A_48 = vector.load %arg8[%get3A_46, %get3A_47] : memref<400x1xf32, #tpu.memory_space<vmem>>, vector<400x1xf32>
    %mul3A = vector.broadcast %get3A_48 : vector<400x1xf32> to vector<400x128xf32>
    %mul3A_49 = arith.mulf %max3A_45, %mul3A : vector<400x128xf32>
    %swap3A = arith.constant 0 : index
    %swap3A_50 = arith.constant 0 : index
    %swap3A_51 = vector.load %arg9[%swap3A, %swap3A_50] : memref<400x128xf32, #tpu.memory_space<vmem>>, vector<400x128xf32>
    tpu.vector_store %arg9[%swap3A, %swap3A_50], %mul3A_49 {strides = array<i32>} : memref<400x128xf32, #tpu.memory_space<vmem>>, vector<400x128xf32>,
    return
  }
  func.func @transform_0(%arg0: i32) -> (i32, i32) {
    %c0_i32 = arith.constant 0 : i32
    %c0_i32_0 = arith.constant 0 : i32
    return %arg0, %c0_i32 : i32, i32
  }
  func.func @transform_1(%arg0: i32) -> (i32, i32, i32) {
    %c0_i32 = arith.constant 0 : i32
    %c0_i32_0 = arith.constant 0 : i32
    %c0_i32_1 = arith.constant 0 : i32
    return %c0_i32, %arg0, %c0_i32_0 : i32, i32, i32
  }
  func.func @transform_2(%arg0: i32) -> (i32, i32, i32) {
    %c0_i32 = arith.constant 0 : i32
    %c0_i32_0 = arith.constant 0 : i32
    %c0_i32_1 = arith.constant 0 : i32
    return %c0_i32, %arg0, %c0_i32_0 : i32, i32, i32
  }
  func.func @transform_3(%arg0: i32) -> (i32, i32) {
    %c0_i32 = arith.constant 0 : i32
    %c0_i32_0 = arith.constant 0 : i32
    %c0_i32_1 = arith.constant 0 : i32
    return %c0_i32, %c0_i32_0 : i32, i32
  }
  func.func @transform_4(%arg0: i32) -> (i32, i32) {
    %c0_i32 = arith.constant 0 : i32
    %c0_i32_0 = arith.constant 0 : i32
    %c0_i32_1 = arith.constant 0 : i32
    return %c0_i32, %c0_i32_0 : i32, i32
  }
  func.func @transform_5(%arg0: i32) -> (i32, i32) {
    %c0_i32 = arith.constant 0 : i32
    %c0_i32_0 = arith.constant 0 : i32
    %c0_i32_1 = arith.constant 0 : i32
    return %c0_i32, %c0_i32_0 : i32, i32
  }
  func.func @transform_6(%arg0: i32) -> (i32, i32) {
    %c0_i32 = arith.constant 0 : i32
    %c0_i32_0 = arith.constant 0 : i32
    %c0_i32_1 = arith.constant 0 : i32
    return %c0_i32, %c0_i32_0 : i32, i32
  }
  func.func @transform_7(%arg0: i32) -> (i32, i32) {
    %c0_i32 = arith.constant 0 : i32
    %c0_i32_0 = arith.constant 0 : i32
    return %arg0, %c0_i32 : i32, i32
  }
  func.func @transform_8(%arg0: i32) -> (i32, i32) {
    %c0_i32 = arith.constant 0 : i32
    %c0_i32_0 = arith.constant 0 : i32
    return %arg0, %c0_i32 : i32, i32
  }
}

</mosaic_0001>

<sc_bundles>
// kernel: kernel.4.cloned.1.call-start
scs
__scs_entry_jumppad:
0x0: {  	(pc) =	sbr.rel $0x88, $3  }
0x1: {  	(tag) =	ssettag $0x0;
	lr =	simm.s32 $0x1  }
0x2: {  	[smem:$0x3F99] =	sst lr;
	_ =	strace $0xD0000000  }
0x3: {  	_ = 	snop  }
0x4: {  	_ = 	snop  }
0x5: {  	_ = 	snop  }
0x6: {  	_ = 	snop  }
0x7: {  	_ = 	snop  }
__scs_overlays_trampoline_lowered:
0x8: {  	[smem:$0x3FA8] =	sst s0  }
0x9: {  	[smem:$0x3FA9] =	sst s1  }
0xa: {  	[smem:$0x3FAA] =	sst s2  }
0xb: {  	[smem:$0x3FAB] =	sst s3  }
0xc: {  	[smem:$0x3FAC] =	sst s4  }
0xd: {  	[smem:$0x3FAD] =	sst s5  }
0xe: {  	[smem:$0x3FAE] =	sst s6  }
0xf: {  	[smem:$0x3FAF] =	sst s7  }
0x10: {  	[smem:$0x3FB0] =	sst s8  }
0x11: {  	[smem:$0x3FB1] =	sst s9;
	s0 =	simm.s32 @!p0 $0x0  }
0x12: {  	s1 =	sld [smem:$0x3F97];
	s0 =	simm.s32 @p0 $0x1  }
0x13: {  	[smem:$0x3FB2] =	sst s0;
	s0 =	simm.s32 @!p1 $0x0  }
0x14: {  	s2 =	sld [smem:$0x3F96];
	s0 =	simm.s32 @p1 $0x1  }
0x15: {  	[smem:$0x3FB3] =	sst s0;
	s0 =	simm.s32 @!p2 $0x0  }
0x16: {  	s3 =	sld [smem:$0x3FDB];
	s0 =	simm.s32 @p2 $0x1  }
0x17: {  	s4 =	simm.s32 $0x1BF5;
	[smem:$0x3FB5] =	sst s0  }
0x18: {  	s0 =	sld [smem:$0x3F98];
	_ =	swait.ge [sflag:s4], $0x0  }
0x19: {  	s7 =	sld [smem:$0x3F99]  }
0x1a: {  	s8 =	sadd.s32 $0xFFFFE003, lr  }
0x1b: {  	s9 =	sadd.s32 $0xFFFFFEF7, lr;
	s5 =	simm.s32 $0xFFFFFFFF;
	p2 =	slt.u32 s8, $0xFFFFF086  }
0x1c: {  	p1 =	slt.u32 s9, $0xF7A;
	s5 =	simm.s32 @!p2 $0x0  }
0x1d: {  	s5 =	simm.s32 @p1 $0x1;
	p0 =	seq.s32 s7, s2  }
0x1e: {  	s7 =	smul.u32 @!p0 $0xF7A, s2;
	p2 =	seq.s32 @!p0 s5, $0x0  }
0x1f: {  	s9 =	smul.u32 $0xF7A, s1;
	s8 =	simm.s32 @!p0 $0x1BF5;
	p2 =	por !p2, p0  }
0x20: {  	[sflag:s8] =	ssyncset.s32 @!p0 $0xFFFFF086;
	s6 =	sadd.s32 @!p0 s3, s7;
	s7 =	simm.s32 @!p0 $0x108  }
0x21: {  	s3 =	sadd.s32 s3, s9;
	s6 =	sadd.s32 @!p0 $0x88, s6;
	s7 =	simm.s32 @p2 $0x1082  }
0x22: {  	[simem:s7], [sflag:s8] =	dma.local @!p0 [hbm:s6], $0xF7A  }
0x23: {  	s9 =	sor.u32 $0xD0000000, s2;
	s6 =	simm.s32 $0x108;
	_ =	swait.ge @!p0 [sflag:s8], $0x0  }
0x24: {  	s3 =	sadd.s32 $0x88, s3;
	s6 =	simm.s32 @!p1 $0x1082;
	[sflag:s4] =	ssyncset.s32 $0xFFFFF086  }
0x25: {  	[simem:s6], [sflag:s4] =	dma.local [hbm:s3], $0xF7A  }
0x26: {  	[smem:$0x3F99] =	sst s1;
	(tag) =	ssettag s2;
	_ =	strace s9  }
0x27: {  	s1 =	sld [smem:$0x3FA9]  }
0x28: {  	s2 =	sld [smem:$0x3FAA]  }
0x29: {  	s4 =	sld [smem:$0x3FAC]  }
0x2a: {  	p0 =	seq.s32 s5, $0x0;
	s5 =	sld [smem:$0x3FAD]  }
0x2b: {  	s6 =	sld [smem:$0x3FAE]  }
0x2c: {  	s7 =	sld [smem:$0x3FAF]  }
0x2d: {  	s3 =	simm.s32 $0x108;
	s8 =	sld [smem:$0x3FB0]  }
0x2e: {  	s3 =	simm.s32 @!p0 $0x1082;
	s9 =	sld [smem:$0x3FB1]  }
0x2f: {  	lr =	sadd.s32 s0, s3;
	s0 =	sld [smem:$0x3FA8]  }
0x30: {  	s3 =	sld [smem:$0x3FAB]  }
0x31: {  	[smem:$0x3FB4] =	sst s10  }
0x32: {  	s10 =	sld [smem:$0x3FB2];
	_ =	sdelay $0x3  }
0x33: {  	p0 =	seq.s32 s10, $0x1;
	s10 =	sld [smem:$0x3FB4];
	_ =	sdelay $0x3  }
0x34: {  	[smem:$0x3FB4] =	sst s10  }
0x35: {  	s10 =	sld [smem:$0x3FB3];
	_ =	sdelay $0x3  }
0x36: {  	p1 =	seq.s32 s10, $0x1;
	s10 =	sld [smem:$0x3FB4];
	_ =	sdelay $0x3  }
0x37: {  	[smem:$0x3FB4] =	sst s10  }
0x38: {  	s10 =	sld [smem:$0x3FB5]  }
0x39: {  	_ = 	snop;
	(pc) =	sbr.ind lr, $3  }
0x3a: {  	_ = 	snop  }
0x3b: {  	_ = 	snop  }
0x3c: {  	p2 =	seq.s32 s10, $0x1;
	s10 =	sld [smem:$0x3FB4]  }
0x3d: {  	_ =	shalt  }
0x3e: {  	_ =	shalt  }
0x3f: {  	_ =	shalt  }
0x40: {  	_ =	shalt  }
0x41: {  	_ =	shalt  }
0x42: {  	_ =	shalt  }
0x43: {  	_ =	shalt  }
0x44: {  	_ =	shalt  }
0x45: {  	_ =	shalt  }
0x46: {  	_ =	shalt  }
0x47: {  	_ =	shalt  }
0x48: {  	_ =	shalt  }
0x49: {  	_ =	shalt  }
0x4a: {  	_ =	shalt  }
0x4b: {  	_ =	shalt  }
0x4c: {  	_ =	shalt  }
0x4d: {  	_ =	shalt  }
0x4e: {  	_ =	shalt  }
0x4f: {  	_ =	shalt  }
0x50: {  	_ =	shalt  }
0x51: {  	_ =	shalt  }
0x52: {  	_ =	shalt  }
0x53: {  	_ =	shalt  }
0x54: {  	_ =	shalt  }
0x55: {  	_ =	shalt  }
0x56: {  	_ =	shalt  }
0x57: {  	_ =	shalt  }
0x58: {  	_ =	shalt  }
0x59: {  	_ =	shalt  }
0x5a: {  	_ =	shalt  }
0x5b: {  	_ =	shalt  }
0x5c: {  	_ =	shalt  }
0x5d: {  	_ =	shalt  }
0x5e: {  	_ =	shalt  }
0x5f: {  	_ =	shalt  }
0x60: {  	_ =	shalt  }
0x61: {  	_ =	shalt  }
0x62: {  	_ =	shalt  }
0x63: {  	_ =	shalt  }
0x64: {  	_ =	shalt  }
0x65: {  	_ =	shalt  }
0x66: {  	_ =	shalt  }
0x67: {  	_ =	shalt  }
0x68: {  	_ =	shalt  }
0x69: {  	_ =	shalt  }
0x6a: {  	_ =	shalt  }
0x6b: {  	_ =	shalt  }
0x6c: {  	_ =	shalt  }
0x6d: {  	_ =	shalt  }
0x6e: {  	_ =	shalt  }
0x6f: {  	_ =	shalt  }
0x70: {  	_ =	shalt  }
0x71: {  	_ =	shalt  }
0x72: {  	_ =	shalt  }
0x73: {  	_ =	shalt  }
0x74: {  	_ =	shalt  }
0x75: {  	_ =	shalt  }
0x76: {  	_ =	shalt  }
0x77: {  	_ =	shalt  }
0x78: {  	_ =	shalt  }
0x79: {  	_ =	shalt  }
0x7a: {  	_ =	shalt  }
0x7b: {  	_ =	shalt  }
0x7c: {  	_ =	shalt  }
0x7d: {  	_ =	shalt  }
0x7e: {  	_ =	shalt  }
0x7f: {  	_ =	shalt  }
0x80: {  	_ =	shalt  }
0x81: {  	_ =	shalt  }
0x82: {  	_ =	shalt  }
0x83: {  	_ =	shalt  }
0x84: {  	_ =	shalt  }
0x85: {  	_ =	shalt  }
0x86: {  	_ =	shalt  }
0x87: {  	_ =	shalt  }
.Lfunc_end0:
.L_simem_size_0:
called_computation_lowered:
.L_overlay_start_0:
0x88: {  	s2 =	sld [smem:$0x3FD9]  }
0x89: {  	s3 =	sld [smem:$0x3FFE];
	_ =	sdelay $0x1  }
0x8a: {  	s1 =	srdreg.scid  }
0x8b: {  	s0 =	sand.u32 $0x1, s1  }
0x8c: {  	s17 =	sshll.u32 s0, $0xA;
	s2 =	sadd.s32 s3, s2  }
0x8d: {  	s2 =	sadd.s32 s2, s17  }
0x8e: {  	[smem:$0x3FC0] =	sst s2  }
0x8f: {  	_ = 	snop  }
0x90: {  	s2 =	sld [smem:$0x3FC9]  }
0x91: {  	s18 =	sld [smem:$0x3FD0];
	(tm) =	ssettm $0x1  }
0x92: {  	s4 =	sld [smem:$0x3FFB];
	_ =	sdelay $0x3  }
0x93: {  	_ =	strace s4  }
0x94: {  	s4 =	sld [smem:$0x3FFC];
	_ =	sdelay $0x3  }
0x95: {  	_ =	strace s4  }
0x96: {  	s4 =	sld [smem:$0x3FFD];
	_ =	sdelay $0x3  }
0x97: {  	_ =	strace s4  }
0x98: {  	_ =	strace $0x8FFFFFFF  }
0x99: {  	s19 =	sld [smem:$0x3FDB];
	_ =	sdelay $0x1  }
0x9a: {  	s5 =	simm.s32 $_scs_section_size  }
0x9b: {  	s6 =	simm.s32 $_size__tile_overlayer_lowered;
	s7 =	simm.s32 $_tile_overlayer_lowered  }
0x9c: {  	s22 =	simm.s32 $0x1BFF;
	s21 =	sshll.u32 s7, $0x1;
	s4 =	sadd.s32 s5, s19  }
0x9d: {  	s8 =	simm.s32 $0x0;
	s20 =	sshll.u32 s6, $0x1;
	s6 =	sadd.s32 s21, s4  }
0x9e: {  	[timem:s8], [sflag:s22] =	dma.local [hbm:s6], s20  }
0x9f: {  	_ =	swait.ge [sflag:s22], s20  }
0xa0: {  	s5 =	ssub.s32 $0x0, s20;
	[sflag:s22] =	ssyncset.done $0x0  }
0xa1: {  	[sflag:s22] =	ssyncadd.s32 s5;
	_ =	sdelay $0x1  }
0xa2: {  	s23 =	simm.s32 $0x1B8B  }
0xa3: {  	_ =	swait.ge [sflag:s23], $0x1  }
0xa4: {  	[sflag:s23] =	ssyncset.done $0x0  }
0xa5: {  	s25 =	simm.s32 $0x1B8E;
	s24 =	sld [smem:$0x3FFE];
	[sflag:s23] =	ssyncadd.s32 $0xFFFFFFFF  }
0xa6: {  	s26 =	simm.s32 $execute0_lowered;
	[smem:$0x3FD2] =	sst s25  }
0xa7: {  	s6 =	sshll.u32 s26, $0x1;
	_ =	strace $0x80000046;
	[dreg:$0x1] =	wrdreg $0xFFFFFFFF  }
0xa8: {  	s28 =	simm.s32 $_size_execute0_lowered;
	s4 =	sadd.s32 s4, s6;
	[dreg:$0x0] =	wrdreg $0x0  }
0xa9: {  	s6 =	sshll.u32 s28, $0x1;
	[dreg:$0x2] =	wrdreg s4  }
0xaa: {  	[dreg:$0x3] =	wrdreg s6  }
0xab: {  	[dreg:$0x4] =	wrdreg $0xC0  }
0xac: {  	_ =	task [dreg:s8], $0x5FFFF  }
0xad: {  	[dreg:$0x1] =	wrdreg $0xFFFFFFFF  }
0xae: {  	[dreg:$0x0] =	wrdreg $0x60  }
0xaf: {  	[dreg:$0x2] =	wrdreg s2  }
0xb0: {  	[dreg:$0x3] =	wrdreg s24  }
0xb1: {  	[dreg:$0x4] =	wrdreg s18  }
0xb2: {  	[dreg:$0x5] =	wrdreg $0x96F00  }
0xb3: {  	[dreg:$0x6] =	wrdreg $0x1D6F00  }
0xb4: {  	[dreg:$0x7] =	wrdreg $0x9  }
0xb5: {  	_ =	task.clear_ibuf [dreg:s8], $0x8FFFF;
	_ =	strace $0x90000046  }
0xb6: {  	s29 =	simm.s32 $0x9;
	_ =	strace $0x80000048  }
0xb7: {  	_ =	swait.ge [sflag:s29], $0x1  }
0xb8: {  	[sflag:s29] =	ssyncadd.s32 $0xFFFFFFFF  }
0xb9: {  	_ =	strace $0x90000048  }
0xba: {  	_ =	sfence  }
0xbb: {  	s30 =	sld [smem:$0x0];
	_ =	sdelay $0x2  }
0xbc: {  	s31 =	sshll.u32 s1, $0xD;
	s1 =	sshrl.u32 s1, $0x2  }
0xbd: {  	s3 =	sand.u32 $0x4000, s31;
	s1 =	sadd.s32 s1, s30  }
0xbe: {  	s0 =	sor.u32 s3, s0;
	s1 =	sshll.u32 s1, $0x11  }
0xbf: {  	s0 =	sor.u32 s1, s0  }
0xc0: {  	s0 =	sadd.s32 $0x8F2B, s0  }
0xc1: {  	[sflag:s0] =	ssyncadd.remote.s32 $0x1  }
0xc2: {  	_ =	sfence.sel $0xFFFF  }
0xc3: {  	[dreg:$0x0] =	wrdreg $0xFFFFFFFF;
	(pc) =	sbr.abs _section_cstart, $3  }
0xc4: {  	[dreg:$0x1] =	wrdreg $0xFFFFFFFF  }
0xc5: {  	_ =	task.clear_ibuf [dreg:s8], $0x2FFFF;
	_ =	strace $0x9FFFFFFF  }
0xc6: {  	(tm) =	ssettm $0x7FFFFFFF  }
0xc7: {  	_ =	shalt  }
tec
execute0_lowered:
.L_overlay_start_1:
0x0: {  	(tag) =	ssettag $0x1  }
0x1: {  	s1 =	rddreg [dreg:$0x0]  }
0x2: {  	s0 =	rddreg [dreg:$0x1]  }
0x3: {  	s2 =	rddreg [dreg:$0x2]  }
0x4: {  	s4 =	rddreg [dreg:$0x3]  }
0x5: {  	s5 =	rddreg [dreg:$0x4];
	s6 =	simm.s32 $0x0;
	s15 =	stileid.u32  }
0x6: {  	s3 =	srdreg.scid;
	s28 =	simm.s32 $0x190;
	s29 =	simm.s32 $0x4E200  }
0x7: {  	s31 =	simm.s32 $0x3;
	s30 =	simm.s32 $0x6EF0;
	[smem:$0x7FF] =	sst s6  }
0x8: {  	s8 =	smul.u32 $0x14000, s15;
	s3 =	sand.u32 $0x1, s3;
	s7 =	sadd.s32 $0x2400, s0  }
0x9: {  	s10 =	sadd.s32 $0x1E00, s0;
	s11 =	smul.u32 $0x2800, s15;
	s16 =	sadd.s32 $0x15E00, s0  }
0xa: {  	s20 =	sshll.u32 s15, $0x6;
	_ =	strace $0x80000047;
	s9 =	smul.u32 $0x140000, s3  }
0xb: {  	[dreg:$0x6] =	wrdreg s10;
	s12 =	smul.u32 $0x28000, s3;
	s19 =	sshll.u32 s3, $0x4  }
0xc: {  	s3 =	ssub.s32 $0x2, s3;
	[dreg:$0x7] =	wrdreg s16;
	s17 =	sshrl.u32 s8, $0x3  }
0xd: {  	s14 =	sshrl.u32 s3, $0x1;
	s22 =	sadd.s32 s11, s5;
	s9 =	sadd.s32 s8, s9  }
0xe: {  	v0 =	vlaneseq.u32;
	s13 =	sadd.s32 s17, s0;
	s18 =	sadd.s32 s11, s12;
	s12 =	sor.u32 s15, s19  }
0xf: {  	v0 =	vmul.u32 $0x10, v0;
	s3 =	ssub.s32 s3, s14;
	s8 =	sadd.s32 s8, s4;
	s11 =	sshrl.u32 s11, $0x3  }
0x10: {  	s14 =	simm.s32 $0x8;
	s15 =	simm.s32 $0x5;
	s17 =	simm.s32 $0x9  }
0x11: {  	v1 =	vor.u32 $0x100, v0;
	v2 =	vor.u32 $0x200, v0;
	v3 =	vor.u32 $0x300, v0;
	s19 =	simm.s32 $0x0;
	s9 =	sshrl.u32 s9, $0x3;
	s10 =	sshrl.u32 s18, $0x3  }
0x12: {  	v4 =	vor.u32 $0x400, v0;
	v5 =	vor.u32 $0x1, v0;
	v6 =	vor.u32 $0x101, v0;
	s13 =	sadd.s32 $0x1AE00, s13;
	s11 =	sadd.s32 s16, s11;
	s26 =	smax.u32 s3, $0x1  }
0x13: {  	v7 =	vor.u32 $0x201, v0;
	v8 =	vor.u32 $0x301, v0;
	v9 =	vor.u32 $0x401, v0;
	s18 =	sshrl.u32 s22, $0x3;
	s3 =	simm.s32 $0x46F0;
	[dreg:$0x8] =	wrdreg s13  }
0x14: {  	v10 =	vor.u32 $0x2, v0;
	v11 =	vor.u32 $0x102, v0;
	v12 =	vor.u32 $0x202, v0;
	s16 =	simm.s32 $0x7;
	s9 =	sadd.s32 s9, s0;
	[dreg:$0xb] =	wrdreg s11  }
0x15: {  	v13 =	vor.u32 $0x302, v0;
	v14 =	vor.u32 $0x402, v0;
	v15 =	vor.u32 $0x3, v0;
	s0 =	sadd.s32 s10, s0;
	s10 =	smul.u32 $0x2710, s12;
	[dreg:$0x10] =	wrdreg s26  }
0x16: {  	v16 =	vor.u32 $0x103, v0;
	v17 =	vor.u32 $0x203, v0;
	v18 =	vor.u32 $0x303, v0;
	s12 =	sor.u32 $0x1C0A, s20;
	s13 =	sshrl.u32 s8, $0x3;
	[dreg:$0x12] =	wrdreg s18  }
0x17: {  	v19 =	vor.u32 $0x403, v0;
	v20 =	vor.u32 $0x500, v0;
	v21 =	vor.u32 $0x600, v0;
	s26 =	simm.s32 $0x2;
	s8 =	simm.s32 $0x4;
	[dreg:$0x9] =	wrdreg s12  }
0x18: {  	v22 =	vor.u32 $0x700, v0;
	v23 =	vor.u32 $0x800, v0;
	v24 =	vor.u32 $0x900, v0;
	s11 =	simm.s32 $0x6;
	s9 =	sadd.s32 $0x4CE00, s9;
	[dreg:$0x11] =	wrdreg s13  }
0x19: {  	v25 =	vor.u32 $0x501, v0;
	v26 =	vor.u32 $0x601, v0;
	v27 =	vor.u32 $0x701, v0;
	s0 =	sadd.s32 $0x42E00, s0;
	s21 =	sshrl.u32 s10, $0x3;
	[dreg:$0xe] =	wrdreg s9  }
0x1a: {  	v28 =	vor.u32 $0x801, v0;
	v29 =	vor.u32 $0x901, v0;
	v30 =	vor.u32 $0x502, v0;
	[dreg:$0xf] =	wrdreg s0;
	s0 =	simm.s32 $0x50;
	s23 =	sadd.s32 s7, s21  }
0x1b: {  	v31 =	vor.u32 $0x602, v0;
	v32 =	vor.u32 $0x702, v0;
	v33 =	vor.u32 $0x802, v0;
	s25 =	sadd.s32 s2, s21;
	s21 =	simm.s32 $0xA;
	[dreg:$0xa] =	wrdreg s23  }
0x1c: {  	v34 =	vor.u32 $0x902, v0;
	v35 =	vor.u32 $0x503, v0;
	v36 =	vor.u32 $0x603, v0;
	s24 =	sadd.s32 $0x9C40, s23;
	[dreg:$0xd] =	wrdreg s25;
	s23 =	simm.s32 $0x39D0  }
0x1d: {  	v37 =	vor.u32 $0x703, v0;
	v38 =	vor.u32 $0x803, v0;
	v39 =	vor.u32 $0x903, v0;
	s25 =	simm.s32 $0x1;
	[dreg:$0xc] =	wrdreg s24;
	s24 =	simm.s32 $0x3ED0  }
.LBB2_1:
0x1e: {  	[dreg:$0x13] =	wrdreg s19  }
0x1f: {  	s9 =	rddreg [dreg:$0x8]  }
0x20: {  	[spmem:s13], [sflag:s12] =	dma.local [hbm:s9], $0x2800  }
0x21: {  	_ =	swait.ge [sflag:s21], $0x2800  }
0x22: {  	[sflag:s21] =	ssyncset.done $0x0  }
0x23: {  	s22 =	rddreg [dreg:$0xb];
	[sflag:s21] =	ssyncadd.s32 $0xFFFFD800  }
0x24: {  	[spmem:s18], [sflag:s12] =	dma.local [hbm:s22], $0x500  }
0x25: {  	_ =	swait.ge [sflag:s21], $0x500  }
0x26: {  	[sflag:s21] =	ssyncset.done $0x0  }
0x27: {  	s12 =	rddreg [dreg:$0x7];
	[sflag:s21] =	ssyncadd.s32 $0xFFFFFB00  }
0x28: {  	[tilespmem:s23], [sflag:$0xA] =	stream.linear.gather [hbm4b:s12+s6], $0x500, $0x38;
	[tilespmem:$0x1FEF0] =	vst v63  }
0x29: {  	_ =	swait.ge [sflag:s21], $0x500  }
0x2a: {  	[sflag:s21] =	ssyncset.done $0x0  }
0x2b: {  	[sflag:s21] =	ssyncadd.s32 $0xFFFFFB00  }
0x2c: {  	[tilespmem:s24], [sflag:$0xA] =	stream.linear.gather [hbm4b:s12+s6], $0x500, $0x38;
	[tilespmem:$0x1FEF0] =	vst v63  }
0x2d: {  	_ =	swait.ge [sflag:s21], $0x500  }
0x2e: {  	[sflag:s21] =	ssyncset.done $0x0  }
0x2f: {  	s13 =	rddreg [dreg:$0x6];
	[sflag:s21] =	ssyncadd.s32 $0xFFFFFB00  }
0x30: {  	[tilespmem:s6], [sflag:$0xA] =	stream.linear.gather [hbm4b:s13+s6], $0x2710, $0x38;
	[tilespmem:$0x1FEF0] =	vst v63  }
0x31: {  	_ =	swait.ge [sflag:s21], $0x2710  }
0x32: {  	[sflag:s21] =	ssyncset.done $0x0  }
0x33: {  	[sflag:s21] =	ssyncadd.s32 $0xFFFFD8F0  }
0x34: {  	[bflag:$0x0] =	sbarrier.arrive $0xFFFF  }
0x35: {  	s9 =	simm.s32 $0x2710;
	s18 =	rddreg [dreg:$0xa]  }
0x36: {  	[tilespmem:s9], [sflag:$0x1] =	stream.linear.gather [hbm4b:s18+s6], $0x190, $0x38;
	[tilespmem:$0x1FEF0] =	vst v63  }
0x37: {  	_ =	swait.ge [sflag:s25], $0x190  }
0x38: {  	[sflag:s25] =	ssyncset.done $0x0  }
0x39: {  	s13 =	simm.s32 $0x2A30;
	s19 =	rddreg [dreg:$0xc];
	[sflag:s25] =	ssyncadd.s32 $0xFFFFFE70  }
0x3a: {  	[tilespmem:s13], [sflag:$0x2] =	stream.linear.gather [hbm4b:s19+s6], $0x190, $0x38;
	[tilespmem:$0x1FEF0] =	vst v63  }
0x3b: {  	_ =	swait.ge [sflag:s26], $0x190  }
0x3c: {  	[sflag:s26] =	ssyncset.done $0x0  }
0x3d: {  	s22 =	simm.s32 $0x2D50;
	s20 =	rddreg [dreg:$0xd];
	[sflag:s26] =	ssyncadd.s32 $0xFFFFFE70  }
0x3e: {  	[tilespmem:s22], [sflag:$0x3] =	stream.strided.gather [hbm4b:s20+s28], $0x640, s29, s28, $0x38;
	[tilespmem:$0x1FEF0] =	vst v63  }
0x3f: {  	_ =	swait.ge [sflag:s31], $0x640  }
0x40: {  	[sflag:s31] =	ssyncset.done $0x0  }
0x41: {  	s19 =	simm.s32 $0x0;
	[sflag:s31] =	ssyncadd.s32 $0xFFFFF9C0  }
.LBB2_2:
0x42: {  	v40 =	vld [tilespmem:s9+$0x0]  }
0x43: {  	v41 =	vld [tilespmem:s13+$0x0];
	_ =	sdelay $0x5  }
0x44: {  	s20 =	smul.u32 $0xCD, s19  }
0x45: {  	v40 =	vld.idx.msk [tilespmem:v40+s6+$0x0], $0xffff  }
0x46: {  	s20 =	sshrl.u32 s20, $0xA;
	v42 =	vld.idx.msk [tilespmem:v41+s6+$0x0], $0xffff  }
0x47: {  	s20 =	sand.u32 $0x3F, s20  }
0x48: {  	s22 =	smul.u32 $0x5, s20  }
0x49: {  	p0 =	sne.s32 s19, $0x18;
	s20 =	smul.u32 $0x140, s20  }
.Ltmp0:
0x4a: {  	s22 =	ssub.s32 s19, s22;
	(pc) =	sbr.rel @p0 .LBB2_2-.Ltmp0, $4  }
0x4b: {  	s22 =	sand.u32 $0xFF, s22;
	v40 =	vand.u32 v40, v42  }
0x4c: {  	s20 =	sshrl.u32 s20, $0x2;
	s22 =	sshll.u32 s22, $0x4;
	vm0 =	vgt.s32 v40, $0x0  }
0x4d: {  	s20 =	sadd.s32 s22, s20;
	v40 =	vnsel vm0, $0x27D8, v41  }
0x4e: {  	s9 =	sadd.s32 $0x10, s9;
	s13 =	sadd.s32 $0x10, s13;
	s19 =	sadd.s32 $0x1, s19;
	[tilespmem:s20+$0x43D0] =	vst v40  }
0x4f: {  	s19 =	simm.s32 $0x1  }
.LBB2_4:
0x50: {  	s9 =	sadd.s32 $0xFFFFFFFF, s19;
	s13 =	smin.u32 s19, $0x18  }
0x51: {  	s20 =	sand.u32 $0x1, s9;
	s12 =	smul.u32 $0x190, s13  }
0x52: {  	s22 =	sxor.u32 $0x1, s20  }
0x53: {  	s13 =	smul.u32 $0x190, s22;
	s9 =	sadd.s32 s10, s12  }
0x54: {  	s9 =	sshrl.u32 s9, $0x3  }
0x55: {  	s12 =	sadd.s32 $0x2710, s13;
	s18 =	sadd.s32 s7, s9  }
0x56: {  	[tilespmem:s12], [sflag:$0x1] =	stream.linear.gather [hbm4b:s18+s6], $0x190, $0x38;
	[tilespmem:$0x1FEF0] =	vst v63  }
0x57: {  	s22 =	smul.u32 $0x1900, s22;
	s12 =	sadd.s32 $0x2A30, s13;
	s18 =	sadd.s32 $0x9C40, s18  }
0x58: {  	[tilespmem:s12], [sflag:$0x2] =	stream.linear.gather [hbm4b:s18+s6], $0x190, $0x38;
	[tilespmem:$0x1FEF0] =	vst v63  }
0x59: {  	s18 =	sshrl.u32 s22, $0x2  }
0x5a: {  	s22 =	sadd.s32 s2, s9;
	s9 =	smul.u32 $0x190, s20;
	s12 =	sadd.s32 $0x2D50, s18  }
0x5b: {  	[tilespmem:s12], [sflag:$0x3] =	stream.strided.gather [hbm4b:s22+s28], $0x640, s29, s28, $0x38;
	[tilespmem:$0x1FEF0] =	vst v63  }
0x5c: {  	s20 =	smul.u32 $0x1900, s20;
	s22 =	sadd.s32 $0x2710, s9  }
0x5d: {  	[tilespmem:s3], [sflag:$0x4] =	stream.indirect.gather [hbm4b:s1+s0], $0x80, s22, s0, $0xb8;
	[tilespmem:$0x1FEF0] =	vst v63  }
0x5e: {  	s18 =	sadd.s32 $0x2760, s9;
	s20 =	sshrl.u32 s20, $0x2  }
0x5f: {  	[tilespmem:s30], [sflag:$0x5] =	stream.indirect.gather [hbm4b:s1+s0], $0x80, s18, s0, $0xb8;
	[tilespmem:$0x1FEF0] =	vst v63  }
0x60: {  	v40 =	vld [tilespmem:s20+$0x2D50];
	_ =	sdelay $0x4  }
0x61: {  	[tilespmem:v0+s23+$0x0] =	vst.idx.msk $0xffff, v40  }
0x62: {  	v40 =	vld [tilespmem:s20+$0x2D60];
	_ =	sdelay $0x4  }
0x63: {  	[tilespmem:v1+s23+$0x0] =	vst.idx.msk $0xffff, v40  }
0x64: {  	v40 =	vld [tilespmem:s20+$0x2D70];
	_ =	sdelay $0x4  }
0x65: {  	[tilespmem:v2+s23+$0x0] =	vst.idx.msk $0xffff, v40  }
0x66: {  	v40 =	vld [tilespmem:s20+$0x2D80];
	_ =	sdelay $0x4  }
0x67: {  	[tilespmem:v3+s23+$0x0] =	vst.idx.msk $0xffff, v40  }
0x68: {  	v40 =	vld [tilespmem:s20+$0x2D90];
	_ =	sdelay $0x4  }
0x69: {  	[tilespmem:v4+s23+$0x0] =	vst.idx.msk $0xffff, v40  }
0x6a: {  	v40 =	vld [tilespmem:s20+$0x2EE0];
	_ =	sdelay $0x4  }
0x6b: {  	[tilespmem:v5+s23+$0x0] =	vst.idx.msk $0xffff, v40  }
0x6c: {  	v40 =	vld [tilespmem:s20+$0x2EF0];
	_ =	sdelay $0x4  }
0x6d: {  	[tilespmem:v6+s23+$0x0] =	vst.idx.msk $0xffff, v40  }
0x6e: {  	v40 =	vld [tilespmem:s20+$0x2F00];
	_ =	sdelay $0x4  }
0x6f: {  	[tilespmem:v7+s23+$0x0] =	vst.idx.msk $0xffff, v40  }
0x70: {  	v40 =	vld [tilespmem:s20+$0x2F10];
	_ =	sdelay $0x4  }
0x71: {  	[tilespmem:v8+s23+$0x0] =	vst.idx.msk $0xffff, v40  }
0x72: {  	v40 =	vld [tilespmem:s20+$0x2F20];
	_ =	sdelay $0x4  }
0x73: {  	[tilespmem:v9+s23+$0x0] =	vst.idx.msk $0xffff, v40  }
0x74: {  	v40 =	vld [tilespmem:s20+$0x3070];
	_ =	sdelay $0x4  }
0x75: {  	[tilespmem:v10+s23+$0x0] =	vst.idx.msk $0xffff, v40  }
0x76: {  	v40 =	vld [tilespmem:s20+$0x3080];
	_ =	sdelay $0x4  }
0x77: {  	[tilespmem:v11+s23+$0x0] =	vst.idx.msk $0xffff, v40  }
0x78: {  	v40 =	vld [tilespmem:s20+$0x3090];
	_ =	sdelay $0x4  }
0x79: {  	[tilespmem:v12+s23+$0x0] =	vst.idx.msk $0xffff, v40  }
0x7a: {  	v40 =	vld [tilespmem:s20+$0x30A0];
	_ =	sdelay $0x4  }
0x7b: {  	[tilespmem:v13+s23+$0x0] =	vst.idx.msk $0xffff, v40  }
0x7c: {  	v40 =	vld [tilespmem:s20+$0x30B0];
	_ =	sdelay $0x4  }
0x7d: {  	[tilespmem:v14+s23+$0x0] =	vst.idx.msk $0xffff, v40  }
0x7e: {  	v40 =	vld [tilespmem:s20+$0x3200];
	_ =	sdelay $0x4  }
0x7f: {  	[tilespmem:v15+s23+$0x0] =	vst.idx.msk $0xffff, v40  }
0x80: {  	v40 =	vld [tilespmem:s20+$0x3210];
	_ =	sdelay $0x4  }
0x81: {  	[tilespmem:v16+s23+$0x0] =	vst.idx.msk $0xffff, v40  }
0x82: {  	v40 =	vld [tilespmem:s20+$0x3220];
	_ =	sdelay $0x4  }
0x83: {  	[tilespmem:v17+s23+$0x0] =	vst.idx.msk $0xffff, v40  }
0x84: {  	v40 =	vld [tilespmem:s20+$0x3230];
	_ =	sdelay $0x4  }
0x85: {  	[tilespmem:v18+s23+$0x0] =	vst.idx.msk $0xffff, v40  }
0x86: {  	v40 =	vld [tilespmem:s20+$0x3240];
	_ =	sdelay $0x4  }
0x87: {  	[tilespmem:v19+s23+$0x0] =	vst.idx.msk $0xffff, v40  }
0x88: {  	_ =	swait.ge [sflag:s8], $0x2800  }
0x89: {  	[sflag:s8] =	ssyncset.done $0x0  }
0x8a: {  	s22 =	sadd.s32 $0x43D0, s9;
	[sflag:s8] =	ssyncadd.s32 $0xFFFFD800  }
0x8b: {  	[spmem:s4] =	stream.indirect.scatter.add.f32 [tilespmem:s3], [sflag:$0x6], $0x80, s22, s0, $0xb8;
	[tilespmem:$0x1FEF0] =	vst v63  }
0x8c: {  	_ = 	snop  }
0x8d: {  	[spmem:s5] =	stream.indirect.scatter.add.f32 [tilespmem:s23], [sflag:$0x8], $0x10, s22, s0, $0xb8;
	[tilespmem:$0x1FEF0] =	vst v63  }
0x8e: {  	_ =	swait.ge [sflag:s11], $0x2800  }
0x8f: {  	[sflag:s11] =	ssyncset.done $0x0  }
0x90: {  	[sflag:s11] =	ssyncadd.s32 $0xFFFFD800  }
0x91: {  	_ =	swait.ge [sflag:s14], $0x500  }
0x92: {  	[sflag:s14] =	ssyncset.done $0x0  }
0x93: {  	s18 =	sadd.s32 $0x27B0, s9;
	[sflag:s14] =	ssyncadd.s32 $0xFFFFFB00  }
0x94: {  	[tilespmem:s3], [sflag:$0x4] =	stream.indirect.gather [hbm4b:s1+s0], $0x80, s18, s0, $0xb8;
	[tilespmem:$0x1FEF0] =	vst v63  }
0x95: {  	v56 =	vld [tilespmem:s20+$0x2DA0];
	_ =	sdelay $0x4  }
0x96: {  	[tilespmem:v20+s23+$0x0] =	vst.idx.msk $0xffff, v56  }
0x97: {  	v40 =	vld [tilespmem:s20+$0x2DB0];
	_ =	sdelay $0x4  }
0x98: {  	[tilespmem:v21+s23+$0x0] =	vst.idx.msk $0xffff, v40  }
0x99: {  	v40 =	vld [tilespmem:s20+$0x2DC0];
	_ =	sdelay $0x4  }
0x9a: {  	[tilespmem:v22+s23+$0x0] =	vst.idx.msk $0xffff, v40  }
0x9b: {  	v40 =	vld [tilespmem:s20+$0x2DD0];
	_ =	sdelay $0x4  }
0x9c: {  	[tilespmem:v23+s23+$0x0] =	vst.idx.msk $0xffff, v40  }
0x9d: {  	v40 =	vld [tilespmem:s20+$0x2DE0];
	_ =	sdelay $0x4  }
0x9e: {  	[tilespmem:v24+s23+$0x0] =	vst.idx.msk $0xffff, v40  }
0x9f: {  	v40 =	vld [tilespmem:s20+$0x2F30];
	_ =	sdelay $0x4  }
0xa0: {  	[tilespmem:v25+s23+$0x0] =	vst.idx.msk $0xffff, v40  }
0xa1: {  	v40 =	vld [tilespmem:s20+$0x2F40];
	_ =	sdelay $0x4  }
0xa2: {  	[tilespmem:v26+s23+$0x0] =	vst.idx.msk $0xffff, v40  }
0xa3: {  	v40 =	vld [tilespmem:s20+$0x2F50];
	_ =	sdelay $0x4  }
0xa4: {  	[tilespmem:v27+s23+$0x0] =	vst.idx.msk $0xffff, v40  }
0xa5: {  	v40 =	vld [tilespmem:s20+$0x2F60];
	_ =	sdelay $0x4  }
0xa6: {  	[tilespmem:v28+s23+$0x0] =	vst.idx.msk $0xffff, v40  }
0xa7: {  	v40 =	vld [tilespmem:s20+$0x2F70];
	_ =	sdelay $0x4  }
0xa8: {  	[tilespmem:v29+s23+$0x0] =	vst.idx.msk $0xffff, v40  }
0xa9: {  	v40 =	vld [tilespmem:s20+$0x30C0];
	_ =	sdelay $0x4  }
0xaa: {  	[tilespmem:v30+s23+$0x0] =	vst.idx.msk $0xffff, v40  }
0xab: {  	v40 =	vld [tilespmem:s20+$0x30D0];
	_ =	sdelay $0x4  }
0xac: {  	[tilespmem:v31+s23+$0x0] =	vst.idx.msk $0xffff, v40  }
0xad: {  	v40 =	vld [tilespmem:s20+$0x30E0];
	_ =	sdelay $0x4  }
0xae: {  	[tilespmem:v32+s23+$0x0] =	vst.idx.msk $0xffff, v40  }
0xaf: {  	v40 =	vld [tilespmem:s20+$0x30F0];
	_ =	sdelay $0x4  }
0xb0: {  	[tilespmem:v33+s23+$0x0] =	vst.idx.msk $0xffff, v40  }
0xb1: {  	v40 =	vld [tilespmem:s20+$0x3100];
	_ =	sdelay $0x4  }
0xb2: {  	[tilespmem:v34+s23+$0x0] =	vst.idx.msk $0xffff, v40  }
0xb3: {  	v40 =	vld [tilespmem:s20+$0x3250];
	_ =	sdelay $0x4  }
0xb4: {  	[tilespmem:v35+s23+$0x0] =	vst.idx.msk $0xffff, v40  }
0xb5: {  	v40 =	vld [tilespmem:s20+$0x3260];
	_ =	sdelay $0x4  }
0xb6: {  	[tilespmem:v36+s23+$0x0] =	vst.idx.msk $0xffff, v40  }
0xb7: {  	v40 =	vld [tilespmem:s20+$0x3270];
	_ =	sdelay $0x4  }
0xb8: {  	[tilespmem:v37+s23+$0x0] =	vst.idx.msk $0xffff, v40  }
0xb9: {  	v40 =	vld [tilespmem:s20+$0x3280];
	_ =	sdelay $0x4  }
0xba: {  	[tilespmem:v38+s23+$0x0] =	vst.idx.msk $0xffff, v40  }
0xbb: {  	v40 =	vld [tilespmem:s20+$0x3290];
	_ =	sdelay $0x4  }
0xbc: {  	[tilespmem:v39+s23+$0x0] =	vst.idx.msk $0xffff, v40  }
0xbd: {  	_ =	swait.ge [sflag:s15], $0x2800  }
0xbe: {  	[sflag:s15] =	ssyncset.done $0x0  }
0xbf: {  	s22 =	sadd.s32 $0x4420, s9;
	[sflag:s15] =	ssyncadd.s32 $0xFFFFD800  }
0xc0: {  	[spmem:s4] =	stream.indirect.scatter.add.f32 [tilespmem:s30], [sflag:$0x7], $0x80, s22, s0, $0xb8;
	[tilespmem:$0x1FEF0] =	vst v63  }
0xc1: {  	_ = 	snop  }
0xc2: {  	[spmem:s5] =	stream.indirect.scatter.add.f32 [tilespmem:s24], [sflag:$0x9], $0x10, s22, s0, $0xb8;
	[tilespmem:$0x1FEF0] =	vst v63  }
0xc3: {  	_ =	swait.ge [sflag:s25], $0x190  }
0xc4: {  	[sflag:s25] =	ssyncset.done $0x0  }
0xc5: {  	[sflag:s25] =	ssyncadd.s32 $0xFFFFFE70  }
0xc6: {  	_ =	swait.ge [sflag:s26], $0x190  }
0xc7: {  	[sflag:s26] =	ssyncset.done $0x0  }
0xc8: {  	[sflag:s26] =	ssyncadd.s32 $0xFFFFFE70  }
0xc9: {  	_ =	swait.ge [sflag:s31], $0x640  }
0xca: {  	[sflag:s31] =	ssyncset.done $0x0  }
0xcb: {  	[sflag:s31] =	ssyncadd.s32 $0xFFFFF9C0  }
0xcc: {  	_ =	swait.ge [sflag:s16], $0x2800  }
0xcd: {  	[sflag:s16] =	ssyncset.done $0x0  }
0xce: {  	[sflag:s16] =	ssyncadd.s32 $0xFFFFD800  }
0xcf: {  	_ =	swait.ge [sflag:s17], $0x500  }
0xd0: {  	[sflag:s17] =	ssyncset.done $0x0  }
0xd1: {  	s18 =	sor.u32 $0x2800, s9;
	[sflag:s17] =	ssyncadd.s32 $0xFFFFFB00  }
0xd2: {  	[tilespmem:s30], [sflag:$0x5] =	stream.indirect.gather [hbm4b:s1+s0], $0x80, s18, s0, $0xb8;
	[tilespmem:$0x1FEF0] =	vst v63  }
0xd3: {  	v57 =	vld [tilespmem:s20+$0x2DF0];
	_ =	sdelay $0x4  }
0xd4: {  	[tilespmem:v0+s23+$0x0] =	vst.idx.msk $0xffff, v57  }
0xd5: {  	v40 =	vld [tilespmem:s20+$0x2E00];
	_ =	sdelay $0x4  }
0xd6: {  	[tilespmem:v1+s23+$0x0] =	vst.idx.msk $0xffff, v40  }
0xd7: {  	v40 =	vld [tilespmem:s20+$0x2E10];
	_ =	sdelay $0x4  }
0xd8: {  	[tilespmem:v2+s23+$0x0] =	vst.idx.msk $0xffff, v40  }
0xd9: {  	v40 =	vld [tilespmem:s20+$0x2E20];
	_ =	sdelay $0x4  }
0xda: {  	[tilespmem:v3+s23+$0x0] =	vst.idx.msk $0xffff, v40  }
0xdb: {  	v40 =	vld [tilespmem:s20+$0x2E30];
	_ =	sdelay $0x4  }
0xdc: {  	[tilespmem:v4+s23+$0x0] =	vst.idx.msk $0xffff, v40  }
0xdd: {  	v40 =	vld [tilespmem:s20+$0x2F80];
	_ =	sdelay $0x4  }
0xde: {  	[tilespmem:v5+s23+$0x0] =	vst.idx.msk $0xffff, v40  }
0xdf: {  	v40 =	vld [tilespmem:s20+$0x2F90];
	_ =	sdelay $0x4  }
0xe0: {  	[tilespmem:v6+s23+$0x0] =	vst.idx.msk $0xffff, v40  }
0xe1: {  	v40 =	vld [tilespmem:s20+$0x2FA0];
	_ =	sdelay $0x4  }
0xe2: {  	[tilespmem:v7+s23+$0x0] =	vst.idx.msk $0xffff, v40  }
0xe3: {  	v40 =	vld [tilespmem:s20+$0x2FB0];
	_ =	sdelay $0x4  }
0xe4: {  	[tilespmem:v8+s23+$0x0] =	vst.idx.msk $0xffff, v40  }
0xe5: {  	v40 =	vld [tilespmem:s20+$0x2FC0];
	_ =	sdelay $0x4  }
0xe6: {  	[tilespmem:v9+s23+$0x0] =	vst.idx.msk $0xffff, v40  }
0xe7: {  	v40 =	vld [tilespmem:s20+$0x3110];
	_ =	sdelay $0x4  }
0xe8: {  	[tilespmem:v10+s23+$0x0] =	vst.idx.msk $0xffff, v40  }
0xe9: {  	v40 =	vld [tilespmem:s20+$0x3120];
	_ =	sdelay $0x4  }
0xea: {  	[tilespmem:v11+s23+$0x0] =	vst.idx.msk $0xffff, v40  }
0xeb: {  	v40 =	vld [tilespmem:s20+$0x3130];
	_ =	sdelay $0x4  }
0xec: {  	[tilespmem:v12+s23+$0x0] =	vst.idx.msk $0xffff, v40  }
0xed: {  	v40 =	vld [tilespmem:s20+$0x3140];
	_ =	sdelay $0x4  }
0xee: {  	[tilespmem:v13+s23+$0x0] =	vst.idx.msk $0xffff, v40  }
0xef: {  	v40 =	vld [tilespmem:s20+$0x3150];
	_ =	sdelay $0x4  }
0xf0: {  	[tilespmem:v14+s23+$0x0] =	vst.idx.msk $0xffff, v40  }
0xf1: {  	v40 =	vld [tilespmem:s20+$0x32A0];
	_ =	sdelay $0x4  }
0xf2: {  	[tilespmem:v15+s23+$0x0] =	vst.idx.msk $0xffff, v40  }
0xf3: {  	v40 =	vld [tilespmem:s20+$0x32B0];
	_ =	sdelay $0x4  }
0xf4: {  	[tilespmem:v16+s23+$0x0] =	vst.idx.msk $0xffff, v40  }
0xf5: {  	v40 =	vld [tilespmem:s20+$0x32C0];
	_ =	sdelay $0x4  }
0xf6: {  	[tilespmem:v17+s23+$0x0] =	vst.idx.msk $0xffff, v40  }
0xf7: {  	v40 =	vld [tilespmem:s20+$0x32D0];
	_ =	sdelay $0x4  }
0xf8: {  	[tilespmem:v18+s23+$0x0] =	vst.idx.msk $0xffff, v40  }
0xf9: {  	v40 =	vld [tilespmem:s20+$0x32E0];
	_ =	sdelay $0x4  }
0xfa: {  	[tilespmem:v19+s23+$0x0] =	vst.idx.msk $0xffff, v40  }
0xfb: {  	_ =	swait.ge [sflag:s8], $0x2800  }
0xfc: {  	[sflag:s8] =	ssyncset.done $0x0  }
0xfd: {  	s22 =	sadd.s32 $0x4470, s9;
	[sflag:s8] =	ssyncadd.s32 $0xFFFFD800  }
0xfe: {  	[spmem:s4] =	stream.indirect.scatter.add.f32 [tilespmem:s3], [sflag:$0x6], $0x80, s22, s0, $0xb8;
	[tilespmem:$0x1FEF0] =	vst v63  }
0xff: {  	_ = 	snop  }
0x100: {  	[spmem:s5] =	stream.indirect.scatter.add.f32 [tilespmem:s23], [sflag:$0x8], $0x10, s22, s0, $0xb8;
	[tilespmem:$0x1FEF0] =	vst v63  }
0x101: {  	v58 =	vld [tilespmem:s13+$0x2710]  }
0x102: {  	v41 =	vld [tilespmem:s13+$0x2A30];
	_ =	sdelay $0x6  }
0x103: {  	v40 =	vld.idx.msk [tilespmem:v58+s6+$0x0], $0xffff  }
0x104: {  	v42 =	vld.idx.msk [tilespmem:v41+s6+$0x0], $0xffff  }
0x105: {  	v43 =	vld [tilespmem:s13+$0x2720]  }
0x106: {  	v44 =	vld [tilespmem:s13+$0x2A40];
	_ =	sdelay $0x2  }
0x107: {  	v40 =	vand.u32 v40, v42  }
0x108: {  	vm0 =	vgt.s32 v40, $0x0  }
0x109: {  	v40 =	vnsel vm0, $0x27D8, v41  }
0x10a: {  	[tilespmem:s13+$0x43D0] =	vst v40  }
0x10b: {  	v40 =	vld.idx.msk [tilespmem:v43+s6+$0x0], $0xffff  }
0x10c: {  	v59 =	vld.idx.msk [tilespmem:v44+s6+$0x0], $0xffff  }
0x10d: {  	v60 =	vld [tilespmem:s13+$0x2730]  }
0x10e: {  	v61 =	vld [tilespmem:s13+$0x2A50];
	_ =	sdelay $0x2  }
0x10f: {  	v40 =	vand.u32 v40, v59  }
0x110: {  	vm4 =	vgt.s32 v40, $0x0  }
0x111: {  	v40 =	vnsel vm4, $0x27D8, v44  }
0x112: {  	[tilespmem:s13+$0x43E0] =	vst v40  }
0x113: {  	v40 =	vld.idx.msk [tilespmem:v60+s6+$0x0], $0xffff  }
0x114: {  	v62 =	vld.idx.msk [tilespmem:v61+s6+$0x0], $0xffff  }
0x115: {  	v63 =	vld [tilespmem:s13+$0x2740]  }
0x116: {  	v48 =	vld [tilespmem:s13+$0x2A60];
	_ =	sdelay $0x2  }
0x117: {  	v40 =	vand.u32 v40, v62  }
0x118: {  	vm5 =	vgt.s32 v40, $0x0  }
0x119: {  	v40 =	vnsel vm5, $0x27D8, v61  }
0x11a: {  	[tilespmem:s13+$0x43F0] =	vst v40  }
0x11b: {  	v40 =	vld.idx.msk [tilespmem:v63+s6+$0x0], $0xffff  }
0x11c: {  	v49 =	vld.idx.msk [tilespmem:v48+s6+$0x0], $0xffff  }
0x11d: {  	v50 =	vld [tilespmem:s13+$0x2750]  }
0x11e: {  	v51 =	vld [tilespmem:s13+$0x2A70];
	_ =	sdelay $0x2  }
0x11f: {  	v40 =	vand.u32 v40, v49  }
0x120: {  	vm6 =	vgt.s32 v40, $0x0  }
0x121: {  	v40 =	vnsel vm6, $0x27D8, v48  }
0x122: {  	[tilespmem:s13+$0x4400] =	vst v40  }
0x123: {  	v40 =	vld.idx.msk [tilespmem:v50+s6+$0x0], $0xffff  }
0x124: {  	v52 =	vld.idx.msk [tilespmem:v51+s6+$0x0], $0xffff  }
0x125: {  	v53 =	vld [tilespmem:s13+$0x2760]  }
0x126: {  	v54 =	vld [tilespmem:s13+$0x2A80];
	_ =	sdelay $0x2  }
0x127: {  	v40 =	vand.u32 v40, v52  }
0x128: {  	vm7 =	vgt.s32 v40, $0x0  }
0x129: {  	v40 =	vnsel vm7, $0x27D8, v51  }
0x12a: {  	[tilespmem:s13+$0x4410] =	vst v40  }
0x12b: {  	v40 =	vld.idx.msk [tilespmem:v53+s6+$0x0], $0xffff  }
0x12c: {  	v55 =	vld.idx.msk [tilespmem:v54+s6+$0x0], $0xffff  }
0x12d: {  	v56 =	vld [tilespmem:s13+$0x2770]  }
0x12e: {  	v57 =	vld [tilespmem:s13+$0x2A90];
	_ =	sdelay $0x2  }
0x12f: {  	v40 =	vand.u32 v40, v55  }
0x130: {  	vm8 =	vgt.s32 v40, $0x0  }
0x131: {  	v40 =	vnsel vm8, $0x27D8, v54  }
0x132: {  	[tilespmem:s13+$0x4420] =	vst v40  }
0x133: {  	v40 =	vld.idx.msk [tilespmem:v56+s6+$0x0], $0xffff  }
0x134: {  	v58 =	vld.idx.msk [tilespmem:v57+s6+$0x0], $0xffff  }
0x135: {  	v59 =	vld [tilespmem:s13+$0x2780]  }
0x136: {  	v60 =	vld [tilespmem:s13+$0x2AA0];
	_ =	sdelay $0x2  }
0x137: {  	v40 =	vand.u32 v40, v58  }
0x138: {  	vm9 =	vgt.s32 v40, $0x0  }
0x139: {  	v40 =	vnsel vm9, $0x27D8, v57  }
0x13a: {  	[tilespmem:s13+$0x4430] =	vst v40  }
0x13b: {  	v40 =	vld.idx.msk [tilespmem:v59+s6+$0x0], $0xffff  }
0x13c: {  	v61 =	vld.idx.msk [tilespmem:v60+s6+$0x0], $0xffff  }
0x13d: {  	v62 =	vld [tilespmem:s13+$0x2790]  }
0x13e: {  	v63 =	vld [tilespmem:s13+$0x2AB0];
	_ =	sdelay $0x2  }
0x13f: {  	v40 =	vand.u32 v40, v61  }
0x140: {  	vm10 =	vgt.s32 v40, $0x0  }
0x141: {  	v40 =	vnsel vm10, $0x27D8, v60  }
0x142: {  	[tilespmem:s13+$0x4440] =	vst v40  }
0x143: {  	v40 =	vld.idx.msk [tilespmem:v62+s6+$0x0], $0xffff  }
0x144: {  	v45 =	vld.idx.msk [tilespmem:v63+s6+$0x0], $0xffff;
	_ =	sdelay $0x4  }
0x145: {  	v40 =	vand.u32 v40, v45  }
0x146: {  	vm11 =	vgt.s32 v40, $0x0  }
0x147: {  	v40 =	vnsel vm11, $0x27D8, v63  }
0x148: {  	[tilespmem:s13+$0x4450] =	vst v40  }
0x149: {  	_ =	swait.ge [sflag:s11], $0x2800  }
0x14a: {  	[sflag:s11] =	ssyncset.done $0x0  }
0x14b: {  	[sflag:s11] =	ssyncadd.s32 $0xFFFFD800  }
0x14c: {  	_ =	swait.ge [sflag:s14], $0x500  }
0x14d: {  	[sflag:s14] =	ssyncset.done $0x0  }
0x14e: {  	s18 =	sadd.s32 $0x2850, s9;
	[sflag:s14] =	ssyncadd.s32 $0xFFFFFB00  }
0x14f: {  	[tilespmem:s3], [sflag:$0x4] =	stream.indirect.gather [hbm4b:s1+s0], $0x80, s18, s0, $0xb8;
	[tilespmem:$0x1FEF0] =	vst v63  }
0x150: {  	v46 =	vld [tilespmem:s20+$0x2E40];
	_ =	sdelay $0x4  }
0x151: {  	[tilespmem:v20+s23+$0x0] =	vst.idx.msk $0xffff, v46  }
0x152: {  	v40 =	vld [tilespmem:s20+$0x2E50];
	_ =	sdelay $0x4  }
0x153: {  	[tilespmem:v21+s23+$0x0] =	vst.idx.msk $0xffff, v40  }
0x154: {  	v40 =	vld [tilespmem:s20+$0x2E60];
	_ =	sdelay $0x4  }
0x155: {  	[tilespmem:v22+s23+$0x0] =	vst.idx.msk $0xffff, v40  }
0x156: {  	v40 =	vld [tilespmem:s20+$0x2E70];
	_ =	sdelay $0x4  }
0x157: {  	[tilespmem:v23+s23+$0x0] =	vst.idx.msk $0xffff, v40  }
0x158: {  	v40 =	vld [tilespmem:s20+$0x2E80];
	_ =	sdelay $0x4  }
0x159: {  	[tilespmem:v24+s23+$0x0] =	vst.idx.msk $0xffff, v40  }
0x15a: {  	v40 =	vld [tilespmem:s20+$0x2FD0];
	_ =	sdelay $0x4  }
0x15b: {  	[tilespmem:v25+s23+$0x0] =	vst.idx.msk $0xffff, v40  }
0x15c: {  	v40 =	vld [tilespmem:s20+$0x2FE0];
	_ =	sdelay $0x4  }
0x15d: {  	[tilespmem:v26+s23+$0x0] =	vst.idx.msk $0xffff, v40  }
0x15e: {  	v40 =	vld [tilespmem:s20+$0x2FF0];
	_ =	sdelay $0x4  }
0x15f: {  	[tilespmem:v27+s23+$0x0] =	vst.idx.msk $0xffff, v40  }
0x160: {  	v40 =	vld [tilespmem:s20+$0x3000];
	_ =	sdelay $0x4  }
0x161: {  	[tilespmem:v28+s23+$0x0] =	vst.idx.msk $0xffff, v40  }
0x162: {  	v40 =	vld [tilespmem:s20+$0x3010];
	_ =	sdelay $0x4  }
0x163: {  	[tilespmem:v29+s23+$0x0] =	vst.idx.msk $0xffff, v40  }
0x164: {  	v40 =	vld [tilespmem:s20+$0x3160];
	_ =	sdelay $0x4  }
0x165: {  	[tilespmem:v30+s23+$0x0] =	vst.idx.msk $0xffff, v40  }
0x166: {  	v40 =	vld [tilespmem:s20+$0x3170];
	_ =	sdelay $0x4  }
0x167: {  	[tilespmem:v31+s23+$0x0] =	vst.idx.msk $0xffff, v40  }
0x168: {  	v40 =	vld [tilespmem:s20+$0x3180];
	_ =	sdelay $0x4  }
0x169: {  	[tilespmem:v32+s23+$0x0] =	vst.idx.msk $0xffff, v40  }
0x16a: {  	v40 =	vld [tilespmem:s20+$0x3190];
	_ =	sdelay $0x4  }
0x16b: {  	[tilespmem:v33+s23+$0x0] =	vst.idx.msk $0xffff, v40  }
0x16c: {  	v40 =	vld [tilespmem:s20+$0x31A0];
	_ =	sdelay $0x4  }
0x16d: {  	[tilespmem:v34+s23+$0x0] =	vst.idx.msk $0xffff, v40  }
0x16e: {  	v40 =	vld [tilespmem:s20+$0x32F0];
	_ =	sdelay $0x4  }
0x16f: {  	[tilespmem:v35+s23+$0x0] =	vst.idx.msk $0xffff, v40  }
0x170: {  	v40 =	vld [tilespmem:s20+$0x3300];
	_ =	sdelay $0x4  }
0x171: {  	[tilespmem:v36+s23+$0x0] =	vst.idx.msk $0xffff, v40  }
0x172: {  	v40 =	vld [tilespmem:s20+$0x3310];
	_ =	sdelay $0x4  }
0x173: {  	[tilespmem:v37+s23+$0x0] =	vst.idx.msk $0xffff, v40  }
0x174: {  	v40 =	vld [tilespmem:s20+$0x3320];
	_ =	sdelay $0x4  }
0x175: {  	[tilespmem:v38+s23+$0x0] =	vst.idx.msk $0xffff, v40  }
0x176: {  	v40 =	vld [tilespmem:s20+$0x3330];
	_ =	sdelay $0x4  }
0x177: {  	[tilespmem:v39+s23+$0x0] =	vst.idx.msk $0xffff, v40  }
0x178: {  	_ =	swait.ge [sflag:s15], $0x2800  }
0x179: {  	[sflag:s15] =	ssyncset.done $0x0  }
0x17a: {  	s22 =	sadd.s32 $0x44C0, s9;
	[sflag:s15] =	ssyncadd.s32 $0xFFFFD800  }
0x17b: {  	[spmem:s4] =	stream.indirect.scatter.add.f32 [tilespmem:s30], [sflag:$0x7], $0x80, s22, s0, $0xb8;
	[tilespmem:$0x1FEF0] =	vst v63  }
0x17c: {  	_ = 	snop  }
0x17d: {  	[spmem:s5] =	stream.indirect.scatter.add.f32 [tilespmem:s24], [sflag:$0x9], $0x10, s22, s0, $0xb8;
	[tilespmem:$0x1FEF0] =	vst v63  }
0x17e: {  	v47 =	vld [tilespmem:s13+$0x27A0]  }
0x17f: {  	v48 =	vld [tilespmem:s13+$0x2AC0];
	_ =	sdelay $0x6  }
0x180: {  	v40 =	vld.idx.msk [tilespmem:v47+s6+$0x0], $0xffff  }
0x181: {  	v49 =	vld.idx.msk [tilespmem:v48+s6+$0x0], $0xffff  }
0x182: {  	v50 =	vld [tilespmem:s13+$0x27B0]  }
0x183: {  	v51 =	vld [tilespmem:s13+$0x2AD0];
	_ =	sdelay $0x2  }
0x184: {  	v40 =	vand.u32 v40, v49  }
0x185: {  	vm12 =	vgt.s32 v40, $0x0  }
0x186: {  	v40 =	vnsel vm12, $0x27D8, v48  }
0x187: {  	[tilespmem:s13+$0x4460] =	vst v40  }
0x188: {  	v40 =	vld.idx.msk [tilespmem:v50+s6+$0x0], $0xffff  }
0x189: {  	v52 =	vld.idx.msk [tilespmem:v51+s6+$0x0], $0xffff  }
0x18a: {  	v53 =	vld [tilespmem:s13+$0x27C0]  }
0x18b: {  	v54 =	vld [tilespmem:s13+$0x2AE0];
	_ =	sdelay $0x2  }
0x18c: {  	v40 =	vand.u32 v40, v52  }
0x18d: {  	vm13 =	vgt.s32 v40, $0x0  }
0x18e: {  	v40 =	vnsel vm13, $0x27D8, v51  }
0x18f: {  	[tilespmem:s13+$0x4470] =	vst v40  }
0x190: {  	v40 =	vld.idx.msk [tilespmem:v53+s6+$0x0], $0xffff  }
0x191: {  	v55 =	vld.idx.msk [tilespmem:v54+s6+$0x0], $0xffff  }
0x192: {  	v56 =	vld [tilespmem:s13+$0x27D0]  }
0x193: {  	v57 =	vld [tilespmem:s13+$0x2AF0];
	_ =	sdelay $0x2  }
0x194: {  	v40 =	vand.u32 v40, v55  }
0x195: {  	vm14 =	vgt.s32 v40, $0x0  }
0x196: {  	v40 =	vnsel vm14, $0x27D8, v54  }
0x197: {  	[tilespmem:s13+$0x4480] =	vst v40  }
0x198: {  	v40 =	vld.idx.msk [tilespmem:v56+s6+$0x0], $0xffff  }
0x199: {  	v58 =	vld.idx.msk [tilespmem:v57+s6+$0x0], $0xffff  }
0x19a: {  	v59 =	vld [tilespmem:s13+$0x27E0]  }
0x19b: {  	v60 =	vld [tilespmem:s13+$0x2B00];
	_ =	sdelay $0x2  }
0x19c: {  	v40 =	vand.u32 v40, v58  }
0x19d: {  	vm15 =	vgt.s32 v40, $0x0  }
0x19e: {  	v40 =	vnsel vm15, $0x27D8, v57  }
0x19f: {  	[tilespmem:s13+$0x4490] =	vst v40  }
0x1a0: {  	v40 =	vld.idx.msk [tilespmem:v59+s6+$0x0], $0xffff  }
0x1a1: {  	v61 =	vld.idx.msk [tilespmem:v60+s6+$0x0], $0xffff  }
0x1a2: {  	v62 =	vld [tilespmem:s13+$0x27F0]  }
0x1a3: {  	v63 =	vld [tilespmem:s13+$0x2B10];
	_ =	sdelay $0x2  }
0x1a4: {  	v40 =	vand.u32 v40, v61  }
0x1a5: {  	vm4 =	vgt.s32 v40, $0x0  }
0x1a6: {  	v40 =	vnsel vm4, $0x27D8, v60  }
0x1a7: {  	[tilespmem:s13+$0x44A0] =	vst v40  }
0x1a8: {  	v40 =	vld.idx.msk [tilespmem:v62+s6+$0x0], $0xffff  }
0x1a9: {  	v48 =	vld.idx.msk [tilespmem:v63+s6+$0x0], $0xffff  }
0x1aa: {  	v49 =	vld [tilespmem:s13+$0x2800]  }
0x1ab: {  	v50 =	vld [tilespmem:s13+$0x2B20];
	_ =	sdelay $0x2  }
0x1ac: {  	v40 =	vand.u32 v40, v48  }
0x1ad: {  	vm5 =	vgt.s32 v40, $0x0  }
0x1ae: {  	v40 =	vnsel vm5, $0x27D8, v63  }
0x1af: {  	[tilespmem:s13+$0x44B0] =	vst v40  }
0x1b0: {  	v40 =	vld.idx.msk [tilespmem:v49+s6+$0x0], $0xffff  }
0x1b1: {  	v51 =	vld.idx.msk [tilespmem:v50+s6+$0x0], $0xffff  }
0x1b2: {  	v52 =	vld [tilespmem:s13+$0x2810]  }
0x1b3: {  	v53 =	vld [tilespmem:s13+$0x2B30];
	_ =	sdelay $0x2  }
0x1b4: {  	v40 =	vand.u32 v40, v51  }
0x1b5: {  	vm6 =	vgt.s32 v40, $0x0  }
0x1b6: {  	v40 =	vnsel vm6, $0x27D8, v50  }
0x1b7: {  	[tilespmem:s13+$0x44C0] =	vst v40  }
0x1b8: {  	v40 =	vld.idx.msk [tilespmem:v52+s6+$0x0], $0xffff  }
0x1b9: {  	v54 =	vld.idx.msk [tilespmem:v53+s6+$0x0], $0xffff  }
0x1ba: {  	v55 =	vld [tilespmem:s13+$0x2820]  }
0x1bb: {  	v56 =	vld [tilespmem:s13+$0x2B40];
	_ =	sdelay $0x2  }
0x1bc: {  	v40 =	vand.u32 v40, v54  }
0x1bd: {  	vm7 =	vgt.s32 v40, $0x0  }
0x1be: {  	v40 =	vnsel vm7, $0x27D8, v53  }
0x1bf: {  	[tilespmem:s13+$0x44D0] =	vst v40  }
0x1c0: {  	v40 =	vld.idx.msk [tilespmem:v55+s6+$0x0], $0xffff  }
0x1c1: {  	v57 =	vld.idx.msk [tilespmem:v56+s6+$0x0], $0xffff;
	_ =	sdelay $0x4  }
0x1c2: {  	v40 =	vand.u32 v40, v57  }
0x1c3: {  	vm8 =	vgt.s32 v40, $0x0  }
0x1c4: {  	v40 =	vnsel vm8, $0x27D8, v56  }
0x1c5: {  	[tilespmem:s13+$0x44E0] =	vst v40  }
0x1c6: {  	_ =	swait.ge [sflag:s16], $0x2800  }
0x1c7: {  	[sflag:s16] =	ssyncset.done $0x0  }
0x1c8: {  	[sflag:s16] =	ssyncadd.s32 $0xFFFFD800  }
0x1c9: {  	_ =	swait.ge [sflag:s17], $0x500  }
0x1ca: {  	[sflag:s17] =	ssyncset.done $0x0  }
0x1cb: {  	[sflag:s17] =	ssyncadd.s32 $0xFFFFFB00  }
0x1cc: {  	v58 =	vld [tilespmem:s20+$0x2E90];
	_ =	sdelay $0x4  }
0x1cd: {  	[tilespmem:v0+s23+$0x0] =	vst.idx.msk $0xffff, v58  }
0x1ce: {  	v40 =	vld [tilespmem:s20+$0x2EA0];
	_ =	sdelay $0x4  }
0x1cf: {  	[tilespmem:v1+s23+$0x0] =	vst.idx.msk $0xffff, v40  }
0x1d0: {  	v40 =	vld [tilespmem:s20+$0x2EB0];
	_ =	sdelay $0x4  }
0x1d1: {  	[tilespmem:v2+s23+$0x0] =	vst.idx.msk $0xffff, v40  }
0x1d2: {  	v40 =	vld [tilespmem:s20+$0x2EC0];
	_ =	sdelay $0x4  }
0x1d3: {  	[tilespmem:v3+s23+$0x0] =	vst.idx.msk $0xffff, v40  }
0x1d4: {  	v40 =	vld [tilespmem:s20+$0x2ED0];
	_ =	sdelay $0x4  }
0x1d5: {  	[tilespmem:v4+s23+$0x0] =	vst.idx.msk $0xffff, v40  }
0x1d6: {  	v40 =	vld [tilespmem:s20+$0x3020];
	_ =	sdelay $0x4  }
0x1d7: {  	[tilespmem:v5+s23+$0x0] =	vst.idx.msk $0xffff, v40  }
0x1d8: {  	v40 =	vld [tilespmem:s20+$0x3030];
	_ =	sdelay $0x4  }
0x1d9: {  	[tilespmem:v6+s23+$0x0] =	vst.idx.msk $0xffff, v40  }
0x1da: {  	v40 =	vld [tilespmem:s20+$0x3040];
	_ =	sdelay $0x4  }
0x1db: {  	[tilespmem:v7+s23+$0x0] =	vst.idx.msk $0xffff, v40  }
0x1dc: {  	v40 =	vld [tilespmem:s20+$0x3050];
	_ =	sdelay $0x4  }
0x1dd: {  	[tilespmem:v8+s23+$0x0] =	vst.idx.msk $0xffff, v40  }
0x1de: {  	v40 =	vld [tilespmem:s20+$0x3060];
	_ =	sdelay $0x4  }
0x1df: {  	[tilespmem:v9+s23+$0x0] =	vst.idx.msk $0xffff, v40  }
0x1e0: {  	v40 =	vld [tilespmem:s20+$0x31B0];
	_ =	sdelay $0x4  }
0x1e1: {  	[tilespmem:v10+s23+$0x0] =	vst.idx.msk $0xffff, v40  }
0x1e2: {  	v40 =	vld [tilespmem:s20+$0x31C0];
	_ =	sdelay $0x4  }
0x1e3: {  	[tilespmem:v11+s23+$0x0] =	vst.idx.msk $0xffff, v40  }
0x1e4: {  	v40 =	vld [tilespmem:s20+$0x31D0];
	_ =	sdelay $0x4  }
0x1e5: {  	[tilespmem:v12+s23+$0x0] =	vst.idx.msk $0xffff, v40  }
0x1e6: {  	v40 =	vld [tilespmem:s20+$0x31E0];
	_ =	sdelay $0x4  }
0x1e7: {  	[tilespmem:v13+s23+$0x0] =	vst.idx.msk $0xffff, v40  }
0x1e8: {  	v40 =	vld [tilespmem:s20+$0x31F0];
	_ =	sdelay $0x4  }
0x1e9: {  	[tilespmem:v14+s23+$0x0] =	vst.idx.msk $0xffff, v40  }
0x1ea: {  	v40 =	vld [tilespmem:s20+$0x3340];
	_ =	sdelay $0x4  }
0x1eb: {  	[tilespmem:v15+s23+$0x0] =	vst.idx.msk $0xffff, v40  }
0x1ec: {  	v40 =	vld [tilespmem:s20+$0x3350];
	_ =	sdelay $0x4  }
0x1ed: {  	[tilespmem:v16+s23+$0x0] =	vst.idx.msk $0xffff, v40  }
0x1ee: {  	v40 =	vld [tilespmem:s20+$0x3360];
	_ =	sdelay $0x4  }
0x1ef: {  	[tilespmem:v17+s23+$0x0] =	vst.idx.msk $0xffff, v40  }
0x1f0: {  	v40 =	vld [tilespmem:s20+$0x3370];
	_ =	sdelay $0x4  }
0x1f1: {  	[tilespmem:v18+s23+$0x0] =	vst.idx.msk $0xffff, v40  }
0x1f2: {  	v40 =	vld [tilespmem:s20+$0x3380];
	_ =	sdelay $0x4  }
0x1f3: {  	[tilespmem:v19+s23+$0x0] =	vst.idx.msk $0xffff, v40  }
0x1f4: {  	_ =	swait.ge [sflag:s8], $0x2800  }
0x1f5: {  	[sflag:s8] =	ssyncset.done $0x0  }
0x1f6: {  	s9 =	sadd.s32 $0x4510, s9;
	[sflag:s8] =	ssyncadd.s32 $0xFFFFD800  }
0x1f7: {  	[spmem:s4] =	stream.indirect.scatter.add.f32 [tilespmem:s3], [sflag:$0x6], $0x80, s9, s0, $0xb8;
	[tilespmem:$0x1FEF0] =	vst v63  }
0x1f8: {  	_ = 	snop  }
0x1f9: {  	[spmem:s5] =	stream.indirect.scatter.add.f32 [tilespmem:s23], [sflag:$0x8], $0x10, s9, s0, $0xb8;
	[tilespmem:$0x1FEF0] =	vst v63  }
0x1fa: {  	v59 =	vld [tilespmem:s13+$0x2830]  }
0x1fb: {  	v60 =	vld [tilespmem:s13+$0x2B50];
	_ =	sdelay $0x6  }
0x1fc: {  	v40 =	vld.idx.msk [tilespmem:v59+s6+$0x0], $0xffff  }
0x1fd: {  	v61 =	vld.idx.msk [tilespmem:v60+s6+$0x0], $0xffff  }
0x1fe: {  	v62 =	vld [tilespmem:s13+$0x2840]  }
0x1ff: {  	v63 =	vld [tilespmem:s13+$0x2B60];
	_ =	sdelay $0x2  }
0x200: {  	v40 =	vand.u32 v40, v61  }
0x201: {  	vm9 =	vgt.s32 v40, $0x0  }
0x202: {  	v40 =	vnsel vm9, $0x27D8, v60  }
0x203: {  	[tilespmem:s13+$0x44F0] =	vst v40  }
0x204: {  	v40 =	vld.idx.msk [tilespmem:v62+s6+$0x0], $0xffff  }
0x205: {  	v48 =	vld.idx.msk [tilespmem:v63+s6+$0x0], $0xffff  }
0x206: {  	v49 =	vld [tilespmem:s13+$0x2850]  }
0x207: {  	v50 =	vld [tilespmem:s13+$0x2B70];
	_ =	sdelay $0x2  }
0x208: {  	v40 =	vand.u32 v40, v48  }
0x209: {  	vm10 =	vgt.s32 v40, $0x0  }
0x20a: {  	v40 =	vnsel vm10, $0x27D8, v63  }
0x20b: {  	[tilespmem:s13+$0x4500] =	vst v40  }
0x20c: {  	v40 =	vld.idx.msk [tilespmem:v49+s6+$0x0], $0xffff  }
0x20d: {  	v51 =	vld.idx.msk [tilespmem:v50+s6+$0x0], $0xffff  }
0x20e: {  	v52 =	vld [tilespmem:s13+$0x2860]  }
0x20f: {  	v53 =	vld [tilespmem:s13+$0x2B80];
	_ =	sdelay $0x2  }
0x210: {  	v40 =	vand.u32 v40, v51  }
0x211: {  	vm11 =	vgt.s32 v40, $0x0  }
0x212: {  	v40 =	vnsel vm11, $0x27D8, v50  }
0x213: {  	[tilespmem:s13+$0x4510] =	vst v40  }
0x214: {  	v40 =	vld.idx.msk [tilespmem:v52+s6+$0x0], $0xffff  }
0x215: {  	v54 =	vld.idx.msk [tilespmem:v53+s6+$0x0], $0xffff  }
0x216: {  	v55 =	vld [tilespmem:s13+$0x2870]  }
0x217: {  	v56 =	vld [tilespmem:s13+$0x2B90];
	_ =	sdelay $0x2  }
0x218: {  	v40 =	vand.u32 v40, v54  }
0x219: {  	vm12 =	vgt.s32 v40, $0x0  }
0x21a: {  	v40 =	vnsel vm12, $0x27D8, v53  }
0x21b: {  	[tilespmem:s13+$0x4520] =	vst v40  }
0x21c: {  	v40 =	vld.idx.msk [tilespmem:v55+s6+$0x0], $0xffff  }
0x21d: {  	v57 =	vld.idx.msk [tilespmem:v56+s6+$0x0], $0xffff  }
0x21e: {  	v58 =	vld [tilespmem:s13+$0x2880]  }
0x21f: {  	v59 =	vld [tilespmem:s13+$0x2BA0];
	_ =	sdelay $0x2  }
0x220: {  	v40 =	vand.u32 v40, v57  }
0x221: {  	vm13 =	vgt.s32 v40, $0x0  }
0x222: {  	v40 =	vnsel vm13, $0x27D8, v56  }
0x223: {  	[tilespmem:s13+$0x4530] =	vst v40  }
0x224: {  	v40 =	vld.idx.msk [tilespmem:v58+s6+$0x0], $0xffff  }
0x225: {  	v60 =	vld.idx.msk [tilespmem:v59+s6+$0x0], $0xffff  }
0x226: {  	v61 =	vld [tilespmem:s13+$0x2890]  }
0x227: {  	v62 =	vld [tilespmem:s13+$0x2BB0];
	_ =	sdelay $0x2  }
0x228: {  	v40 =	vand.u32 v40, v60  }
0x229: {  	vm14 =	vgt.s32 v40, $0x0  }
0x22a: {  	v40 =	vnsel vm14, $0x27D8, v59  }
0x22b: {  	[tilespmem:s13+$0x4540] =	vst v40  }
0x22c: {  	v40 =	vld.idx.msk [tilespmem:v61+s6+$0x0], $0xffff  }
0x22d: {  	v63 =	vld.idx.msk [tilespmem:v62+s6+$0x0], $0xffff;
	_ =	sdelay $0x4  }
0x22e: {  	v40 =	vand.u32 v40, v63  }
0x22f: {  	vm15 =	vgt.s32 v40, $0x0  }
0x230: {  	v40 =	vnsel vm15, $0x27D8, v62  }
0x231: {  	[tilespmem:s13+$0x4550] =	vst v40  }
0x232: {  	p0 =	sne.s32 s19, $0x19;
	_ =	swait.ge [sflag:s11], $0x2800  }
.Ltmp1:
0x233: {  	[sflag:s11] =	ssyncset.done $0x0;
	(pc) =	sbr.rel @p0 .LBB2_4-.Ltmp1, $4  }
0x234: {  	[sflag:s11] =	ssyncadd.s32 $0xFFFFD800  }
0x235: {  	_ =	swait.ge [sflag:s14], $0x500  }
0x236: {  	[sflag:s14] =	ssyncset.done $0x0  }
0x237: {  	s19 =	sadd.s32 $0x1, s19;
	[sflag:s14] =	ssyncadd.s32 $0xFFFFFB00  }
0x238: {  	[bflag:$0x0] =	sbarrier.arrive $0xFFFF  }
0x239: {  	s12 =	rddreg [dreg:$0x9]  }
0x23a: {  	s9 =	rddreg [dreg:$0xe]  }
0x23b: {  	s13 =	rddreg [dreg:$0x11]  }
0x23c: {  	[hbm:s9], [sflag:s12] =	dma.local [spmem:s13], $0x2800  }
0x23d: {  	_ =	swait.ge [sflag:s21], $0x2800  }
0x23e: {  	[sflag:s21] =	ssyncset.done $0x0;
	s20 =	rddreg [dreg:$0xf]  }
0x23f: {  	s18 =	rddreg [dreg:$0x12];
	[sflag:s21] =	ssyncadd.s32 $0xFFFFD800  }
0x240: {  	[hbm:s20], [sflag:s12] =	dma.local [spmem:s18], $0x500  }
0x241: {  	_ =	swait.ge [sflag:s21], $0x500  }
0x242: {  	s19 =	rddreg [dreg:$0x13]  }
0x243: {  	s22 =	rddreg [dreg:$0x10];
	s19 =	sadd.s32 $0x1, s19  }
0x244: {  	p0 =	sne.s32 s19, s22  }
.Ltmp2:
0x245: {  	_ = 	snop;
	(pc) =	sbr.rel @p0 .LBB2_1-.Ltmp2, $3  }
0x246: {  	_ =	sdelay $0x1  }
0x247: {  	[sflag:s21] =	ssyncset.done $0x0  }
0x248: {  	[sflag:s21] =	ssyncadd.s32 $0xFFFFFB00  }
0x249: {  	_ =	sfence.sel $0x180000  }
0x24a: {  	[bflag:$0x0] =	sbarrier.arrive $0xFFFF  }
0x24b: {  	_ =	strace $0x90000047  }
0x24c: {  	s0 =	stileid.u32;
	[bflag:$0x2] =	sbarrier.arrive $0xFFFF  }
0x24d: {  	p0 =	sne.s32 s0, $0x0;
	s0 =	rddreg [dreg:$0x5]  }
0x24e: {  	s0 =	sadd.s32 @!p0 $0x100000, s0  }
0x24f: {  	[sflag:s0] =	ssyncadd.tile.s32 @!p0 $0x1;
	_ =	shalt  }
.Lfunc_end2:
_tile_overlayer_lowered:
.L_overlay_start_2:
0x250: {  	(tag) =	ssettag $0x2  }
0x251: {  	s0 =	rddreg [dreg:$0x0];
	s2 =	stileid.u32  }
0x252: {  	s1 =	rddreg [dreg:$0x1];
	p0 =	sne.s32 s2, $0x0  }
0x253: {  	s3 =	rddreg [dreg:$0x2];
	[bflag:$0x3] =	sbarrier.arrive $0xFFFF;
	s2 =	simm.s32 @!p0 $0x1C0A  }
0x254: {  	[timem:s3], [sflag:s2] =	dma.local @!p0 [hbm:s0], s1  }
0x255: {  	s0 =	simm.s32 @!p0 $0xA  }
0x256: {  	_ =	swait.ge @!p0 [sflag:s0], s1  }
0x257: {  	s1 =	ssub.s32 @!p0 $0x0, s1;
	[sflag:s0] =	ssyncset.done @!p0 $0x0  }
0x258: {  	[sflag:s0] =	ssyncadd.s32 @!p0 s1  }
0x259: {  	[bflag:$0x3] =	sbarrier.arrive $0xFFFF  }
0x25a: {  	_ =	shalt  }

</sc_bundles>
